<compile_context>
chip_gen: v7x
topology: tpu7x:2x2x1
jax: 0.10.2.dev20260603
libtpu: 0.0.44.dev20260713+nightly
codegen_flags: <defaults>
</compile_context>

<pallas_src>
import functools

import jax
import jax.numpy as jnp
from jax import lax
from jax.experimental import pallas as pl
from jax.experimental.pallas import tpu as pltpu
from jax.experimental.pallas import tpu_sc as plsc

N = 10000
E = 320000
D = 128
C = 64

NC = 2
NS = 16
NW = NC * NS

K = 128
CHUNKS = 80
CPP = 40
PER_TILE = CHUNKS * K
E_PAD = PER_TILE * NW

ACC_ROWS = 10240
ZR = 128
WB = ACC_ROWS // NS



def _mm_body(x_ref, wt_ref, o_ref):
    o_ref[...] = jnp.dot(x_ref[...], wt_ref[...],
                         preferred_element_type=jnp.float32)


def _tc_matmul(x, wt):
    n, _ = x.shape
    f_out = wt.shape[1]
    return pl.pallas_call(
        _mm_body,
        out_shape=jax.ShapeDtypeStruct((n, f_out), jnp.float32),
    )(x, wt)


def _combine_mm_body(a_ref, y_ref, p_ref, b_ref, wt_ref, o_ref):
    a = a_ref[0, 0]
    h = a * y_ref[...] + p_ref[:N, :] + p_ref[ACC_ROWS:ACC_ROWS + N, :] + b_ref[...]
    h = jnp.maximum(h, 0.0)
    o_ref[...] = jnp.dot(h, wt_ref[...], preferred_element_type=jnp.float32)


def _tc_combine_matmul(a, y, p, b, wt):
    f_in = y.shape[1]
    f_out = wt.shape[1]
    return pl.pallas_call(
        _combine_mm_body,
        in_specs=[
            pl.BlockSpec(memory_space=pltpu.SMEM),
            pl.BlockSpec(memory_space=pltpu.VMEM),
            pl.BlockSpec(memory_space=pltpu.VMEM),
            pl.BlockSpec(memory_space=pltpu.VMEM),
            pl.BlockSpec(memory_space=pltpu.VMEM),
        ],
        out_shape=jax.ShapeDtypeStruct((N, f_out), jnp.float32),
    )(jnp.reshape(a, (1, 1)), y, p, jnp.reshape(b, (1, f_in)), wt)


def _combine_relu_body(a_ref, y_ref, p_ref, b_ref, o_ref):
    a = a_ref[0, 0]
    h = a * y_ref[...] + p_ref[:N, :] + p_ref[ACC_ROWS:ACC_ROWS + N, :] + b_ref[...]
    o_ref[...] = jnp.maximum(h, 0.0)


def _tc_combine_relu(a, y, p, b):
    f = y.shape[1]
    return pl.pallas_call(
        _combine_relu_body,
        in_specs=[
            pl.BlockSpec(memory_space=pltpu.SMEM),
            pl.BlockSpec(memory_space=pltpu.VMEM),
            pl.BlockSpec(memory_space=pltpu.VMEM),
            pl.BlockSpec(memory_space=pltpu.VMEM),
        ],
        out_shape=jax.ShapeDtypeStruct((N, f), jnp.float32),
    )(jnp.reshape(a, (1, 1)), y, p, jnp.reshape(b, (1, f)))


def _final_mm_body(a_ref, h_ref, p_ref, wt_ref, b_ref, o_ref):
    a = a_ref[0, 0]
    g = a * h_ref[...] + p_ref[:N, :] + p_ref[ACC_ROWS:ACC_ROWS + N, :]
    o_ref[...] = jnp.dot(g, wt_ref[...],
                         preferred_element_type=jnp.float32) + b_ref[...]


def _tc_final_mm(a, h, p, wt, b):
    f_out = wt.shape[1]
    return pl.pallas_call(
        _final_mm_body,
        in_specs=[
            pl.BlockSpec(memory_space=pltpu.SMEM),
            pl.BlockSpec(memory_space=pltpu.VMEM),
            pl.BlockSpec(memory_space=pltpu.VMEM),
            pl.BlockSpec(memory_space=pltpu.VMEM),
            pl.BlockSpec(memory_space=pltpu.VMEM),
        ],
        out_shape=jax.ShapeDtypeStruct((N, f_out), jnp.float32),
    )(jnp.reshape(a, (1, 1)), h, p, wt, jnp.reshape(b, (1, f_out)))



def _spmm_sc(y, src, dst, f):
    mesh = plsc.VectorSubcoreMesh(core_axis_name="c", subcore_axis_name="s")

    @functools.partial(
        pl.kernel,
        mesh=mesh,
        out_type=jax.ShapeDtypeStruct((2 * ACC_ROWS, f), jnp.float32),
        scratch_types=[
            pltpu.VMEM_SHARED((ACC_ROWS, f), jnp.float32),
            pltpu.VMEM((CPP, K), jnp.int32),
            pltpu.VMEM((CPP, K), jnp.int32),
            pltpu.VMEM((K, f), jnp.float32),
            pltpu.VMEM((K, f), jnp.float32),
            pltpu.SemaphoreType.DMA,
            pltpu.SemaphoreType.DMA,
            pltpu.SemaphoreType.DMA,
        ],
    )
    def k(y_hbm, src_hbm, dst_hbm, out_hbm, acc, srcall, dstall,
          rows0, rows1, gsem0, gsem1, zsem):
        c = lax.axis_index("c")
        s = lax.axis_index("s")
        w = c * NS + s

        lanes = f // 16

        def zb(i, carry):
            r = i // lanes
            col = (i % lanes) * 16
            rows0[r, pl.ds(col, 16)] = jnp.zeros((16,), jnp.float32)
            return carry

        lax.fori_loop(0, K * lanes, zb, 0)

        zcopies = [
            pltpu.async_copy(
                rows0, acc.at[pl.ds(s * (ACC_ROWS // NS) + i * K, K)], zsem)
            for i in range(ACC_ROWS // NS // K)
        ]
        for zc in zcopies:
            zc.wait()
        plsc.subcore_barrier()

        def gather(t, buf, sem):
            return pltpu.async_copy(y_hbm.at[srcall.at[t]], buf, sem)

        def wait_gather(buf, sem):
            pltpu.make_async_copy(y_hbm.at[srcall.at[0]], buf, sem).wait()

        def scatter(t, buf):
            pltpu.sync_copy(buf, acc.at[dstall.at[t]], add=True)

        for p in range(CHUNKS // CPP):
            pltpu.sync_copy(src_hbm.at[w, pl.ds(p * CPP, CPP)], srcall)
            pltpu.sync_copy(dst_hbm.at[w, pl.ds(p * CPP, CPP)], dstall)
            gather(0, rows0, gsem0)
            gather(1, rows1, gsem1)

            def step(u, carry):
                t0 = 2 * u
                wait_gather(rows0, gsem0)
                scatter(t0, rows0)
                gather(t0 + 2, rows0, gsem0)
                wait_gather(rows1, gsem1)
                scatter(t0 + 1, rows1)
                gather(t0 + 3, rows1, gsem1)
                return carry

            lax.fori_loop(0, CPP // 2 - 1, step, 0)
            wait_gather(rows0, gsem0)
            scatter(CPP - 2, rows0)
            wait_gather(rows1, gsem1)
            scatter(CPP - 1, rows1)
        plsc.subcore_barrier()

        pltpu.sync_copy(acc.at[pl.ds(s * WB, WB)],
                        out_hbm.at[pl.ds(c * ACC_ROWS + s * WB, WB)])

    return k(y, src, dst)



def kernel(x, edge_index, eps, W0, b0, W1, b1, W2, b2):
    dst = edge_index[0].astype(jnp.int32)
    src = edge_index[1].astype(jnp.int32)
    pad = E_PAD - E
    r = jnp.arange(pad, dtype=jnp.int32)
    src_p = jnp.reshape(jnp.concatenate([src, r % N]), (NW, CHUNKS, K))
    dst_p = jnp.reshape(jnp.concatenate([dst, N + r % (ACC_ROWS - N)]),
                        (NW, CHUNKS, K))
    a = 1.0 + eps

    y0 = _tc_matmul(x, W0.T)
    s0 = _spmm_sc(y0, src_p, dst_p, D)
    y1 = _tc_combine_matmul(a[0], y0, s0, b0, W1.T)
    s1 = _spmm_sc(y1, src_p, dst_p, D)
    h2 = _tc_combine_relu(a[1], y1, s1, b1)
    s2 = _spmm_sc(h2, src_p, dst_p, D)
    z = _tc_final_mm(a[2], h2, s2, W2.T, b2)
    return z

# --- scband reference (transcript-rebuilt; emitter-appended) ---
"""Pipeline reference for scband-gin-2997887172897 (READ-ONLY COPY).

The authoritative reference and input builder live on the scoring server;
editing this copy changes nothing except your own understanding.
"""

import jax, jax.numpy as jnp
import numpy as np

N, E, D, H, C = 10000, 320000, 128, 128, 64

def setup_inputs(seed: int = 0) -> dict:
    key = jax.random.key(seed)
    ks = jax.random.split(key, 10)
    x = jax.random.normal(ks[0], (N, D), dtype=jnp.float32)
    edge_index = jax.random.randint(ks[1], (2, E), 0, N).astype(jnp.int64)
    eps = jnp.zeros((3,), dtype=jnp.float32)
    # mlp_layers=1 -> each MLP is a single Linear layer
    W0 = jax.random.normal(ks[2], (H, D), dtype=jnp.float32) * (1.0 / np.sqrt(D))
    b0 = jnp.zeros((H,), dtype=jnp.float32)
    W1 = jax.random.normal(ks[3], (H, H), dtype=jnp.float32) * (1.0 / np.sqrt(H))
    b1 = jnp.zeros((H,), dtype=jnp.float32)
    W2 = jax.random.normal(ks[4], (C, H), dtype=jnp.float32) * (1.0 / np.sqrt(H))
    b2 = jnp.zeros((C,), dtype=jnp.float32)
    return {"x": x, "edge_index": edge_index, "eps": eps,
            "W0": W0, "b0": b0, "W1": W1, "b1": b1, "W2": W2, "b2": b2}

def reference(x, edge_index, eps, W0, b0, W1, b1, W2, b2):
    dst = edge_index[0]
    src = edge_index[1]
    def spmm(h):
        # adj @ h where adj[dst, src] = 1 for each edge
        return jax.ops.segment_sum(h[src], dst, num_segments=N)
    h = x
    # layer 0
    h = (1.0 + eps[0]) * h + spmm(h)
    h = h @ W0.T + b0
    h = jnp.maximum(h, 0.0)
    # layer 1
    h = (1.0 + eps[1]) * h + spmm(h)
    h = h @ W1.T + b1
    h = jnp.maximum(h, 0.0)
    # final layer (no relu)
    z = (1.0 + eps[2]) * h + spmm(h)
    z = z @ W2.T + b2
    # z.squeeze(1) is a no-op since C=64 != 1
    return z

if __name__ == "__main__":
    import jax
    _d = setup_inputs()
    print(jax.jit(kernel)(*tuple(_d.values())))

</pallas_src>

<mosaic_0001>
#map = affine_map<(d0, d1) -> (0, 0)>
#map1 = affine_map<(d0, d1) -> (0, 0, 0)>
module attributes {stable_mosaic.version = 14 : i64} {
  func.func @k(%arg0: i32, %arg1: i32, %arg2: memref<10000x128xf32, #tpu.memory_space<hbm>>, %arg3: memref<32x80x128xi32, #tpu.memory_space<hbm>>, %arg4: memref<32x80x128xi32, #tpu.memory_space<hbm>>, %arg5: memref<20480x128xf32, #tpu.memory_space<hbm>>, %arg6: memref<10240x128xf32, #tpu.memory_space<vmem_shared>>, %arg7: memref<40x128xi32, #tpu.memory_space<vmem>>, %arg8: memref<40x128xi32, #tpu.memory_space<vmem>>, %arg9: memref<128x128xf32, #tpu.memory_space<vmem>>, %arg10: memref<128x128xf32, #tpu.memory_space<vmem>>, %arg11: memref<!tpu.dma_semaphore, #tpu.memory_space<semaphore_mem>>, %arg12: memref<!tpu.dma_semaphore, #tpu.memory_space<semaphore_mem>>, %arg13: memref<!tpu.dma_semaphore, #tpu.memory_space<semaphore_mem>>) attributes {dimension_semantics = [#tpu.dimension_semantics<core_parallel>, #tpu.dimension_semantics<subcore_parallel>], iteration_bounds = array<i64: 2, 16>, scalar_prefetch = 0 : i64, scratch_operands = 8 : i64, tpu.core_type = #tpu.core_type<sc_vector_subcore>, window_params = [{transform_indices = #map}, {transform_indices = #map1}, {transform_indices = #map1}, {transform_indices = #map}]} {
    %mul3A = arith.constant 16 : i32
    %mul3A_0 = arith.muli %arg0, %mul3A : i32
    %add3A = arith.addi %mul3A_0, %arg1 : i32
    %scan3A = arith.constant 0 : i32
    %scan3A_1 = arith.constant 0 : i32
    %scan3A_2 = arith.constant 1024 : i32
    %scan3A_3 = arith.addi %scan3A_1, %scan3A_2 : i32
    %scan3A_4 = arith.constant 1 : i32
    scf.for %scan3A_143 = %scan3A_1 to %scan3A_3 step %scan3A_4  : i32 {
      %jit3A = arith.constant 8 : i32
      %div3A = arith.divsi %scan3A_143, %jit3A : i32
      %sign3A = arith.constant 0 : i32
      %sign3A_144 = arith.cmpi sgt, %scan3A_143, %sign3A : i32
      %sign3A_145 = arith.extui %sign3A_144 : i1 to i32
      %sign3A_146 = arith.constant 0 : i32
      %sign3A_147 = arith.cmpi slt, %scan3A_143, %sign3A_146 : i32
      %sign3A_148 = arith.extui %sign3A_147 : i1 to i32
      %sign3A_149 = arith.subi %sign3A_145, %sign3A_148 : i32
      %sign3A_150 = arith.constant 0 : i32
      %sign3A_151 = arith.cmpi sgt, %jit3A, %sign3A_150 : i32
      %sign3A_152 = arith.extui %sign3A_151 : i1 to i32
      %sign3A_153 = arith.constant 0 : i32
      %sign3A_154 = arith.cmpi slt, %jit3A, %sign3A_153 : i32
      %sign3A_155 = arith.extui %sign3A_154 : i1 to i32
      %sign3A_156 = arith.subi %sign3A_152, %sign3A_155 : i32
      %ne3A = arith.cmpi ne, %sign3A_149, %sign3A_156 : i32
      %rem3A = arith.remsi %scan3A_143, %jit3A : i32
      %ne3A_157 = arith.constant 0 : i32
      %ne3A_158 = arith.cmpi ne, %rem3A, %ne3A_157 : i32
      %and3A = arith.andi %ne3A, %ne3A_158 : i1
      %sub3A = arith.constant 1 : i32
      %sub3A_159 = arith.subi %div3A, %sub3A : i32
      %select_n3A = arith.select %and3A, %sub3A_159, %div3A : i32
      %jit3A_160 = arith.constant 8 : i32
      %eq3A = arith.constant 0 : i32
      %eq3A_161 = arith.cmpi eq, %jit3A_160, %eq3A : i32
      %jit3A_162 = arith.constant 1 : i32
      %select_n3A_163 = arith.select %eq3A_161, %jit3A_162, %jit3A_160 : i32
      %rem3A_164 = arith.remsi %scan3A_143, %select_n3A_163 : i32
      %ne3A_165 = arith.constant 0 : i32
      %ne3A_166 = arith.cmpi ne, %rem3A_164, %ne3A_165 : i32
      %lt3A = arith.constant 0 : i32
      %lt3A_167 = arith.cmpi slt, %rem3A_164, %lt3A : i32
      %lt3A_168 = arith.constant 0 : i32
      %lt3A_169 = arith.cmpi slt, %select_n3A_163, %lt3A_168 : i32
      %ne3A_170 = arith.xori %lt3A_167, %lt3A_169 : i1
      %and3A_171 = arith.andi %ne3A_170, %ne3A_166 : i1
      %add3A_172 = arith.addi %rem3A_164, %select_n3A_163 : i32
      %select_n3A_173 = arith.select %and3A_171, %add3A_172, %rem3A_164 : i32
      %mul3A_174 = arith.constant 16 : i32
      %mul3A_175 = arith.muli %select_n3A_173, %mul3A_174 : i32
      %broadcast_in_dim3A = arith.constant 0.000000e+00 : f32
      %broadcast_in_dim3A_176 = vector.broadcast %broadcast_in_dim3A : f32 to vector<16xf32>
      %swap3A = arith.index_cast %select_n3A : i32 to index
      %swap3A_177 = arith.index_cast %mul3A_175 : i32 to index
      %swap3A_178 = tpu.vector_load %arg9[%swap3A, %swap3A_177] {strides = array<i32>} : memref<128x128xf32, #tpu.memory_space<vmem>>, vector<1x16xf32>,
      %swap3A_179 = vector.shape_cast %swap3A_178 : vector<1x16xf32> to vector<16xf32>
      %swap3A_180 = vector.shape_cast %broadcast_in_dim3A_176 : vector<16xf32> to vector<1x16xf32>
      tpu.vector_store %arg9[%swap3A, %swap3A_177], %swap3A_180 {strides = array<i32>} : memref<128x128xf32, #tpu.memory_space<vmem>>, vector<1x16xf32>,
    }
    %scan3A_5 = arith.constant 1024 : i32
    %mul3A_6 = arith.constant 640 : i32
    %mul3A_7 = arith.muli %arg1, %mul3A_6 : i32
    %add3A_8 = arith.constant 0 : i32
    %add3A_9 = arith.addi %mul3A_7, %add3A_8 : i32
    %dma_start3A = arith.constant 0 : i32
    %dma_start3A_10 = tpu.memref_slice %arg6[%add3A_9, %dma_start3A] : memref<10240x128xf32, #tpu.memory_space<vmem_shared>> -> memref<128x128xf32, #tpu.memory_space<vmem_shared>>
    %dma_start3A_11 = arith.constant 0 : i32
    %dma_start3A_12 = tpu.memref_slice %arg6[%add3A_9, %dma_start3A_11] : memref<10240x128xf32, #tpu.memory_space<vmem_shared>> -> memref<128x128xf32, #tpu.memory_space<vmem_shared>>
    tpu.enqueue_dma source(%arg9 : memref<128x128xf32, #tpu.memory_space<vmem>>) target(%dma_start3A_12 : memref<128x128xf32, #tpu.memory_space<vmem_shared>>) target_semaphore(%arg13 : memref<!tpu.dma_semaphore, #tpu.memory_space<semaphore_mem>>)
    %mul3A_13 = arith.constant 640 : i32
    %mul3A_14 = arith.muli %arg1, %mul3A_13 : i32
    %add3A_15 = arith.constant 128 : i32
    %add3A_16 = arith.addi %mul3A_14, %add3A_15 : i32
    %dma_start3A_17 = arith.constant 0 : i32
    %dma_start3A_18 = tpu.memref_slice %arg6[%add3A_16, %dma_start3A_17] : memref<10240x128xf32, #tpu.memory_space<vmem_shared>> -> memref<128x128xf32, #tpu.memory_space<vmem_shared>>
    %dma_start3A_19 = arith.constant 0 : i32
    %dma_start3A_20 = tpu.memref_slice %arg6[%add3A_16, %dma_start3A_19] : memref<10240x128xf32, #tpu.memory_space<vmem_shared>> -> memref<128x128xf32, #tpu.memory_space<vmem_shared>>
    tpu.enqueue_dma source(%arg9 : memref<128x128xf32, #tpu.memory_space<vmem>>) target(%dma_start3A_20 : memref<128x128xf32, #tpu.memory_space<vmem_shared>>) target_semaphore(%arg13 : memref<!tpu.dma_semaphore, #tpu.memory_space<semaphore_mem>>)
    %mul3A_21 = arith.constant 640 : i32
    %mul3A_22 = arith.muli %arg1, %mul3A_21 : i32
    %add3A_23 = arith.constant 256 : i32
    %add3A_24 = arith.addi %mul3A_22, %add3A_23 : i32
    %dma_start3A_25 = arith.constant 0 : i32
    %dma_start3A_26 = tpu.memref_slice %arg6[%add3A_24, %dma_start3A_25] : memref<10240x128xf32, #tpu.memory_space<vmem_shared>> -> memref<128x128xf32, #tpu.memory_space<vmem_shared>>
    %dma_start3A_27 = arith.constant 0 : i32
    %dma_start3A_28 = tpu.memref_slice %arg6[%add3A_24, %dma_start3A_27] : memref<10240x128xf32, #tpu.memory_space<vmem_shared>> -> memref<128x128xf32, #tpu.memory_space<vmem_shared>>
    tpu.enqueue_dma source(%arg9 : memref<128x128xf32, #tpu.memory_space<vmem>>) target(%dma_start3A_28 : memref<128x128xf32, #tpu.memory_space<vmem_shared>>) target_semaphore(%arg13 : memref<!tpu.dma_semaphore, #tpu.memory_space<semaphore_mem>>)
    %mul3A_29 = arith.constant 640 : i32
    %mul3A_30 = arith.muli %arg1, %mul3A_29 : i32
    %add3A_31 = arith.constant 384 : i32
    %add3A_32 = arith.addi %mul3A_30, %add3A_31 : i32
    %dma_start3A_33 = arith.constant 0 : i32
    %dma_start3A_34 = tpu.memref_slice %arg6[%add3A_32, %dma_start3A_33] : memref<10240x128xf32, #tpu.memory_space<vmem_shared>> -> memref<128x128xf32, #tpu.memory_space<vmem_shared>>
    %dma_start3A_35 = arith.constant 0 : i32
    %dma_start3A_36 = tpu.memref_slice %arg6[%add3A_32, %dma_start3A_35] : memref<10240x128xf32, #tpu.memory_space<vmem_shared>> -> memref<128x128xf32, #tpu.memory_space<vmem_shared>>
    tpu.enqueue_dma source(%arg9 : memref<128x128xf32, #tpu.memory_space<vmem>>) target(%dma_start3A_36 : memref<128x128xf32, #tpu.memory_space<vmem_shared>>) target_semaphore(%arg13 : memref<!tpu.dma_semaphore, #tpu.memory_space<semaphore_mem>>)
    %mul3A_37 = arith.constant 640 : i32
    %mul3A_38 = arith.muli %arg1, %mul3A_37 : i32
    %add3A_39 = arith.constant 512 : i32
    %add3A_40 = arith.addi %mul3A_38, %add3A_39 : i32
    %dma_start3A_41 = arith.constant 0 : i32
    %dma_start3A_42 = tpu.memref_slice %arg6[%add3A_40, %dma_start3A_41] : memref<10240x128xf32, #tpu.memory_space<vmem_shared>> -> memref<128x128xf32, #tpu.memory_space<vmem_shared>>
    %dma_start3A_43 = arith.constant 0 : i32
    %dma_start3A_44 = tpu.memref_slice %arg6[%add3A_40, %dma_start3A_43] : memref<10240x128xf32, #tpu.memory_space<vmem_shared>> -> memref<128x128xf32, #tpu.memory_space<vmem_shared>>
    tpu.enqueue_dma source(%arg9 : memref<128x128xf32, #tpu.memory_space<vmem>>) target(%dma_start3A_44 : memref<128x128xf32, #tpu.memory_space<vmem_shared>>) target_semaphore(%arg13 : memref<!tpu.dma_semaphore, #tpu.memory_space<semaphore_mem>>)
    %dma_wait3A = arith.constant 0 : i32
    %dma_wait3A_45 = tpu.memref_slice %arg6[%add3A_9, %dma_wait3A] : memref<10240x128xf32, #tpu.memory_space<vmem_shared>> -> memref<128x128xf32, #tpu.memory_space<vmem_shared>>
    %dma_wait3A_46 = arith.constant 0 : i32
    %dma_wait3A_47 = tpu.memref_slice %arg6[%add3A_9, %dma_wait3A_46] : memref<10240x128xf32, #tpu.memory_space<vmem_shared>> -> memref<128x128xf32, #tpu.memory_space<vmem_shared>>
    tpu.wait_dma2 semaphore(%arg13 : memref<!tpu.dma_semaphore, #tpu.memory_space<semaphore_mem>>) src(%arg9 : memref<128x128xf32, #tpu.memory_space<vmem>>) dst(%dma_wait3A_47 : memref<128x128xf32, #tpu.memory_space<vmem_shared>>)
    %dma_wait3A_48 = arith.constant 0 : i32
    %dma_wait3A_49 = tpu.memref_slice %arg6[%add3A_16, %dma_wait3A_48] : memref<10240x128xf32, #tpu.memory_space<vmem_shared>> -> memref<128x128xf32, #tpu.memory_space<vmem_shared>>
    %dma_wait3A_50 = arith.constant 0 : i32
    %dma_wait3A_51 = tpu.memref_slice %arg6[%add3A_16, %dma_wait3A_50] : memref<10240x128xf32, #tpu.memory_space<vmem_shared>> -> memref<128x128xf32, #tpu.memory_space<vmem_shared>>
    tpu.wait_dma2 semaphore(%arg13 : memref<!tpu.dma_semaphore, #tpu.memory_space<semaphore_mem>>) src(%arg9 : memref<128x128xf32, #tpu.memory_space<vmem>>) dst(%dma_wait3A_51 : memref<128x128xf32, #tpu.memory_space<vmem_shared>>)
    %dma_wait3A_52 = arith.constant 0 : i32
    %dma_wait3A_53 = tpu.memref_slice %arg6[%add3A_24, %dma_wait3A_52] : memref<10240x128xf32, #tpu.memory_space<vmem_shared>> -> memref<128x128xf32, #tpu.memory_space<vmem_shared>>
    %dma_wait3A_54 = arith.constant 0 : i32
    %dma_wait3A_55 = tpu.memref_slice %arg6[%add3A_24, %dma_wait3A_54] : memref<10240x128xf32, #tpu.memory_space<vmem_shared>> -> memref<128x128xf32, #tpu.memory_space<vmem_shared>>
    tpu.wait_dma2 semaphore(%arg13 : memref<!tpu.dma_semaphore, #tpu.memory_space<semaphore_mem>>) src(%arg9 : memref<128x128xf32, #tpu.memory_space<vmem>>) dst(%dma_wait3A_55 : memref<128x128xf32, #tpu.memory_space<vmem_shared>>)
    %dma_wait3A_56 = arith.constant 0 : i32
    %dma_wait3A_57 = tpu.memref_slice %arg6[%add3A_32, %dma_wait3A_56] : memref<10240x128xf32, #tpu.memory_space<vmem_shared>> -> memref<128x128xf32, #tpu.memory_space<vmem_shared>>
    %dma_wait3A_58 = arith.constant 0 : i32
    %dma_wait3A_59 = tpu.memref_slice %arg6[%add3A_32, %dma_wait3A_58] : memref<10240x128xf32, #tpu.memory_space<vmem_shared>> -> memref<128x128xf32, #tpu.memory_space<vmem_shared>>
    tpu.wait_dma2 semaphore(%arg13 : memref<!tpu.dma_semaphore, #tpu.memory_space<semaphore_mem>>) src(%arg9 : memref<128x128xf32, #tpu.memory_space<vmem>>) dst(%dma_wait3A_59 : memref<128x128xf32, #tpu.memory_space<vmem_shared>>)
    %dma_wait3A_60 = arith.constant 0 : i32
    %dma_wait3A_61 = tpu.memref_slice %arg6[%add3A_40, %dma_wait3A_60] : memref<10240x128xf32, #tpu.memory_space<vmem_shared>> -> memref<128x128xf32, #tpu.memory_space<vmem_shared>>
    %dma_wait3A_62 = arith.constant 0 : i32
    %dma_wait3A_63 = tpu.memref_slice %arg6[%add3A_40, %dma_wait3A_62] : memref<10240x128xf32, #tpu.memory_space<vmem_shared>> -> memref<128x128xf32, #tpu.memory_space<vmem_shared>>
    tpu.wait_dma2 semaphore(%arg13 : memref<!tpu.dma_semaphore, #tpu.memory_space<semaphore_mem>>) src(%arg9 : memref<128x128xf32, #tpu.memory_space<vmem>>) dst(%dma_wait3A_63 : memref<128x128xf32, #tpu.memory_space<vmem_shared>>)
    %barrier3A = arith.constant 0 : index
    tpu.barrier barrier_id(%barrier3A)
    "tpu.region"() ({
      %run_scoped3A_143 = tpu.sem_alloc : memref<!tpu.dma_semaphore, #tpu.memory_space<semaphore_mem>>
      %dma_start3A_144 = arith.constant 0 : i32
      %dma_start3A_145 = arith.constant 0 : i32
      %dma_start3A_146 = tpu.memref_slice %arg3[%add3A, %dma_start3A_144, %dma_start3A_145] : memref<32x80x128xi32, #tpu.memory_space<hbm>> -> memref<1x40x128xi32, #tpu.memory_space<hbm>>
      %dma_start3A_147 = tpu.memref_squeeze %dma_start3A_146 : memref<1x40x128xi32, #tpu.memory_space<hbm>> -> memref<40x128xi32, #tpu.memory_space<hbm>>
      %dma_start3A_148 = arith.constant 0 : i32
      %dma_start3A_149 = arith.constant 0 : i32
      %dma_start3A_150 = tpu.memref_slice %arg3[%add3A, %dma_start3A_148, %dma_start3A_149] : memref<32x80x128xi32, #tpu.memory_space<hbm>> -> memref<1x40x128xi32, #tpu.memory_space<hbm>>
      %dma_start3A_151 = tpu.memref_squeeze %dma_start3A_150 : memref<1x40x128xi32, #tpu.memory_space<hbm>> -> memref<40x128xi32, #tpu.memory_space<hbm>>
      tpu.enqueue_dma source(%dma_start3A_151 : memref<40x128xi32, #tpu.memory_space<hbm>>) target(%arg7 : memref<40x128xi32, #tpu.memory_space<vmem>>) target_semaphore(%run_scoped3A_143 : memref<!tpu.dma_semaphore, #tpu.memory_space<semaphore_mem>>)
      %dma_wait3A_152 = arith.constant 0 : i32
      %dma_wait3A_153 = arith.constant 0 : i32
      %dma_wait3A_154 = tpu.memref_slice %arg3[%add3A, %dma_wait3A_152, %dma_wait3A_153] : memref<32x80x128xi32, #tpu.memory_space<hbm>> -> memref<1x40x128xi32, #tpu.memory_space<hbm>>
      %dma_wait3A_155 = tpu.memref_squeeze %dma_wait3A_154 : memref<1x40x128xi32, #tpu.memory_space<hbm>> -> memref<40x128xi32, #tpu.memory_space<hbm>>
      %dma_wait3A_156 = arith.constant 0 : i32
      %dma_wait3A_157 = arith.constant 0 : i32
      %dma_wait3A_158 = tpu.memref_slice %arg3[%add3A, %dma_wait3A_156, %dma_wait3A_157] : memref<32x80x128xi32, #tpu.memory_space<hbm>> -> memref<1x40x128xi32, #tpu.memory_space<hbm>>
      %dma_wait3A_159 = tpu.memref_squeeze %dma_wait3A_158 : memref<1x40x128xi32, #tpu.memory_space<hbm>> -> memref<40x128xi32, #tpu.memory_space<hbm>>
      tpu.wait_dma2 semaphore(%run_scoped3A_143 : memref<!tpu.dma_semaphore, #tpu.memory_space<semaphore_mem>>) src(%dma_wait3A_159 : memref<40x128xi32, #tpu.memory_space<hbm>>) dst(%arg7 : memref<40x128xi32, #tpu.memory_space<vmem>>)
      tpu.yield
    }) : () -> ()
    "tpu.region"() ({
      %run_scoped3A_143 = tpu.sem_alloc : memref<!tpu.dma_semaphore, #tpu.memory_space<semaphore_mem>>
      %dma_start3A_144 = arith.constant 0 : i32
      %dma_start3A_145 = arith.constant 0 : i32
      %dma_start3A_146 = tpu.memref_slice %arg4[%add3A, %dma_start3A_144, %dma_start3A_145] : memref<32x80x128xi32, #tpu.memory_space<hbm>> -> memref<1x40x128xi32, #tpu.memory_space<hbm>>
      %dma_start3A_147 = tpu.memref_squeeze %dma_start3A_146 : memref<1x40x128xi32, #tpu.memory_space<hbm>> -> memref<40x128xi32, #tpu.memory_space<hbm>>
      %dma_start3A_148 = arith.constant 0 : i32
      %dma_start3A_149 = arith.constant 0 : i32
      %dma_start3A_150 = tpu.memref_slice %arg4[%add3A, %dma_start3A_148, %dma_start3A_149] : memref<32x80x128xi32, #tpu.memory_space<hbm>> -> memref<1x40x128xi32, #tpu.memory_space<hbm>>
      %dma_start3A_151 = tpu.memref_squeeze %dma_start3A_150 : memref<1x40x128xi32, #tpu.memory_space<hbm>> -> memref<40x128xi32, #tpu.memory_space<hbm>>
      tpu.enqueue_dma source(%dma_start3A_151 : memref<40x128xi32, #tpu.memory_space<hbm>>) target(%arg8 : memref<40x128xi32, #tpu.memory_space<vmem>>) target_semaphore(%run_scoped3A_143 : memref<!tpu.dma_semaphore, #tpu.memory_space<semaphore_mem>>)
      %dma_wait3A_152 = arith.constant 0 : i32
      %dma_wait3A_153 = arith.constant 0 : i32
      %dma_wait3A_154 = tpu.memref_slice %arg4[%add3A, %dma_wait3A_152, %dma_wait3A_153] : memref<32x80x128xi32, #tpu.memory_space<hbm>> -> memref<1x40x128xi32, #tpu.memory_space<hbm>>
      %dma_wait3A_155 = tpu.memref_squeeze %dma_wait3A_154 : memref<1x40x128xi32, #tpu.memory_space<hbm>> -> memref<40x128xi32, #tpu.memory_space<hbm>>
      %dma_wait3A_156 = arith.constant 0 : i32
      %dma_wait3A_157 = arith.constant 0 : i32
      %dma_wait3A_158 = tpu.memref_slice %arg4[%add3A, %dma_wait3A_156, %dma_wait3A_157] : memref<32x80x128xi32, #tpu.memory_space<hbm>> -> memref<1x40x128xi32, #tpu.memory_space<hbm>>
      %dma_wait3A_159 = tpu.memref_squeeze %dma_wait3A_158 : memref<1x40x128xi32, #tpu.memory_space<hbm>> -> memref<40x128xi32, #tpu.memory_space<hbm>>
      tpu.wait_dma2 semaphore(%run_scoped3A_143 : memref<!tpu.dma_semaphore, #tpu.memory_space<semaphore_mem>>) src(%dma_wait3A_159 : memref<40x128xi32, #tpu.memory_space<hbm>>) dst(%arg8 : memref<40x128xi32, #tpu.memory_space<vmem>>)
      tpu.yield
    }) : () -> ()
    %dma_start3A_64 = arith.constant 0 : i32
    %dma_start3A_65 = arith.constant 0 : i32
    %dma_start3A_66 = tpu.memref_slice %arg7[%dma_start3A_64, %dma_start3A_65] : memref<40x128xi32, #tpu.memory_space<vmem>> -> memref<1x128xi32, #tpu.memory_space<vmem>>
    %dma_start3A_67 = tpu.memref_squeeze %dma_start3A_66 : memref<1x128xi32, #tpu.memory_space<vmem>> -> memref<128xi32, #tpu.memory_space<vmem>>
    %dma_start3A_68 = arith.constant 0 : i32
    %dma_start3A_69 = arith.constant 0 : i32
    %dma_start3A_70 = tpu.memref_slice %arg2[%dma_start3A_68, %dma_start3A_69] : memref<10000x128xf32, #tpu.memory_space<hbm>> -> memref<10000x128xf32, #tpu.memory_space<hbm>>
    tpu.enqueue_indirect_dma source(%dma_start3A_70 : memref<10000x128xf32, #tpu.memory_space<hbm>>) target(%arg9 : memref<128x128xf32, #tpu.memory_space<vmem>>) offsets(%dma_start3A_67 : memref<128xi32, #tpu.memory_space<vmem>>) semaphore(%arg11 : memref<!tpu.dma_semaphore, #tpu.memory_space<semaphore_mem>>)
    %dma_start3A_71 = arith.constant 1 : i32
    %dma_start3A_72 = arith.constant 0 : i32
    %dma_start3A_73 = tpu.memref_slice %arg7[%dma_start3A_71, %dma_start3A_72] : memref<40x128xi32, #tpu.memory_space<vmem>> -> memref<1x128xi32, #tpu.memory_space<vmem>>
    %dma_start3A_74 = tpu.memref_squeeze %dma_start3A_73 : memref<1x128xi32, #tpu.memory_space<vmem>> -> memref<128xi32, #tpu.memory_space<vmem>>
    %dma_start3A_75 = arith.constant 0 : i32
    %dma_start3A_76 = arith.constant 0 : i32
    %dma_start3A_77 = tpu.memref_slice %arg2[%dma_start3A_75, %dma_start3A_76] : memref<10000x128xf32, #tpu.memory_space<hbm>> -> memref<10000x128xf32, #tpu.memory_space<hbm>>
    tpu.enqueue_indirect_dma source(%dma_start3A_77 : memref<10000x128xf32, #tpu.memory_space<hbm>>) target(%arg10 : memref<128x128xf32, #tpu.memory_space<vmem>>) offsets(%dma_start3A_74 : memref<128xi32, #tpu.memory_space<vmem>>) semaphore(%arg12 : memref<!tpu.dma_semaphore, #tpu.memory_space<semaphore_mem>>)
    %scan3A_78 = arith.constant 0 : i32
    %scan3A_79 = arith.constant 0 : i32
    %scan3A_80 = arith.constant 19 : i32
    %scan3A_81 = arith.addi %scan3A_79, %scan3A_80 : i32
    %scan3A_82 = arith.constant 1 : i32
    scf.for %scan3A_143 = %scan3A_79 to %scan3A_81 step %scan3A_82  : i32 {
      %mul3A_144 = arith.constant 2 : i32
      %mul3A_145 = arith.muli %mul3A_144, %scan3A_143 : i32
      %dma_wait3A_146 = arith.constant 0 : i32
      %dma_wait3A_147 = arith.constant 0 : i32
      %dma_wait3A_148 = tpu.memref_slice %arg7[%dma_wait3A_146, %dma_wait3A_147] : memref<40x128xi32, #tpu.memory_space<vmem>> -> memref<1x128xi32, #tpu.memory_space<vmem>>
      %dma_wait3A_149 = tpu.memref_squeeze %dma_wait3A_148 : memref<1x128xi32, #tpu.memory_space<vmem>> -> memref<128xi32, #tpu.memory_space<vmem>>
      %dma_wait3A_150 = arith.constant 0 : i32
      %dma_wait3A_151 = arith.constant 0 : i32
      %dma_wait3A_152 = tpu.memref_slice %arg2[%dma_wait3A_150, %dma_wait3A_151] : memref<10000x128xf32, #tpu.memory_space<hbm>> -> memref<10000x128xf32, #tpu.memory_space<hbm>>
      tpu.wait_indirect_dma semaphore(%arg11 : memref<!tpu.dma_semaphore, #tpu.memory_space<semaphore_mem>>) src(%dma_wait3A_152 : memref<10000x128xf32, #tpu.memory_space<hbm>>) dst(%arg9 : memref<128x128xf32, #tpu.memory_space<vmem>>)
      "tpu.region"() ({
        %run_scoped3A_178 = tpu.sem_alloc : memref<!tpu.dma_semaphore, #tpu.memory_space<semaphore_mem>>
        %dma_start3A_179 = arith.constant 0 : i32
        %dma_start3A_180 = tpu.memref_slice %arg8[%mul3A_145, %dma_start3A_179] : memref<40x128xi32, #tpu.memory_space<vmem>> -> memref<1x128xi32, #tpu.memory_space<vmem>>
        %dma_start3A_181 = tpu.memref_squeeze %dma_start3A_180 : memref<1x128xi32, #tpu.memory_space<vmem>> -> memref<128xi32, #tpu.memory_space<vmem>>
        %dma_start3A_182 = arith.constant 0 : i32
        %dma_start3A_183 = arith.constant 0 : i32
        %dma_start3A_184 = tpu.memref_slice %arg6[%dma_start3A_182, %dma_start3A_183] : memref<10240x128xf32, #tpu.memory_space<vmem_shared>> -> memref<10240x128xf32, #tpu.memory_space<vmem_shared>>
        tpu.enqueue_indirect_dma source(%arg9 : memref<128x128xf32, #tpu.memory_space<vmem>>) target(%dma_start3A_184 : memref<10240x128xf32, #tpu.memory_space<vmem_shared>>) offsets(%dma_start3A_181 : memref<128xi32, #tpu.memory_space<vmem>>) semaphore(%run_scoped3A_178 : memref<!tpu.dma_semaphore, #tpu.memory_space<semaphore_mem>>) {add = true}
        %dma_wait3A_185 = arith.constant 0 : i32
        %dma_wait3A_186 = tpu.memref_slice %arg8[%mul3A_145, %dma_wait3A_185] : memref<40x128xi32, #tpu.memory_space<vmem>> -> memref<1x128xi32, #tpu.memory_space<vmem>>
        %dma_wait3A_187 = tpu.memref_squeeze %dma_wait3A_186 : memref<1x128xi32, #tpu.memory_space<vmem>> -> memref<128xi32, #tpu.memory_space<vmem>>
        %dma_wait3A_188 = arith.constant 0 : i32
        %dma_wait3A_189 = arith.constant 0 : i32
        %dma_wait3A_190 = tpu.memref_slice %arg6[%dma_wait3A_188, %dma_wait3A_189] : memref<10240x128xf32, #tpu.memory_space<vmem_shared>> -> memref<10240x128xf32, #tpu.memory_space<vmem_shared>>
        tpu.wait_indirect_dma semaphore(%run_scoped3A_178 : memref<!tpu.dma_semaphore, #tpu.memory_space<semaphore_mem>>) src(%arg9 : memref<128x128xf32, #tpu.memory_space<vmem>>) dst(%dma_wait3A_190 : memref<10240x128xf32, #tpu.memory_space<vmem_shared>>)
        tpu.yield
      }) : () -> ()
      %add3A_153 = arith.constant 2 : i32
      %add3A_154 = arith.addi %mul3A_145, %add3A_153 : i32
      %dma_start3A_155 = arith.constant 0 : i32
      %dma_start3A_156 = tpu.memref_slice %arg7[%add3A_154, %dma_start3A_155] : memref<40x128xi32, #tpu.memory_space<vmem>> -> memref<1x128xi32, #tpu.memory_space<vmem>>
      %dma_start3A_157 = tpu.memref_squeeze %dma_start3A_156 : memref<1x128xi32, #tpu.memory_space<vmem>> -> memref<128xi32, #tpu.memory_space<vmem>>
      %dma_start3A_158 = arith.constant 0 : i32
      %dma_start3A_159 = arith.constant 0 : i32
      %dma_start3A_160 = tpu.memref_slice %arg2[%dma_start3A_158, %dma_start3A_159] : memref<10000x128xf32, #tpu.memory_space<hbm>> -> memref<10000x128xf32, #tpu.memory_space<hbm>>
      tpu.enqueue_indirect_dma source(%dma_start3A_160 : memref<10000x128xf32, #tpu.memory_space<hbm>>) target(%arg9 : memref<128x128xf32, #tpu.memory_space<vmem>>) offsets(%dma_start3A_157 : memref<128xi32, #tpu.memory_space<vmem>>) semaphore(%arg11 : memref<!tpu.dma_semaphore, #tpu.memory_space<semaphore_mem>>)
      %dma_wait3A_161 = arith.constant 0 : i32
      %dma_wait3A_162 = arith.constant 0 : i32
      %dma_wait3A_163 = tpu.memref_slice %arg7[%dma_wait3A_161, %dma_wait3A_162] : memref<40x128xi32, #tpu.memory_space<vmem>> -> memref<1x128xi32, #tpu.memory_space<vmem>>
      %dma_wait3A_164 = tpu.memref_squeeze %dma_wait3A_163 : memref<1x128xi32, #tpu.memory_space<vmem>> -> memref<128xi32, #tpu.memory_space<vmem>>
      %dma_wait3A_165 = arith.constant 0 : i32
      %dma_wait3A_166 = arith.constant 0 : i32
      %dma_wait3A_167 = tpu.memref_slice %arg2[%dma_wait3A_165, %dma_wait3A_166] : memref<10000x128xf32, #tpu.memory_space<hbm>> -> memref<10000x128xf32, #tpu.memory_space<hbm>>
      tpu.wait_indirect_dma semaphore(%arg12 : memref<!tpu.dma_semaphore, #tpu.memory_space<semaphore_mem>>) src(%dma_wait3A_167 : memref<10000x128xf32, #tpu.memory_space<hbm>>) dst(%arg10 : memref<128x128xf32, #tpu.memory_space<vmem>>)
      %add3A_168 = arith.constant 1 : i32
      %add3A_169 = arith.addi %mul3A_145, %add3A_168 : i32
      "tpu.region"() ({
        %run_scoped3A_178 = tpu.sem_alloc : memref<!tpu.dma_semaphore, #tpu.memory_space<semaphore_mem>>
        %dma_start3A_179 = arith.constant 0 : i32
        %dma_start3A_180 = tpu.memref_slice %arg8[%add3A_169, %dma_start3A_179] : memref<40x128xi32, #tpu.memory_space<vmem>> -> memref<1x128xi32, #tpu.memory_space<vmem>>
        %dma_start3A_181 = tpu.memref_squeeze %dma_start3A_180 : memref<1x128xi32, #tpu.memory_space<vmem>> -> memref<128xi32, #tpu.memory_space<vmem>>
        %dma_start3A_182 = arith.constant 0 : i32
        %dma_start3A_183 = arith.constant 0 : i32
        %dma_start3A_184 = tpu.memref_slice %arg6[%dma_start3A_182, %dma_start3A_183] : memref<10240x128xf32, #tpu.memory_space<vmem_shared>> -> memref<10240x128xf32, #tpu.memory_space<vmem_shared>>
        tpu.enqueue_indirect_dma source(%arg10 : memref<128x128xf32, #tpu.memory_space<vmem>>) target(%dma_start3A_184 : memref<10240x128xf32, #tpu.memory_space<vmem_shared>>) offsets(%dma_start3A_181 : memref<128xi32, #tpu.memory_space<vmem>>) semaphore(%run_scoped3A_178 : memref<!tpu.dma_semaphore, #tpu.memory_space<semaphore_mem>>) {add = true}
        %dma_wait3A_185 = arith.constant 0 : i32
        %dma_wait3A_186 = tpu.memref_slice %arg8[%add3A_169, %dma_wait3A_185] : memref<40x128xi32, #tpu.memory_space<vmem>> -> memref<1x128xi32, #tpu.memory_space<vmem>>
        %dma_wait3A_187 = tpu.memref_squeeze %dma_wait3A_186 : memref<1x128xi32, #tpu.memory_space<vmem>> -> memref<128xi32, #tpu.memory_space<vmem>>
        %dma_wait3A_188 = arith.constant 0 : i32
        %dma_wait3A_189 = arith.constant 0 : i32
        %dma_wait3A_190 = tpu.memref_slice %arg6[%dma_wait3A_188, %dma_wait3A_189] : memref<10240x128xf32, #tpu.memory_space<vmem_shared>> -> memref<10240x128xf32, #tpu.memory_space<vmem_shared>>
        tpu.wait_indirect_dma semaphore(%run_scoped3A_178 : memref<!tpu.dma_semaphore, #tpu.memory_space<semaphore_mem>>) src(%arg10 : memref<128x128xf32, #tpu.memory_space<vmem>>) dst(%dma_wait3A_190 : memref<10240x128xf32, #tpu.memory_space<vmem_shared>>)
        tpu.yield
      }) : () -> ()
      %add3A_170 = arith.constant 3 : i32
      %add3A_171 = arith.addi %mul3A_145, %add3A_170 : i32
      %dma_start3A_172 = arith.constant 0 : i32
      %dma_start3A_173 = tpu.memref_slice %arg7[%add3A_171, %dma_start3A_172] : memref<40x128xi32, #tpu.memory_space<vmem>> -> memref<1x128xi32, #tpu.memory_space<vmem>>
      %dma_start3A_174 = tpu.memref_squeeze %dma_start3A_173 : memref<1x128xi32, #tpu.memory_space<vmem>> -> memref<128xi32, #tpu.memory_space<vmem>>
      %dma_start3A_175 = arith.constant 0 : i32
      %dma_start3A_176 = arith.constant 0 : i32
      %dma_start3A_177 = tpu.memref_slice %arg2[%dma_start3A_175, %dma_start3A_176] : memref<10000x128xf32, #tpu.memory_space<hbm>> -> memref<10000x128xf32, #tpu.memory_space<hbm>>
      tpu.enqueue_indirect_dma source(%dma_start3A_177 : memref<10000x128xf32, #tpu.memory_space<hbm>>) target(%arg10 : memref<128x128xf32, #tpu.memory_space<vmem>>) offsets(%dma_start3A_174 : memref<128xi32, #tpu.memory_space<vmem>>) semaphore(%arg12 : memref<!tpu.dma_semaphore, #tpu.memory_space<semaphore_mem>>)
    }
    %scan3A_83 = arith.constant 19 : i32
    %dma_wait3A_84 = arith.constant 0 : i32
    %dma_wait3A_85 = arith.constant 0 : i32
    %dma_wait3A_86 = tpu.memref_slice %arg7[%dma_wait3A_84, %dma_wait3A_85] : memref<40x128xi32, #tpu.memory_space<vmem>> -> memref<1x128xi32, #tpu.memory_space<vmem>>
    %dma_wait3A_87 = tpu.memref_squeeze %dma_wait3A_86 : memref<1x128xi32, #tpu.memory_space<vmem>> -> memref<128xi32, #tpu.memory_space<vmem>>
    %dma_wait3A_88 = arith.constant 0 : i32
    %dma_wait3A_89 = arith.constant 0 : i32
    %dma_wait3A_90 = tpu.memref_slice %arg2[%dma_wait3A_88, %dma_wait3A_89] : memref<10000x128xf32, #tpu.memory_space<hbm>> -> memref<10000x128xf32, #tpu.memory_space<hbm>>
    tpu.wait_indirect_dma semaphore(%arg11 : memref<!tpu.dma_semaphore, #tpu.memory_space<semaphore_mem>>) src(%dma_wait3A_90 : memref<10000x128xf32, #tpu.memory_space<hbm>>) dst(%arg9 : memref<128x128xf32, #tpu.memory_space<vmem>>)
    %run_scoped3A = arith.constant 38 : i32
    "tpu.region"() ({
      %run_scoped3A_143 = tpu.sem_alloc : memref<!tpu.dma_semaphore, #tpu.memory_space<semaphore_mem>>
      %dma_start3A_144 = arith.constant 0 : i32
      %dma_start3A_145 = tpu.memref_slice %arg8[%run_scoped3A, %dma_start3A_144] : memref<40x128xi32, #tpu.memory_space<vmem>> -> memref<1x128xi32, #tpu.memory_space<vmem>>
      %dma_start3A_146 = tpu.memref_squeeze %dma_start3A_145 : memref<1x128xi32, #tpu.memory_space<vmem>> -> memref<128xi32, #tpu.memory_space<vmem>>
      %dma_start3A_147 = arith.constant 0 : i32
      %dma_start3A_148 = arith.constant 0 : i32
      %dma_start3A_149 = tpu.memref_slice %arg6[%dma_start3A_147, %dma_start3A_148] : memref<10240x128xf32, #tpu.memory_space<vmem_shared>> -> memref<10240x128xf32, #tpu.memory_space<vmem_shared>>
      tpu.enqueue_indirect_dma source(%arg9 : memref<128x128xf32, #tpu.memory_space<vmem>>) target(%dma_start3A_149 : memref<10240x128xf32, #tpu.memory_space<vmem_shared>>) offsets(%dma_start3A_146 : memref<128xi32, #tpu.memory_space<vmem>>) semaphore(%run_scoped3A_143 : memref<!tpu.dma_semaphore, #tpu.memory_space<semaphore_mem>>) {add = true}
      %dma_wait3A_150 = arith.constant 0 : i32
      %dma_wait3A_151 = tpu.memref_slice %arg8[%run_scoped3A, %dma_wait3A_150] : memref<40x128xi32, #tpu.memory_space<vmem>> -> memref<1x128xi32, #tpu.memory_space<vmem>>
      %dma_wait3A_152 = tpu.memref_squeeze %dma_wait3A_151 : memref<1x128xi32, #tpu.memory_space<vmem>> -> memref<128xi32, #tpu.memory_space<vmem>>
      %dma_wait3A_153 = arith.constant 0 : i32
      %dma_wait3A_154 = arith.constant 0 : i32
      %dma_wait3A_155 = tpu.memref_slice %arg6[%dma_wait3A_153, %dma_wait3A_154] : memref<10240x128xf32, #tpu.memory_space<vmem_shared>> -> memref<10240x128xf32, #tpu.memory_space<vmem_shared>>
      tpu.wait_indirect_dma semaphore(%run_scoped3A_143 : memref<!tpu.dma_semaphore, #tpu.memory_space<semaphore_mem>>) src(%arg9 : memref<128x128xf32, #tpu.memory_space<vmem>>) dst(%dma_wait3A_155 : memref<10240x128xf32, #tpu.memory_space<vmem_shared>>)
      tpu.yield
    }) : () -> ()
    %dma_wait3A_91 = arith.constant 0 : i32
    %dma_wait3A_92 = arith.constant 0 : i32
    %dma_wait3A_93 = tpu.memref_slice %arg7[%dma_wait3A_91, %dma_wait3A_92] : memref<40x128xi32, #tpu.memory_space<vmem>> -> memref<1x128xi32, #tpu.memory_space<vmem>>
    %dma_wait3A_94 = tpu.memref_squeeze %dma_wait3A_93 : memref<1x128xi32, #tpu.memory_space<vmem>> -> memref<128xi32, #tpu.memory_space<vmem>>
    %dma_wait3A_95 = arith.constant 0 : i32
    %dma_wait3A_96 = arith.constant 0 : i32
    %dma_wait3A_97 = tpu.memref_slice %arg2[%dma_wait3A_95, %dma_wait3A_96] : memref<10000x128xf32, #tpu.memory_space<hbm>> -> memref<10000x128xf32, #tpu.memory_space<hbm>>
    tpu.wait_indirect_dma semaphore(%arg12 : memref<!tpu.dma_semaphore, #tpu.memory_space<semaphore_mem>>) src(%dma_wait3A_97 : memref<10000x128xf32, #tpu.memory_space<hbm>>) dst(%arg10 : memref<128x128xf32, #tpu.memory_space<vmem>>)
    %run_scoped3A_98 = arith.constant 39 : i32
    "tpu.region"() ({
      %run_scoped3A_143 = tpu.sem_alloc : memref<!tpu.dma_semaphore, #tpu.memory_space<semaphore_mem>>
      %dma_start3A_144 = arith.constant 0 : i32
      %dma_start3A_145 = tpu.memref_slice %arg8[%run_scoped3A_98, %dma_start3A_144] : memref<40x128xi32, #tpu.memory_space<vmem>> -> memref<1x128xi32, #tpu.memory_space<vmem>>
      %dma_start3A_146 = tpu.memref_squeeze %dma_start3A_145 : memref<1x128xi32, #tpu.memory_space<vmem>> -> memref<128xi32, #tpu.memory_space<vmem>>
      %dma_start3A_147 = arith.constant 0 : i32
      %dma_start3A_148 = arith.constant 0 : i32
      %dma_start3A_149 = tpu.memref_slice %arg6[%dma_start3A_147, %dma_start3A_148] : memref<10240x128xf32, #tpu.memory_space<vmem_shared>> -> memref<10240x128xf32, #tpu.memory_space<vmem_shared>>
      tpu.enqueue_indirect_dma source(%arg10 : memref<128x128xf32, #tpu.memory_space<vmem>>) target(%dma_start3A_149 : memref<10240x128xf32, #tpu.memory_space<vmem_shared>>) offsets(%dma_start3A_146 : memref<128xi32, #tpu.memory_space<vmem>>) semaphore(%run_scoped3A_143 : memref<!tpu.dma_semaphore, #tpu.memory_space<semaphore_mem>>) {add = true}
      %dma_wait3A_150 = arith.constant 0 : i32
      %dma_wait3A_151 = tpu.memref_slice %arg8[%run_scoped3A_98, %dma_wait3A_150] : memref<40x128xi32, #tpu.memory_space<vmem>> -> memref<1x128xi32, #tpu.memory_space<vmem>>
      %dma_wait3A_152 = tpu.memref_squeeze %dma_wait3A_151 : memref<1x128xi32, #tpu.memory_space<vmem>> -> memref<128xi32, #tpu.memory_space<vmem>>
      %dma_wait3A_153 = arith.constant 0 : i32
      %dma_wait3A_154 = arith.constant 0 : i32
      %dma_wait3A_155 = tpu.memref_slice %arg6[%dma_wait3A_153, %dma_wait3A_154] : memref<10240x128xf32, #tpu.memory_space<vmem_shared>> -> memref<10240x128xf32, #tpu.memory_space<vmem_shared>>
      tpu.wait_indirect_dma semaphore(%run_scoped3A_143 : memref<!tpu.dma_semaphore, #tpu.memory_space<semaphore_mem>>) src(%arg10 : memref<128x128xf32, #tpu.memory_space<vmem>>) dst(%dma_wait3A_155 : memref<10240x128xf32, #tpu.memory_space<vmem_shared>>)
      tpu.yield
    }) : () -> ()
    "tpu.region"() ({
      %run_scoped3A_143 = tpu.sem_alloc : memref<!tpu.dma_semaphore, #tpu.memory_space<semaphore_mem>>
      %dma_start3A_144 = arith.constant 40 : i32
      %dma_start3A_145 = arith.constant 0 : i32
      %dma_start3A_146 = tpu.memref_slice %arg3[%add3A, %dma_start3A_144, %dma_start3A_145] : memref<32x80x128xi32, #tpu.memory_space<hbm>> -> memref<1x40x128xi32, #tpu.memory_space<hbm>>
      %dma_start3A_147 = tpu.memref_squeeze %dma_start3A_146 : memref<1x40x128xi32, #tpu.memory_space<hbm>> -> memref<40x128xi32, #tpu.memory_space<hbm>>
      %dma_start3A_148 = arith.constant 40 : i32
      %dma_start3A_149 = arith.constant 0 : i32
      %dma_start3A_150 = tpu.memref_slice %arg3[%add3A, %dma_start3A_148, %dma_start3A_149] : memref<32x80x128xi32, #tpu.memory_space<hbm>> -> memref<1x40x128xi32, #tpu.memory_space<hbm>>
      %dma_start3A_151 = tpu.memref_squeeze %dma_start3A_150 : memref<1x40x128xi32, #tpu.memory_space<hbm>> -> memref<40x128xi32, #tpu.memory_space<hbm>>
      tpu.enqueue_dma source(%dma_start3A_151 : memref<40x128xi32, #tpu.memory_space<hbm>>) target(%arg7 : memref<40x128xi32, #tpu.memory_space<vmem>>) target_semaphore(%run_scoped3A_143 : memref<!tpu.dma_semaphore, #tpu.memory_space<semaphore_mem>>)
      %dma_wait3A_152 = arith.constant 40 : i32
      %dma_wait3A_153 = arith.constant 0 : i32
      %dma_wait3A_154 = tpu.memref_slice %arg3[%add3A, %dma_wait3A_152, %dma_wait3A_153] : memref<32x80x128xi32, #tpu.memory_space<hbm>> -> memref<1x40x128xi32, #tpu.memory_space<hbm>>
      %dma_wait3A_155 = tpu.memref_squeeze %dma_wait3A_154 : memref<1x40x128xi32, #tpu.memory_space<hbm>> -> memref<40x128xi32, #tpu.memory_space<hbm>>
      %dma_wait3A_156 = arith.constant 40 : i32
      %dma_wait3A_157 = arith.constant 0 : i32
      %dma_wait3A_158 = tpu.memref_slice %arg3[%add3A, %dma_wait3A_156, %dma_wait3A_157] : memref<32x80x128xi32, #tpu.memory_space<hbm>> -> memref<1x40x128xi32, #tpu.memory_space<hbm>>
      %dma_wait3A_159 = tpu.memref_squeeze %dma_wait3A_158 : memref<1x40x128xi32, #tpu.memory_space<hbm>> -> memref<40x128xi32, #tpu.memory_space<hbm>>
      tpu.wait_dma2 semaphore(%run_scoped3A_143 : memref<!tpu.dma_semaphore, #tpu.memory_space<semaphore_mem>>) src(%dma_wait3A_159 : memref<40x128xi32, #tpu.memory_space<hbm>>) dst(%arg7 : memref<40x128xi32, #tpu.memory_space<vmem>>)
      tpu.yield
    }) : () -> ()
    "tpu.region"() ({
      %run_scoped3A_143 = tpu.sem_alloc : memref<!tpu.dma_semaphore, #tpu.memory_space<semaphore_mem>>
      %dma_start3A_144 = arith.constant 40 : i32
      %dma_start3A_145 = arith.constant 0 : i32
      %dma_start3A_146 = tpu.memref_slice %arg4[%add3A, %dma_start3A_144, %dma_start3A_145] : memref<32x80x128xi32, #tpu.memory_space<hbm>> -> memref<1x40x128xi32, #tpu.memory_space<hbm>>
      %dma_start3A_147 = tpu.memref_squeeze %dma_start3A_146 : memref<1x40x128xi32, #tpu.memory_space<hbm>> -> memref<40x128xi32, #tpu.memory_space<hbm>>
      %dma_start3A_148 = arith.constant 40 : i32
      %dma_start3A_149 = arith.constant 0 : i32
      %dma_start3A_150 = tpu.memref_slice %arg4[%add3A, %dma_start3A_148, %dma_start3A_149] : memref<32x80x128xi32, #tpu.memory_space<hbm>> -> memref<1x40x128xi32, #tpu.memory_space<hbm>>
      %dma_start3A_151 = tpu.memref_squeeze %dma_start3A_150 : memref<1x40x128xi32, #tpu.memory_space<hbm>> -> memref<40x128xi32, #tpu.memory_space<hbm>>
      tpu.enqueue_dma source(%dma_start3A_151 : memref<40x128xi32, #tpu.memory_space<hbm>>) target(%arg8 : memref<40x128xi32, #tpu.memory_space<vmem>>) target_semaphore(%run_scoped3A_143 : memref<!tpu.dma_semaphore, #tpu.memory_space<semaphore_mem>>)
      %dma_wait3A_152 = arith.constant 40 : i32
      %dma_wait3A_153 = arith.constant 0 : i32
      %dma_wait3A_154 = tpu.memref_slice %arg4[%add3A, %dma_wait3A_152, %dma_wait3A_153] : memref<32x80x128xi32, #tpu.memory_space<hbm>> -> memref<1x40x128xi32, #tpu.memory_space<hbm>>
      %dma_wait3A_155 = tpu.memref_squeeze %dma_wait3A_154 : memref<1x40x128xi32, #tpu.memory_space<hbm>> -> memref<40x128xi32, #tpu.memory_space<hbm>>
      %dma_wait3A_156 = arith.constant 40 : i32
      %dma_wait3A_157 = arith.constant 0 : i32
      %dma_wait3A_158 = tpu.memref_slice %arg4[%add3A, %dma_wait3A_156, %dma_wait3A_157] : memref<32x80x128xi32, #tpu.memory_space<hbm>> -> memref<1x40x128xi32, #tpu.memory_space<hbm>>
      %dma_wait3A_159 = tpu.memref_squeeze %dma_wait3A_158 : memref<1x40x128xi32, #tpu.memory_space<hbm>> -> memref<40x128xi32, #tpu.memory_space<hbm>>
      tpu.wait_dma2 semaphore(%run_scoped3A_143 : memref<!tpu.dma_semaphore, #tpu.memory_space<semaphore_mem>>) src(%dma_wait3A_159 : memref<40x128xi32, #tpu.memory_space<hbm>>) dst(%arg8 : memref<40x128xi32, #tpu.memory_space<vmem>>)
      tpu.yield
    }) : () -> ()
    %dma_start3A_99 = arith.constant 0 : i32
    %dma_start3A_100 = arith.constant 0 : i32
    %dma_start3A_101 = tpu.memref_slice %arg7[%dma_start3A_99, %dma_start3A_100] : memref<40x128xi32, #tpu.memory_space<vmem>> -> memref<1x128xi32, #tpu.memory_space<vmem>>
    %dma_start3A_102 = tpu.memref_squeeze %dma_start3A_101 : memref<1x128xi32, #tpu.memory_space<vmem>> -> memref<128xi32, #tpu.memory_space<vmem>>
    %dma_start3A_103 = arith.constant 0 : i32
    %dma_start3A_104 = arith.constant 0 : i32
    %dma_start3A_105 = tpu.memref_slice %arg2[%dma_start3A_103, %dma_start3A_104] : memref<10000x128xf32, #tpu.memory_space<hbm>> -> memref<10000x128xf32, #tpu.memory_space<hbm>>
    tpu.enqueue_indirect_dma source(%dma_start3A_105 : memref<10000x128xf32, #tpu.memory_space<hbm>>) target(%arg9 : memref<128x128xf32, #tpu.memory_space<vmem>>) offsets(%dma_start3A_102 : memref<128xi32, #tpu.memory_space<vmem>>) semaphore(%arg11 : memref<!tpu.dma_semaphore, #tpu.memory_space<semaphore_mem>>)
    %dma_start3A_106 = arith.constant 1 : i32
    %dma_start3A_107 = arith.constant 0 : i32
    %dma_start3A_108 = tpu.memref_slice %arg7[%dma_start3A_106, %dma_start3A_107] : memref<40x128xi32, #tpu.memory_space<vmem>> -> memref<1x128xi32, #tpu.memory_space<vmem>>
    %dma_start3A_109 = tpu.memref_squeeze %dma_start3A_108 : memref<1x128xi32, #tpu.memory_space<vmem>> -> memref<128xi32, #tpu.memory_space<vmem>>
    %dma_start3A_110 = arith.constant 0 : i32
    %dma_start3A_111 = arith.constant 0 : i32
    %dma_start3A_112 = tpu.memref_slice %arg2[%dma_start3A_110, %dma_start3A_111] : memref<10000x128xf32, #tpu.memory_space<hbm>> -> memref<10000x128xf32, #tpu.memory_space<hbm>>
    tpu.enqueue_indirect_dma source(%dma_start3A_112 : memref<10000x128xf32, #tpu.memory_space<hbm>>) target(%arg10 : memref<128x128xf32, #tpu.memory_space<vmem>>) offsets(%dma_start3A_109 : memref<128xi32, #tpu.memory_space<vmem>>) semaphore(%arg12 : memref<!tpu.dma_semaphore, #tpu.memory_space<semaphore_mem>>)
    %scan3A_113 = arith.constant 0 : i32
    %scan3A_114 = arith.constant 0 : i32
    %scan3A_115 = arith.constant 19 : i32
    %scan3A_116 = arith.addi %scan3A_114, %scan3A_115 : i32
    %scan3A_117 = arith.constant 1 : i32
    scf.for %scan3A_143 = %scan3A_114 to %scan3A_116 step %scan3A_117  : i32 {
      %mul3A_144 = arith.constant 2 : i32
      %mul3A_145 = arith.muli %mul3A_144, %scan3A_143 : i32
      %dma_wait3A_146 = arith.constant 0 : i32
      %dma_wait3A_147 = arith.constant 0 : i32
      %dma_wait3A_148 = tpu.memref_slice %arg7[%dma_wait3A_146, %dma_wait3A_147] : memref<40x128xi32, #tpu.memory_space<vmem>> -> memref<1x128xi32, #tpu.memory_space<vmem>>
      %dma_wait3A_149 = tpu.memref_squeeze %dma_wait3A_148 : memref<1x128xi32, #tpu.memory_space<vmem>> -> memref<128xi32, #tpu.memory_space<vmem>>
      %dma_wait3A_150 = arith.constant 0 : i32
      %dma_wait3A_151 = arith.constant 0 : i32
      %dma_wait3A_152 = tpu.memref_slice %arg2[%dma_wait3A_150, %dma_wait3A_151] : memref<10000x128xf32, #tpu.memory_space<hbm>> -> memref<10000x128xf32, #tpu.memory_space<hbm>>
      tpu.wait_indirect_dma semaphore(%arg11 : memref<!tpu.dma_semaphore, #tpu.memory_space<semaphore_mem>>) src(%dma_wait3A_152 : memref<10000x128xf32, #tpu.memory_space<hbm>>) dst(%arg9 : memref<128x128xf32, #tpu.memory_space<vmem>>)
      "tpu.region"() ({
        %run_scoped3A_178 = tpu.sem_alloc : memref<!tpu.dma_semaphore, #tpu.memory_space<semaphore_mem>>
        %dma_start3A_179 = arith.constant 0 : i32
        %dma_start3A_180 = tpu.memref_slice %arg8[%mul3A_145, %dma_start3A_179] : memref<40x128xi32, #tpu.memory_space<vmem>> -> memref<1x128xi32, #tpu.memory_space<vmem>>
        %dma_start3A_181 = tpu.memref_squeeze %dma_start3A_180 : memref<1x128xi32, #tpu.memory_space<vmem>> -> memref<128xi32, #tpu.memory_space<vmem>>
        %dma_start3A_182 = arith.constant 0 : i32
        %dma_start3A_183 = arith.constant 0 : i32
        %dma_start3A_184 = tpu.memref_slice %arg6[%dma_start3A_182, %dma_start3A_183] : memref<10240x128xf32, #tpu.memory_space<vmem_shared>> -> memref<10240x128xf32, #tpu.memory_space<vmem_shared>>
        tpu.enqueue_indirect_dma source(%arg9 : memref<128x128xf32, #tpu.memory_space<vmem>>) target(%dma_start3A_184 : memref<10240x128xf32, #tpu.memory_space<vmem_shared>>) offsets(%dma_start3A_181 : memref<128xi32, #tpu.memory_space<vmem>>) semaphore(%run_scoped3A_178 : memref<!tpu.dma_semaphore, #tpu.memory_space<semaphore_mem>>) {add = true}
        %dma_wait3A_185 = arith.constant 0 : i32
        %dma_wait3A_186 = tpu.memref_slice %arg8[%mul3A_145, %dma_wait3A_185] : memref<40x128xi32, #tpu.memory_space<vmem>> -> memref<1x128xi32, #tpu.memory_space<vmem>>
        %dma_wait3A_187 = tpu.memref_squeeze %dma_wait3A_186 : memref<1x128xi32, #tpu.memory_space<vmem>> -> memref<128xi32, #tpu.memory_space<vmem>>
        %dma_wait3A_188 = arith.constant 0 : i32
        %dma_wait3A_189 = arith.constant 0 : i32
        %dma_wait3A_190 = tpu.memref_slice %arg6[%dma_wait3A_188, %dma_wait3A_189] : memref<10240x128xf32, #tpu.memory_space<vmem_shared>> -> memref<10240x128xf32, #tpu.memory_space<vmem_shared>>
        tpu.wait_indirect_dma semaphore(%run_scoped3A_178 : memref<!tpu.dma_semaphore, #tpu.memory_space<semaphore_mem>>) src(%arg9 : memref<128x128xf32, #tpu.memory_space<vmem>>) dst(%dma_wait3A_190 : memref<10240x128xf32, #tpu.memory_space<vmem_shared>>)
        tpu.yield
      }) : () -> ()
      %add3A_153 = arith.constant 2 : i32
      %add3A_154 = arith.addi %mul3A_145, %add3A_153 : i32
      %dma_start3A_155 = arith.constant 0 : i32
      %dma_start3A_156 = tpu.memref_slice %arg7[%add3A_154, %dma_start3A_155] : memref<40x128xi32, #tpu.memory_space<vmem>> -> memref<1x128xi32, #tpu.memory_space<vmem>>
      %dma_start3A_157 = tpu.memref_squeeze %dma_start3A_156 : memref<1x128xi32, #tpu.memory_space<vmem>> -> memref<128xi32, #tpu.memory_space<vmem>>
      %dma_start3A_158 = arith.constant 0 : i32
      %dma_start3A_159 = arith.constant 0 : i32
      %dma_start3A_160 = tpu.memref_slice %arg2[%dma_start3A_158, %dma_start3A_159] : memref<10000x128xf32, #tpu.memory_space<hbm>> -> memref<10000x128xf32, #tpu.memory_space<hbm>>
      tpu.enqueue_indirect_dma source(%dma_start3A_160 : memref<10000x128xf32, #tpu.memory_space<hbm>>) target(%arg9 : memref<128x128xf32, #tpu.memory_space<vmem>>) offsets(%dma_start3A_157 : memref<128xi32, #tpu.memory_space<vmem>>) semaphore(%arg11 : memref<!tpu.dma_semaphore, #tpu.memory_space<semaphore_mem>>)
      %dma_wait3A_161 = arith.constant 0 : i32
      %dma_wait3A_162 = arith.constant 0 : i32
      %dma_wait3A_163 = tpu.memref_slice %arg7[%dma_wait3A_161, %dma_wait3A_162] : memref<40x128xi32, #tpu.memory_space<vmem>> -> memref<1x128xi32, #tpu.memory_space<vmem>>
      %dma_wait3A_164 = tpu.memref_squeeze %dma_wait3A_163 : memref<1x128xi32, #tpu.memory_space<vmem>> -> memref<128xi32, #tpu.memory_space<vmem>>
      %dma_wait3A_165 = arith.constant 0 : i32
      %dma_wait3A_166 = arith.constant 0 : i32
      %dma_wait3A_167 = tpu.memref_slice %arg2[%dma_wait3A_165, %dma_wait3A_166] : memref<10000x128xf32, #tpu.memory_space<hbm>> -> memref<10000x128xf32, #tpu.memory_space<hbm>>
      tpu.wait_indirect_dma semaphore(%arg12 : memref<!tpu.dma_semaphore, #tpu.memory_space<semaphore_mem>>) src(%dma_wait3A_167 : memref<10000x128xf32, #tpu.memory_space<hbm>>) dst(%arg10 : memref<128x128xf32, #tpu.memory_space<vmem>>)
      %add3A_168 = arith.constant 1 : i32
      %add3A_169 = arith.addi %mul3A_145, %add3A_168 : i32
      "tpu.region"() ({
        %run_scoped3A_178 = tpu.sem_alloc : memref<!tpu.dma_semaphore, #tpu.memory_space<semaphore_mem>>
        %dma_start3A_179 = arith.constant 0 : i32
        %dma_start3A_180 = tpu.memref_slice %arg8[%add3A_169, %dma_start3A_179] : memref<40x128xi32, #tpu.memory_space<vmem>> -> memref<1x128xi32, #tpu.memory_space<vmem>>
        %dma_start3A_181 = tpu.memref_squeeze %dma_start3A_180 : memref<1x128xi32, #tpu.memory_space<vmem>> -> memref<128xi32, #tpu.memory_space<vmem>>
        %dma_start3A_182 = arith.constant 0 : i32
        %dma_start3A_183 = arith.constant 0 : i32
        %dma_start3A_184 = tpu.memref_slice %arg6[%dma_start3A_182, %dma_start3A_183] : memref<10240x128xf32, #tpu.memory_space<vmem_shared>> -> memref<10240x128xf32, #tpu.memory_space<vmem_shared>>
        tpu.enqueue_indirect_dma source(%arg10 : memref<128x128xf32, #tpu.memory_space<vmem>>) target(%dma_start3A_184 : memref<10240x128xf32, #tpu.memory_space<vmem_shared>>) offsets(%dma_start3A_181 : memref<128xi32, #tpu.memory_space<vmem>>) semaphore(%run_scoped3A_178 : memref<!tpu.dma_semaphore, #tpu.memory_space<semaphore_mem>>) {add = true}
        %dma_wait3A_185 = arith.constant 0 : i32
        %dma_wait3A_186 = tpu.memref_slice %arg8[%add3A_169, %dma_wait3A_185] : memref<40x128xi32, #tpu.memory_space<vmem>> -> memref<1x128xi32, #tpu.memory_space<vmem>>
        %dma_wait3A_187 = tpu.memref_squeeze %dma_wait3A_186 : memref<1x128xi32, #tpu.memory_space<vmem>> -> memref<128xi32, #tpu.memory_space<vmem>>
        %dma_wait3A_188 = arith.constant 0 : i32
        %dma_wait3A_189 = arith.constant 0 : i32
        %dma_wait3A_190 = tpu.memref_slice %arg6[%dma_wait3A_188, %dma_wait3A_189] : memref<10240x128xf32, #tpu.memory_space<vmem_shared>> -> memref<10240x128xf32, #tpu.memory_space<vmem_shared>>
        tpu.wait_indirect_dma semaphore(%run_scoped3A_178 : memref<!tpu.dma_semaphore, #tpu.memory_space<semaphore_mem>>) src(%arg10 : memref<128x128xf32, #tpu.memory_space<vmem>>) dst(%dma_wait3A_190 : memref<10240x128xf32, #tpu.memory_space<vmem_shared>>)
        tpu.yield
      }) : () -> ()
      %add3A_170 = arith.constant 3 : i32
      %add3A_171 = arith.addi %mul3A_145, %add3A_170 : i32
      %dma_start3A_172 = arith.constant 0 : i32
      %dma_start3A_173 = tpu.memref_slice %arg7[%add3A_171, %dma_start3A_172] : memref<40x128xi32, #tpu.memory_space<vmem>> -> memref<1x128xi32, #tpu.memory_space<vmem>>
      %dma_start3A_174 = tpu.memref_squeeze %dma_start3A_173 : memref<1x128xi32, #tpu.memory_space<vmem>> -> memref<128xi32, #tpu.memory_space<vmem>>
      %dma_start3A_175 = arith.constant 0 : i32
      %dma_start3A_176 = arith.constant 0 : i32
      %dma_start3A_177 = tpu.memref_slice %arg2[%dma_start3A_175, %dma_start3A_176] : memref<10000x128xf32, #tpu.memory_space<hbm>> -> memref<10000x128xf32, #tpu.memory_space<hbm>>
      tpu.enqueue_indirect_dma source(%dma_start3A_177 : memref<10000x128xf32, #tpu.memory_space<hbm>>) target(%arg10 : memref<128x128xf32, #tpu.memory_space<vmem>>) offsets(%dma_start3A_174 : memref<128xi32, #tpu.memory_space<vmem>>) semaphore(%arg12 : memref<!tpu.dma_semaphore, #tpu.memory_space<semaphore_mem>>)
    }
    %scan3A_118 = arith.constant 19 : i32
    %dma_wait3A_119 = arith.constant 0 : i32
    %dma_wait3A_120 = arith.constant 0 : i32
    %dma_wait3A_121 = tpu.memref_slice %arg7[%dma_wait3A_119, %dma_wait3A_120] : memref<40x128xi32, #tpu.memory_space<vmem>> -> memref<1x128xi32, #tpu.memory_space<vmem>>
    %dma_wait3A_122 = tpu.memref_squeeze %dma_wait3A_121 : memref<1x128xi32, #tpu.memory_space<vmem>> -> memref<128xi32, #tpu.memory_space<vmem>>
    %dma_wait3A_123 = arith.constant 0 : i32
    %dma_wait3A_124 = arith.constant 0 : i32
    %dma_wait3A_125 = tpu.memref_slice %arg2[%dma_wait3A_123, %dma_wait3A_124] : memref<10000x128xf32, #tpu.memory_space<hbm>> -> memref<10000x128xf32, #tpu.memory_space<hbm>>
    tpu.wait_indirect_dma semaphore(%arg11 : memref<!tpu.dma_semaphore, #tpu.memory_space<semaphore_mem>>) src(%dma_wait3A_125 : memref<10000x128xf32, #tpu.memory_space<hbm>>) dst(%arg9 : memref<128x128xf32, #tpu.memory_space<vmem>>)
    %run_scoped3A_126 = arith.constant 38 : i32
    "tpu.region"() ({
      %run_scoped3A_143 = tpu.sem_alloc : memref<!tpu.dma_semaphore, #tpu.memory_space<semaphore_mem>>
      %dma_start3A_144 = arith.constant 0 : i32
      %dma_start3A_145 = tpu.memref_slice %arg8[%run_scoped3A_126, %dma_start3A_144] : memref<40x128xi32, #tpu.memory_space<vmem>> -> memref<1x128xi32, #tpu.memory_space<vmem>>
      %dma_start3A_146 = tpu.memref_squeeze %dma_start3A_145 : memref<1x128xi32, #tpu.memory_space<vmem>> -> memref<128xi32, #tpu.memory_space<vmem>>
      %dma_start3A_147 = arith.constant 0 : i32
      %dma_start3A_148 = arith.constant 0 : i32
      %dma_start3A_149 = tpu.memref_slice %arg6[%dma_start3A_147, %dma_start3A_148] : memref<10240x128xf32, #tpu.memory_space<vmem_shared>> -> memref<10240x128xf32, #tpu.memory_space<vmem_shared>>
      tpu.enqueue_indirect_dma source(%arg9 : memref<128x128xf32, #tpu.memory_space<vmem>>) target(%dma_start3A_149 : memref<10240x128xf32, #tpu.memory_space<vmem_shared>>) offsets(%dma_start3A_146 : memref<128xi32, #tpu.memory_space<vmem>>) semaphore(%run_scoped3A_143 : memref<!tpu.dma_semaphore, #tpu.memory_space<semaphore_mem>>) {add = true}
      %dma_wait3A_150 = arith.constant 0 : i32
      %dma_wait3A_151 = tpu.memref_slice %arg8[%run_scoped3A_126, %dma_wait3A_150] : memref<40x128xi32, #tpu.memory_space<vmem>> -> memref<1x128xi32, #tpu.memory_space<vmem>>
      %dma_wait3A_152 = tpu.memref_squeeze %dma_wait3A_151 : memref<1x128xi32, #tpu.memory_space<vmem>> -> memref<128xi32, #tpu.memory_space<vmem>>
      %dma_wait3A_153 = arith.constant 0 : i32
      %dma_wait3A_154 = arith.constant 0 : i32
      %dma_wait3A_155 = tpu.memref_slice %arg6[%dma_wait3A_153, %dma_wait3A_154] : memref<10240x128xf32, #tpu.memory_space<vmem_shared>> -> memref<10240x128xf32, #tpu.memory_space<vmem_shared>>
      tpu.wait_indirect_dma semaphore(%run_scoped3A_143 : memref<!tpu.dma_semaphore, #tpu.memory_space<semaphore_mem>>) src(%arg9 : memref<128x128xf32, #tpu.memory_space<vmem>>) dst(%dma_wait3A_155 : memref<10240x128xf32, #tpu.memory_space<vmem_shared>>)
      tpu.yield
    }) : () -> ()
    %dma_wait3A_127 = arith.constant 0 : i32
    %dma_wait3A_128 = arith.constant 0 : i32
    %dma_wait3A_129 = tpu.memref_slice %arg7[%dma_wait3A_127, %dma_wait3A_128] : memref<40x128xi32, #tpu.memory_space<vmem>> -> memref<1x128xi32, #tpu.memory_space<vmem>>
    %dma_wait3A_130 = tpu.memref_squeeze %dma_wait3A_129 : memref<1x128xi32, #tpu.memory_space<vmem>> -> memref<128xi32, #tpu.memory_space<vmem>>
    %dma_wait3A_131 = arith.constant 0 : i32
    %dma_wait3A_132 = arith.constant 0 : i32
    %dma_wait3A_133 = tpu.memref_slice %arg2[%dma_wait3A_131, %dma_wait3A_132] : memref<10000x128xf32, #tpu.memory_space<hbm>> -> memref<10000x128xf32, #tpu.memory_space<hbm>>
    tpu.wait_indirect_dma semaphore(%arg12 : memref<!tpu.dma_semaphore, #tpu.memory_space<semaphore_mem>>) src(%dma_wait3A_133 : memref<10000x128xf32, #tpu.memory_space<hbm>>) dst(%arg10 : memref<128x128xf32, #tpu.memory_space<vmem>>)
    %run_scoped3A_134 = arith.constant 39 : i32
    "tpu.region"() ({
      %run_scoped3A_143 = tpu.sem_alloc : memref<!tpu.dma_semaphore, #tpu.memory_space<semaphore_mem>>
      %dma_start3A_144 = arith.constant 0 : i32
      %dma_start3A_145 = tpu.memref_slice %arg8[%run_scoped3A_134, %dma_start3A_144] : memref<40x128xi32, #tpu.memory_space<vmem>> -> memref<1x128xi32, #tpu.memory_space<vmem>>
      %dma_start3A_146 = tpu.memref_squeeze %dma_start3A_145 : memref<1x128xi32, #tpu.memory_space<vmem>> -> memref<128xi32, #tpu.memory_space<vmem>>
      %dma_start3A_147 = arith.constant 0 : i32
      %dma_start3A_148 = arith.constant 0 : i32
      %dma_start3A_149 = tpu.memref_slice %arg6[%dma_start3A_147, %dma_start3A_148] : memref<10240x128xf32, #tpu.memory_space<vmem_shared>> -> memref<10240x128xf32, #tpu.memory_space<vmem_shared>>
      tpu.enqueue_indirect_dma source(%arg10 : memref<128x128xf32, #tpu.memory_space<vmem>>) target(%dma_start3A_149 : memref<10240x128xf32, #tpu.memory_space<vmem_shared>>) offsets(%dma_start3A_146 : memref<128xi32, #tpu.memory_space<vmem>>) semaphore(%run_scoped3A_143 : memref<!tpu.dma_semaphore, #tpu.memory_space<semaphore_mem>>) {add = true}
      %dma_wait3A_150 = arith.constant 0 : i32
      %dma_wait3A_151 = tpu.memref_slice %arg8[%run_scoped3A_134, %dma_wait3A_150] : memref<40x128xi32, #tpu.memory_space<vmem>> -> memref<1x128xi32, #tpu.memory_space<vmem>>
      %dma_wait3A_152 = tpu.memref_squeeze %dma_wait3A_151 : memref<1x128xi32, #tpu.memory_space<vmem>> -> memref<128xi32, #tpu.memory_space<vmem>>
      %dma_wait3A_153 = arith.constant 0 : i32
      %dma_wait3A_154 = arith.constant 0 : i32
      %dma_wait3A_155 = tpu.memref_slice %arg6[%dma_wait3A_153, %dma_wait3A_154] : memref<10240x128xf32, #tpu.memory_space<vmem_shared>> -> memref<10240x128xf32, #tpu.memory_space<vmem_shared>>
      tpu.wait_indirect_dma semaphore(%run_scoped3A_143 : memref<!tpu.dma_semaphore, #tpu.memory_space<semaphore_mem>>) src(%arg10 : memref<128x128xf32, #tpu.memory_space<vmem>>) dst(%dma_wait3A_155 : memref<10240x128xf32, #tpu.memory_space<vmem_shared>>)
      tpu.yield
    }) : () -> ()
    %barrier3A_135 = arith.constant 0 : index
    tpu.barrier barrier_id(%barrier3A_135)
    %mul3A_136 = arith.constant 640 : i32
    %mul3A_137 = arith.muli %arg1, %mul3A_136 : i32
    %mul3A_138 = arith.constant 10240 : i32
    %mul3A_139 = arith.muli %arg0, %mul3A_138 : i32
    %mul3A_140 = arith.constant 640 : i32
    %mul3A_141 = arith.muli %arg1, %mul3A_140 : i32
    %add3A_142 = arith.addi %mul3A_139, %mul3A_141 : i32
    "tpu.region"() ({
      %run_scoped3A_143 = tpu.sem_alloc : memref<!tpu.dma_semaphore, #tpu.memory_space<semaphore_mem>>
      %dma_start3A_144 = arith.constant 0 : i32
      %dma_start3A_145 = tpu.memref_slice %arg5[%add3A_142, %dma_start3A_144] : memref<20480x128xf32, #tpu.memory_space<hbm>> -> memref<640x128xf32, #tpu.memory_space<hbm>>
      %dma_start3A_146 = arith.constant 0 : i32
      %dma_start3A_147 = tpu.memref_slice %arg6[%mul3A_137, %dma_start3A_146] : memref<10240x128xf32, #tpu.memory_space<vmem_shared>> -> memref<640x128xf32, #tpu.memory_space<vmem_shared>>
      tpu.enqueue_dma source(%dma_start3A_147 : memref<640x128xf32, #tpu.memory_space<vmem_shared>>) target(%dma_start3A_145 : memref<640x128xf32, #tpu.memory_space<hbm>>) target_semaphore(%run_scoped3A_143 : memref<!tpu.dma_semaphore, #tpu.memory_space<semaphore_mem>>)
      %dma_wait3A_148 = arith.constant 0 : i32
      %dma_wait3A_149 = tpu.memref_slice %arg5[%add3A_142, %dma_wait3A_148] : memref<20480x128xf32, #tpu.memory_space<hbm>> -> memref<640x128xf32, #tpu.memory_space<hbm>>
      %dma_wait3A_150 = arith.constant 0 : i32
      %dma_wait3A_151 = tpu.memref_slice %arg6[%mul3A_137, %dma_wait3A_150] : memref<10240x128xf32, #tpu.memory_space<vmem_shared>> -> memref<640x128xf32, #tpu.memory_space<vmem_shared>>
      tpu.wait_dma2 semaphore(%run_scoped3A_143 : memref<!tpu.dma_semaphore, #tpu.memory_space<semaphore_mem>>) src(%dma_wait3A_151 : memref<640x128xf32, #tpu.memory_space<vmem_shared>>) dst(%dma_wait3A_149 : memref<640x128xf32, #tpu.memory_space<hbm>>)
      tpu.yield
    }) : () -> ()
    return
  }
}

#map = affine_map<(d0, d1) -> (0, 0)>
#map1 = affine_map<(d0, d1) -> (0, 0, 0)>
module attributes {stable_mosaic.version = 14 : i64} {
  func.func @k(%arg0: i32, %arg1: i32, %arg2: memref<10000x128xf32, #tpu.memory_space<hbm>>, %arg3: memref<32x80x128xi32, #tpu.memory_space<hbm>>, %arg4: memref<32x80x128xi32, #tpu.memory_space<hbm>>, %arg5: memref<20480x128xf32, #tpu.memory_space<hbm>>, %arg6: memref<10240x128xf32, #tpu.memory_space<vmem_shared>>, %arg7: memref<40x128xi32, #tpu.memory_space<vmem>>, %arg8: memref<40x128xi32, #tpu.memory_space<vmem>>, %arg9: memref<128x128xf32, #tpu.memory_space<vmem>>, %arg10: memref<128x128xf32, #tpu.memory_space<vmem>>, %arg11: memref<!tpu.dma_semaphore, #tpu.memory_space<semaphore_mem>>, %arg12: memref<!tpu.dma_semaphore, #tpu.memory_space<semaphore_mem>>, %arg13: memref<!tpu.dma_semaphore, #tpu.memory_space<semaphore_mem>>) attributes {dimension_semantics = [#tpu.dimension_semantics<core_parallel>, #tpu.dimension_semantics<subcore_parallel>], iteration_bounds = array<i64: 2, 16>, scalar_prefetch = 0 : i64, scratch_operands = 8 : i64, tpu.core_type = #tpu.core_type<sc_vector_subcore>, window_params = [{transform_indices = #map}, {transform_indices = #map1}, {transform_indices = #map1}, {transform_indices = #map}]} {
    %mul3A = arith.constant 16 : i32
    %mul3A_0 = arith.muli %arg0, %mul3A : i32
    %add3A = arith.addi %mul3A_0, %arg1 : i32
    %scan3A = arith.constant 0 : i32
    %scan3A_1 = arith.constant 0 : i32
    %scan3A_2 = arith.constant 1024 : i32
    %scan3A_3 = arith.addi %scan3A_1, %scan3A_2 : i32
    %scan3A_4 = arith.constant 1 : i32
    scf.for %scan3A_143 = %scan3A_1 to %scan3A_3 step %scan3A_4  : i32 {
      %jit3A = arith.constant 8 : i32
      %div3A = arith.divsi %scan3A_143, %jit3A : i32
      %sign3A = arith.constant 0 : i32
      %sign3A_144 = arith.cmpi sgt, %scan3A_143, %sign3A : i32
      %sign3A_145 = arith.extui %sign3A_144 : i1 to i32
      %sign3A_146 = arith.constant 0 : i32
      %sign3A_147 = arith.cmpi slt, %scan3A_143, %sign3A_146 : i32
      %sign3A_148 = arith.extui %sign3A_147 : i1 to i32
      %sign3A_149 = arith.subi %sign3A_145, %sign3A_148 : i32
      %sign3A_150 = arith.constant 0 : i32
      %sign3A_151 = arith.cmpi sgt, %jit3A, %sign3A_150 : i32
      %sign3A_152 = arith.extui %sign3A_151 : i1 to i32
      %sign3A_153 = arith.constant 0 : i32
      %sign3A_154 = arith.cmpi slt, %jit3A, %sign3A_153 : i32
      %sign3A_155 = arith.extui %sign3A_154 : i1 to i32
      %sign3A_156 = arith.subi %sign3A_152, %sign3A_155 : i32
      %ne3A = arith.cmpi ne, %sign3A_149, %sign3A_156 : i32
      %rem3A = arith.remsi %scan3A_143, %jit3A : i32
      %ne3A_157 = arith.constant 0 : i32
      %ne3A_158 = arith.cmpi ne, %rem3A, %ne3A_157 : i32
      %and3A = arith.andi %ne3A, %ne3A_158 : i1
      %sub3A = arith.constant 1 : i32
      %sub3A_159 = arith.subi %div3A, %sub3A : i32
      %select_n3A = arith.select %and3A, %sub3A_159, %div3A : i32
      %jit3A_160 = arith.constant 8 : i32
      %eq3A = arith.constant 0 : i32
      %eq3A_161 = arith.cmpi eq, %jit3A_160, %eq3A : i32
      %jit3A_162 = arith.constant 1 : i32
      %select_n3A_163 = arith.select %eq3A_161, %jit3A_162, %jit3A_160 : i32
      %rem3A_164 = arith.remsi %scan3A_143, %select_n3A_163 : i32
      %ne3A_165 = arith.constant 0 : i32
      %ne3A_166 = arith.cmpi ne, %rem3A_164, %ne3A_165 : i32
      %lt3A = arith.constant 0 : i32
      %lt3A_167 = arith.cmpi slt, %rem3A_164, %lt3A : i32
      %lt3A_168 = arith.constant 0 : i32
      %lt3A_169 = arith.cmpi slt, %select_n3A_163, %lt3A_168 : i32
      %ne3A_170 = arith.xori %lt3A_167, %lt3A_169 : i1
      %and3A_171 = arith.andi %ne3A_170, %ne3A_166 : i1
      %add3A_172 = arith.addi %rem3A_164, %select_n3A_163 : i32
      %select_n3A_173 = arith.select %and3A_171, %add3A_172, %rem3A_164 : i32
      %mul3A_174 = arith.constant 16 : i32
      %mul3A_175 = arith.muli %select_n3A_173, %mul3A_174 : i32
      %broadcast_in_dim3A = arith.constant 0.000000e+00 : f32
      %broadcast_in_dim3A_176 = vector.broadcast %broadcast_in_dim3A : f32 to vector<16xf32>
      %swap3A = arith.index_cast %select_n3A : i32 to index
      %swap3A_177 = arith.index_cast %mul3A_175 : i32 to index
      %swap3A_178 = tpu.vector_load %arg9[%swap3A, %swap3A_177] {strides = array<i32>} : memref<128x128xf32, #tpu.memory_space<vmem>>, vector<1x16xf32>,
      %swap3A_179 = vector.shape_cast %swap3A_178 : vector<1x16xf32> to vector<16xf32>
      %swap3A_180 = vector.shape_cast %broadcast_in_dim3A_176 : vector<16xf32> to vector<1x16xf32>
      tpu.vector_store %arg9[%swap3A, %swap3A_177], %swap3A_180 {strides = array<i32>} : memref<128x128xf32, #tpu.memory_space<vmem>>, vector<1x16xf32>,
    }
    %scan3A_5 = arith.constant 1024 : i32
    %mul3A_6 = arith.constant 640 : i32
    %mul3A_7 = arith.muli %arg1, %mul3A_6 : i32
    %add3A_8 = arith.constant 0 : i32
    %add3A_9 = arith.addi %mul3A_7, %add3A_8 : i32
    %dma_start3A = arith.constant 0 : i32
    %dma_start3A_10 = tpu.memref_slice %arg6[%add3A_9, %dma_start3A] : memref<10240x128xf32, #tpu.memory_space<vmem_shared>> -> memref<128x128xf32, #tpu.memory_space<vmem_shared>>
    %dma_start3A_11 = arith.constant 0 : i32
    %dma_start3A_12 = tpu.memref_slice %arg6[%add3A_9, %dma_start3A_11] : memref<10240x128xf32, #tpu.memory_space<vmem_shared>> -> memref<128x128xf32, #tpu.memory_space<vmem_shared>>
    tpu.enqueue_dma source(%arg9 : memref<128x128xf32, #tpu.memory_space<vmem>>) target(%dma_start3A_12 : memref<128x128xf32, #tpu.memory_space<vmem_shared>>) target_semaphore(%arg13 : memref<!tpu.dma_semaphore, #tpu.memory_space<semaphore_mem>>)
    %mul3A_13 = arith.constant 640 : i32
    %mul3A_14 = arith.muli %arg1, %mul3A_13 : i32
    %add3A_15 = arith.constant 128 : i32
    %add3A_16 = arith.addi %mul3A_14, %add3A_15 : i32
    %dma_start3A_17 = arith.constant 0 : i32
    %dma_start3A_18 = tpu.memref_slice %arg6[%add3A_16, %dma_start3A_17] : memref<10240x128xf32, #tpu.memory_space<vmem_shared>> -> memref<128x128xf32, #tpu.memory_space<vmem_shared>>
    %dma_start3A_19 = arith.constant 0 : i32
    %dma_start3A_20 = tpu.memref_slice %arg6[%add3A_16, %dma_start3A_19] : memref<10240x128xf32, #tpu.memory_space<vmem_shared>> -> memref<128x128xf32, #tpu.memory_space<vmem_shared>>
    tpu.enqueue_dma source(%arg9 : memref<128x128xf32, #tpu.memory_space<vmem>>) target(%dma_start3A_20 : memref<128x128xf32, #tpu.memory_space<vmem_shared>>) target_semaphore(%arg13 : memref<!tpu.dma_semaphore, #tpu.memory_space<semaphore_mem>>)
    %mul3A_21 = arith.constant 640 : i32
    %mul3A_22 = arith.muli %arg1, %mul3A_21 : i32
    %add3A_23 = arith.constant 256 : i32
    %add3A_24 = arith.addi %mul3A_22, %add3A_23 : i32
    %dma_start3A_25 = arith.constant 0 : i32
    %dma_start3A_26 = tpu.memref_slice %arg6[%add3A_24, %dma_start3A_25] : memref<10240x128xf32, #tpu.memory_space<vmem_shared>> -> memref<128x128xf32, #tpu.memory_space<vmem_shared>>
    %dma_start3A_27 = arith.constant 0 : i32
    %dma_start3A_28 = tpu.memref_slice %arg6[%add3A_24, %dma_start3A_27] : memref<10240x128xf32, #tpu.memory_space<vmem_shared>> -> memref<128x128xf32, #tpu.memory_space<vmem_shared>>
    tpu.enqueue_dma source(%arg9 : memref<128x128xf32, #tpu.memory_space<vmem>>) target(%dma_start3A_28 : memref<128x128xf32, #tpu.memory_space<vmem_shared>>) target_semaphore(%arg13 : memref<!tpu.dma_semaphore, #tpu.memory_space<semaphore_mem>>)
    %mul3A_29 = arith.constant 640 : i32
    %mul3A_30 = arith.muli %arg1, %mul3A_29 : i32
    %add3A_31 = arith.constant 384 : i32
    %add3A_32 = arith.addi %mul3A_30, %add3A_31 : i32
    %dma_start3A_33 = arith.constant 0 : i32
    %dma_start3A_34 = tpu.memref_slice %arg6[%add3A_32, %dma_start3A_33] : memref<10240x128xf32, #tpu.memory_space<vmem_shared>> -> memref<128x128xf32, #tpu.memory_space<vmem_shared>>
    %dma_start3A_35 = arith.constant 0 : i32
    %dma_start3A_36 = tpu.memref_slice %arg6[%add3A_32, %dma_start3A_35] : memref<10240x128xf32, #tpu.memory_space<vmem_shared>> -> memref<128x128xf32, #tpu.memory_space<vmem_shared>>
    tpu.enqueue_dma source(%arg9 : memref<128x128xf32, #tpu.memory_space<vmem>>) target(%dma_start3A_36 : memref<128x128xf32, #tpu.memory_space<vmem_shared>>) target_semaphore(%arg13 : memref<!tpu.dma_semaphore, #tpu.memory_space<semaphore_mem>>)
    %mul3A_37 = arith.constant 640 : i32
    %mul3A_38 = arith.muli %arg1, %mul3A_37 : i32
    %add3A_39 = arith.constant 512 : i32
    %add3A_40 = arith.addi %mul3A_38, %add3A_39 : i32
    %dma_start3A_41 = arith.constant 0 : i32
    %dma_start3A_42 = tpu.memref_slice %arg6[%add3A_40, %dma_start3A_41] : memref<10240x128xf32, #tpu.memory_space<vmem_shared>> -> memref<128x128xf32, #tpu.memory_space<vmem_shared>>
    %dma_start3A_43 = arith.constant 0 : i32
    %dma_start3A_44 = tpu.memref_slice %arg6[%add3A_40, %dma_start3A_43] : memref<10240x128xf32, #tpu.memory_space<vmem_shared>> -> memref<128x128xf32, #tpu.memory_space<vmem_shared>>
    tpu.enqueue_dma source(%arg9 : memref<128x128xf32, #tpu.memory_space<vmem>>) target(%dma_start3A_44 : memref<128x128xf32, #tpu.memory_space<vmem_shared>>) target_semaphore(%arg13 : memref<!tpu.dma_semaphore, #tpu.memory_space<semaphore_mem>>)
    %dma_wait3A = arith.constant 0 : i32
    %dma_wait3A_45 = tpu.memref_slice %arg6[%add3A_9, %dma_wait3A] : memref<10240x128xf32, #tpu.memory_space<vmem_shared>> -> memref<128x128xf32, #tpu.memory_space<vmem_shared>>
    %dma_wait3A_46 = arith.constant 0 : i32
    %dma_wait3A_47 = tpu.memref_slice %arg6[%add3A_9, %dma_wait3A_46] : memref<10240x128xf32, #tpu.memory_space<vmem_shared>> -> memref<128x128xf32, #tpu.memory_space<vmem_shared>>
    tpu.wait_dma2 semaphore(%arg13 : memref<!tpu.dma_semaphore, #tpu.memory_space<semaphore_mem>>) src(%arg9 : memref<128x128xf32, #tpu.memory_space<vmem>>) dst(%dma_wait3A_47 : memref<128x128xf32, #tpu.memory_space<vmem_shared>>)
    %dma_wait3A_48 = arith.constant 0 : i32
    %dma_wait3A_49 = tpu.memref_slice %arg6[%add3A_16, %dma_wait3A_48] : memref<10240x128xf32, #tpu.memory_space<vmem_shared>> -> memref<128x128xf32, #tpu.memory_space<vmem_shared>>
    %dma_wait3A_50 = arith.constant 0 : i32
    %dma_wait3A_51 = tpu.memref_slice %arg6[%add3A_16, %dma_wait3A_50] : memref<10240x128xf32, #tpu.memory_space<vmem_shared>> -> memref<128x128xf32, #tpu.memory_space<vmem_shared>>
    tpu.wait_dma2 semaphore(%arg13 : memref<!tpu.dma_semaphore, #tpu.memory_space<semaphore_mem>>) src(%arg9 : memref<128x128xf32, #tpu.memory_space<vmem>>) dst(%dma_wait3A_51 : memref<128x128xf32, #tpu.memory_space<vmem_shared>>)
    %dma_wait3A_52 = arith.constant 0 : i32
    %dma_wait3A_53 = tpu.memref_slice %arg6[%add3A_24, %dma_wait3A_52] : memref<10240x128xf32, #tpu.memory_space<vmem_shared>> -> memref<128x128xf32, #tpu.memory_space<vmem_shared>>
    %dma_wait3A_54 = arith.constant 0 : i32
    %dma_wait3A_55 = tpu.memref_slice %arg6[%add3A_24, %dma_wait3A_54] : memref<10240x128xf32, #tpu.memory_space<vmem_shared>> -> memref<128x128xf32, #tpu.memory_space<vmem_shared>>
    tpu.wait_dma2 semaphore(%arg13 : memref<!tpu.dma_semaphore, #tpu.memory_space<semaphore_mem>>) src(%arg9 : memref<128x128xf32, #tpu.memory_space<vmem>>) dst(%dma_wait3A_55 : memref<128x128xf32, #tpu.memory_space<vmem_shared>>)
    %dma_wait3A_56 = arith.constant 0 : i32
    %dma_wait3A_57 = tpu.memref_slice %arg6[%add3A_32, %dma_wait3A_56] : memref<10240x128xf32, #tpu.memory_space<vmem_shared>> -> memref<128x128xf32, #tpu.memory_space<vmem_shared>>
    %dma_wait3A_58 = arith.constant 0 : i32
    %dma_wait3A_59 = tpu.memref_slice %arg6[%add3A_32, %dma_wait3A_58] : memref<10240x128xf32, #tpu.memory_space<vmem_shared>> -> memref<128x128xf32, #tpu.memory_space<vmem_shared>>
    tpu.wait_dma2 semaphore(%arg13 : memref<!tpu.dma_semaphore, #tpu.memory_space<semaphore_mem>>) src(%arg9 : memref<128x128xf32, #tpu.memory_space<vmem>>) dst(%dma_wait3A_59 : memref<128x128xf32, #tpu.memory_space<vmem_shared>>)
    %dma_wait3A_60 = arith.constant 0 : i32
    %dma_wait3A_61 = tpu.memref_slice %arg6[%add3A_40, %dma_wait3A_60] : memref<10240x128xf32, #tpu.memory_space<vmem_shared>> -> memref<128x128xf32, #tpu.memory_space<vmem_shared>>
    %dma_wait3A_62 = arith.constant 0 : i32
    %dma_wait3A_63 = tpu.memref_slice %arg6[%add3A_40, %dma_wait3A_62] : memref<10240x128xf32, #tpu.memory_space<vmem_shared>> -> memref<128x128xf32, #tpu.memory_space<vmem_shared>>
    tpu.wait_dma2 semaphore(%arg13 : memref<!tpu.dma_semaphore, #tpu.memory_space<semaphore_mem>>) src(%arg9 : memref<128x128xf32, #tpu.memory_space<vmem>>) dst(%dma_wait3A_63 : memref<128x128xf32, #tpu.memory_space<vmem_shared>>)
    %barrier3A = arith.constant 0 : index
    tpu.barrier barrier_id(%barrier3A)
    "tpu.region"() ({
      %run_scoped3A_143 = tpu.sem_alloc : memref<!tpu.dma_semaphore, #tpu.memory_space<semaphore_mem>>
      %dma_start3A_144 = arith.constant 0 : i32
      %dma_start3A_145 = arith.constant 0 : i32
      %dma_start3A_146 = tpu.memref_slice %arg3[%add3A, %dma_start3A_144, %dma_start3A_145] : memref<32x80x128xi32, #tpu.memory_space<hbm>> -> memref<1x40x128xi32, #tpu.memory_space<hbm>>
      %dma_start3A_147 = tpu.memref_squeeze %dma_start3A_146 : memref<1x40x128xi32, #tpu.memory_space<hbm>> -> memref<40x128xi32, #tpu.memory_space<hbm>>
      %dma_start3A_148 = arith.constant 0 : i32
      %dma_start3A_149 = arith.constant 0 : i32
      %dma_start3A_150 = tpu.memref_slice %arg3[%add3A, %dma_start3A_148, %dma_start3A_149] : memref<32x80x128xi32, #tpu.memory_space<hbm>> -> memref<1x40x128xi32, #tpu.memory_space<hbm>>
      %dma_start3A_151 = tpu.memref_squeeze %dma_start3A_150 : memref<1x40x128xi32, #tpu.memory_space<hbm>> -> memref<40x128xi32, #tpu.memory_space<hbm>>
      tpu.enqueue_dma source(%dma_start3A_151 : memref<40x128xi32, #tpu.memory_space<hbm>>) target(%arg7 : memref<40x128xi32, #tpu.memory_space<vmem>>) target_semaphore(%run_scoped3A_143 : memref<!tpu.dma_semaphore, #tpu.memory_space<semaphore_mem>>)
      %dma_wait3A_152 = arith.constant 0 : i32
      %dma_wait3A_153 = arith.constant 0 : i32
      %dma_wait3A_154 = tpu.memref_slice %arg3[%add3A, %dma_wait3A_152, %dma_wait3A_153] : memref<32x80x128xi32, #tpu.memory_space<hbm>> -> memref<1x40x128xi32, #tpu.memory_space<hbm>>
      %dma_wait3A_155 = tpu.memref_squeeze %dma_wait3A_154 : memref<1x40x128xi32, #tpu.memory_space<hbm>> -> memref<40x128xi32, #tpu.memory_space<hbm>>
      %dma_wait3A_156 = arith.constant 0 : i32
      %dma_wait3A_157 = arith.constant 0 : i32
      %dma_wait3A_158 = tpu.memref_slice %arg3[%add3A, %dma_wait3A_156, %dma_wait3A_157] : memref<32x80x128xi32, #tpu.memory_space<hbm>> -> memref<1x40x128xi32, #tpu.memory_space<hbm>>
      %dma_wait3A_159 = tpu.memref_squeeze %dma_wait3A_158 : memref<1x40x128xi32, #tpu.memory_space<hbm>> -> memref<40x128xi32, #tpu.memory_space<hbm>>
      tpu.wait_dma2 semaphore(%run_scoped3A_143 : memref<!tpu.dma_semaphore, #tpu.memory_space<semaphore_mem>>) src(%dma_wait3A_159 : memref<40x128xi32, #tpu.memory_space<hbm>>) dst(%arg7 : memref<40x128xi32, #tpu.memory_space<vmem>>)
      tpu.yield
    }) : () -> ()
    "tpu.region"() ({
      %run_scoped3A_143 = tpu.sem_alloc : memref<!tpu.dma_semaphore, #tpu.memory_space<semaphore_mem>>
      %dma_start3A_144 = arith.constant 0 : i32
      %dma_start3A_145 = arith.constant 0 : i32
      %dma_start3A_146 = tpu.memref_slice %arg4[%add3A, %dma_start3A_144, %dma_start3A_145] : memref<32x80x128xi32, #tpu.memory_space<hbm>> -> memref<1x40x128xi32, #tpu.memory_space<hbm>>
      %dma_start3A_147 = tpu.memref_squeeze %dma_start3A_146 : memref<1x40x128xi32, #tpu.memory_space<hbm>> -> memref<40x128xi32, #tpu.memory_space<hbm>>
      %dma_start3A_148 = arith.constant 0 : i32
      %dma_start3A_149 = arith.constant 0 : i32
      %dma_start3A_150 = tpu.memref_slice %arg4[%add3A, %dma_start3A_148, %dma_start3A_149] : memref<32x80x128xi32, #tpu.memory_space<hbm>> -> memref<1x40x128xi32, #tpu.memory_space<hbm>>
      %dma_start3A_151 = tpu.memref_squeeze %dma_start3A_150 : memref<1x40x128xi32, #tpu.memory_space<hbm>> -> memref<40x128xi32, #tpu.memory_space<hbm>>
      tpu.enqueue_dma source(%dma_start3A_151 : memref<40x128xi32, #tpu.memory_space<hbm>>) target(%arg8 : memref<40x128xi32, #tpu.memory_space<vmem>>) target_semaphore(%run_scoped3A_143 : memref<!tpu.dma_semaphore, #tpu.memory_space<semaphore_mem>>)
      %dma_wait3A_152 = arith.constant 0 : i32
      %dma_wait3A_153 = arith.constant 0 : i32
      %dma_wait3A_154 = tpu.memref_slice %arg4[%add3A, %dma_wait3A_152, %dma_wait3A_153] : memref<32x80x128xi32, #tpu.memory_space<hbm>> -> memref<1x40x128xi32, #tpu.memory_space<hbm>>
      %dma_wait3A_155 = tpu.memref_squeeze %dma_wait3A_154 : memref<1x40x128xi32, #tpu.memory_space<hbm>> -> memref<40x128xi32, #tpu.memory_space<hbm>>
      %dma_wait3A_156 = arith.constant 0 : i32
      %dma_wait3A_157 = arith.constant 0 : i32
      %dma_wait3A_158 = tpu.memref_slice %arg4[%add3A, %dma_wait3A_156, %dma_wait3A_157] : memref<32x80x128xi32, #tpu.memory_space<hbm>> -> memref<1x40x128xi32, #tpu.memory_space<hbm>>
      %dma_wait3A_159 = tpu.memref_squeeze %dma_wait3A_158 : memref<1x40x128xi32, #tpu.memory_space<hbm>> -> memref<40x128xi32, #tpu.memory_space<hbm>>
      tpu.wait_dma2 semaphore(%run_scoped3A_143 : memref<!tpu.dma_semaphore, #tpu.memory_space<semaphore_mem>>) src(%dma_wait3A_159 : memref<40x128xi32, #tpu.memory_space<hbm>>) dst(%arg8 : memref<40x128xi32, #tpu.memory_space<vmem>>)
      tpu.yield
    }) : () -> ()
    %dma_start3A_64 = arith.constant 0 : i32
    %dma_start3A_65 = arith.constant 0 : i32
    %dma_start3A_66 = tpu.memref_slice %arg7[%dma_start3A_64, %dma_start3A_65] : memref<40x128xi32, #tpu.memory_space<vmem>> -> memref<1x128xi32, #tpu.memory_space<vmem>>
    %dma_start3A_67 = tpu.memref_squeeze %dma_start3A_66 : memref<1x128xi32, #tpu.memory_space<vmem>> -> memref<128xi32, #tpu.memory_space<vmem>>
    %dma_start3A_68 = arith.constant 0 : i32
    %dma_start3A_69 = arith.constant 0 : i32
    %dma_start3A_70 = tpu.memref_slice %arg2[%dma_start3A_68, %dma_start3A_69] : memref<10000x128xf32, #tpu.memory_space<hbm>> -> memref<10000x128xf32, #tpu.memory_space<hbm>>
    tpu.enqueue_indirect_dma source(%dma_start3A_70 : memref<10000x128xf32, #tpu.memory_space<hbm>>) target(%arg9 : memref<128x128xf32, #tpu.memory_space<vmem>>) offsets(%dma_start3A_67 : memref<128xi32, #tpu.memory_space<vmem>>) semaphore(%arg11 : memref<!tpu.dma_semaphore, #tpu.memory_space<semaphore_mem>>)
    %dma_start3A_71 = arith.constant 1 : i32
    %dma_start3A_72 = arith.constant 0 : i32
    %dma_start3A_73 = tpu.memref_slice %arg7[%dma_start3A_71, %dma_start3A_72] : memref<40x128xi32, #tpu.memory_space<vmem>> -> memref<1x128xi32, #tpu.memory_space<vmem>>
    %dma_start3A_74 = tpu.memref_squeeze %dma_start3A_73 : memref<1x128xi32, #tpu.memory_space<vmem>> -> memref<128xi32, #tpu.memory_space<vmem>>
    %dma_start3A_75 = arith.constant 0 : i32
    %dma_start3A_76 = arith.constant 0 : i32
    %dma_start3A_77 = tpu.memref_slice %arg2[%dma_start3A_75, %dma_start3A_76] : memref<10000x128xf32, #tpu.memory_space<hbm>> -> memref<10000x128xf32, #tpu.memory_space<hbm>>
    tpu.enqueue_indirect_dma source(%dma_start3A_77 : memref<10000x128xf32, #tpu.memory_space<hbm>>) target(%arg10 : memref<128x128xf32, #tpu.memory_space<vmem>>) offsets(%dma_start3A_74 : memref<128xi32, #tpu.memory_space<vmem>>) semaphore(%arg12 : memref<!tpu.dma_semaphore, #tpu.memory_space<semaphore_mem>>)
    %scan3A_78 = arith.constant 0 : i32
    %scan3A_79 = arith.constant 0 : i32
    %scan3A_80 = arith.constant 19 : i32
    %scan3A_81 = arith.addi %scan3A_79, %scan3A_80 : i32
    %scan3A_82 = arith.constant 1 : i32
    scf.for %scan3A_143 = %scan3A_79 to %scan3A_81 step %scan3A_82  : i32 {
      %mul3A_144 = arith.constant 2 : i32
      %mul3A_145 = arith.muli %mul3A_144, %scan3A_143 : i32
      %dma_wait3A_146 = arith.constant 0 : i32
      %dma_wait3A_147 = arith.constant 0 : i32
      %dma_wait3A_148 = tpu.memref_slice %arg7[%dma_wait3A_146, %dma_wait3A_147] : memref<40x128xi32, #tpu.memory_space<vmem>> -> memref<1x128xi32, #tpu.memory_space<vmem>>
      %dma_wait3A_149 = tpu.memref_squeeze %dma_wait3A_148 : memref<1x128xi32, #tpu.memory_space<vmem>> -> memref<128xi32, #tpu.memory_space<vmem>>
      %dma_wait3A_150 = arith.constant 0 : i32
      %dma_wait3A_151 = arith.constant 0 : i32
      %dma_wait3A_152 = tpu.memref_slice %arg2[%dma_wait3A_150, %dma_wait3A_151] : memref<10000x128xf32, #tpu.memory_space<hbm>> -> memref<10000x128xf32, #tpu.memory_space<hbm>>
      tpu.wait_indirect_dma semaphore(%arg11 : memref<!tpu.dma_semaphore, #tpu.memory_space<semaphore_mem>>) src(%dma_wait3A_152 : memref<10000x128xf32, #tpu.memory_space<hbm>>) dst(%arg9 : memref<128x128xf32, #tpu.memory_space<vmem>>)
      "tpu.region"() ({
        %run_scoped3A_178 = tpu.sem_alloc : memref<!tpu.dma_semaphore, #tpu.memory_space<semaphore_mem>>
        %dma_start3A_179 = arith.constant 0 : i32
        %dma_start3A_180 = tpu.memref_slice %arg8[%mul3A_145, %dma_start3A_179] : memref<40x128xi32, #tpu.memory_space<vmem>> -> memref<1x128xi32, #tpu.memory_space<vmem>>
        %dma_start3A_181 = tpu.memref_squeeze %dma_start3A_180 : memref<1x128xi32, #tpu.memory_space<vmem>> -> memref<128xi32, #tpu.memory_space<vmem>>
        %dma_start3A_182 = arith.constant 0 : i32
        %dma_start3A_183 = arith.constant 0 : i32
        %dma_start3A_184 = tpu.memref_slice %arg6[%dma_start3A_182, %dma_start3A_183] : memref<10240x128xf32, #tpu.memory_space<vmem_shared>> -> memref<10240x128xf32, #tpu.memory_space<vmem_shared>>
        tpu.enqueue_indirect_dma source(%arg9 : memref<128x128xf32, #tpu.memory_space<vmem>>) target(%dma_start3A_184 : memref<10240x128xf32, #tpu.memory_space<vmem_shared>>) offsets(%dma_start3A_181 : memref<128xi32, #tpu.memory_space<vmem>>) semaphore(%run_scoped3A_178 : memref<!tpu.dma_semaphore, #tpu.memory_space<semaphore_mem>>) {add = true}
        %dma_wait3A_185 = arith.constant 0 : i32
        %dma_wait3A_186 = tpu.memref_slice %arg8[%mul3A_145, %dma_wait3A_185] : memref<40x128xi32, #tpu.memory_space<vmem>> -> memref<1x128xi32, #tpu.memory_space<vmem>>
        %dma_wait3A_187 = tpu.memref_squeeze %dma_wait3A_186 : memref<1x128xi32, #tpu.memory_space<vmem>> -> memref<128xi32, #tpu.memory_space<vmem>>
        %dma_wait3A_188 = arith.constant 0 : i32
        %dma_wait3A_189 = arith.constant 0 : i32
        %dma_wait3A_190 = tpu.memref_slice %arg6[%dma_wait3A_188, %dma_wait3A_189] : memref<10240x128xf32, #tpu.memory_space<vmem_shared>> -> memref<10240x128xf32, #tpu.memory_space<vmem_shared>>
        tpu.wait_indirect_dma semaphore(%run_scoped3A_178 : memref<!tpu.dma_semaphore, #tpu.memory_space<semaphore_mem>>) src(%arg9 : memref<128x128xf32, #tpu.memory_space<vmem>>) dst(%dma_wait3A_190 : memref<10240x128xf32, #tpu.memory_space<vmem_shared>>)
        tpu.yield
      }) : () -> ()
      %add3A_153 = arith.constant 2 : i32
      %add3A_154 = arith.addi %mul3A_145, %add3A_153 : i32
      %dma_start3A_155 = arith.constant 0 : i32
      %dma_start3A_156 = tpu.memref_slice %arg7[%add3A_154, %dma_start3A_155] : memref<40x128xi32, #tpu.memory_space<vmem>> -> memref<1x128xi32, #tpu.memory_space<vmem>>
      %dma_start3A_157 = tpu.memref_squeeze %dma_start3A_156 : memref<1x128xi32, #tpu.memory_space<vmem>> -> memref<128xi32, #tpu.memory_space<vmem>>
      %dma_start3A_158 = arith.constant 0 : i32
      %dma_start3A_159 = arith.constant 0 : i32
      %dma_start3A_160 = tpu.memref_slice %arg2[%dma_start3A_158, %dma_start3A_159] : memref<10000x128xf32, #tpu.memory_space<hbm>> -> memref<10000x128xf32, #tpu.memory_space<hbm>>
      tpu.enqueue_indirect_dma source(%dma_start3A_160 : memref<10000x128xf32, #tpu.memory_space<hbm>>) target(%arg9 : memref<128x128xf32, #tpu.memory_space<vmem>>) offsets(%dma_start3A_157 : memref<128xi32, #tpu.memory_space<vmem>>) semaphore(%arg11 : memref<!tpu.dma_semaphore, #tpu.memory_space<semaphore_mem>>)
      %dma_wait3A_161 = arith.constant 0 : i32
      %dma_wait3A_162 = arith.constant 0 : i32
      %dma_wait3A_163 = tpu.memref_slice %arg7[%dma_wait3A_161, %dma_wait3A_162] : memref<40x128xi32, #tpu.memory_space<vmem>> -> memref<1x128xi32, #tpu.memory_space<vmem>>
      %dma_wait3A_164 = tpu.memref_squeeze %dma_wait3A_163 : memref<1x128xi32, #tpu.memory_space<vmem>> -> memref<128xi32, #tpu.memory_space<vmem>>
      %dma_wait3A_165 = arith.constant 0 : i32
      %dma_wait3A_166 = arith.constant 0 : i32
      %dma_wait3A_167 = tpu.memref_slice %arg2[%dma_wait3A_165, %dma_wait3A_166] : memref<10000x128xf32, #tpu.memory_space<hbm>> -> memref<10000x128xf32, #tpu.memory_space<hbm>>
      tpu.wait_indirect_dma semaphore(%arg12 : memref<!tpu.dma_semaphore, #tpu.memory_space<semaphore_mem>>) src(%dma_wait3A_167 : memref<10000x128xf32, #tpu.memory_space<hbm>>) dst(%arg10 : memref<128x128xf32, #tpu.memory_space<vmem>>)
      %add3A_168 = arith.constant 1 : i32
      %add3A_169 = arith.addi %mul3A_145, %add3A_168 : i32
      "tpu.region"() ({
        %run_scoped3A_178 = tpu.sem_alloc : memref<!tpu.dma_semaphore, #tpu.memory_space<semaphore_mem>>
        %dma_start3A_179 = arith.constant 0 : i32
        %dma_start3A_180 = tpu.memref_slice %arg8[%add3A_169, %dma_start3A_179] : memref<40x128xi32, #tpu.memory_space<vmem>> -> memref<1x128xi32, #tpu.memory_space<vmem>>
        %dma_start3A_181 = tpu.memref_squeeze %dma_start3A_180 : memref<1x128xi32, #tpu.memory_space<vmem>> -> memref<128xi32, #tpu.memory_space<vmem>>
        %dma_start3A_182 = arith.constant 0 : i32
        %dma_start3A_183 = arith.constant 0 : i32
        %dma_start3A_184 = tpu.memref_slice %arg6[%dma_start3A_182, %dma_start3A_183] : memref<10240x128xf32, #tpu.memory_space<vmem_shared>> -> memref<10240x128xf32, #tpu.memory_space<vmem_shared>>
        tpu.enqueue_indirect_dma source(%arg10 : memref<128x128xf32, #tpu.memory_space<vmem>>) target(%dma_start3A_184 : memref<10240x128xf32, #tpu.memory_space<vmem_shared>>) offsets(%dma_start3A_181 : memref<128xi32, #tpu.memory_space<vmem>>) semaphore(%run_scoped3A_178 : memref<!tpu.dma_semaphore, #tpu.memory_space<semaphore_mem>>) {add = true}
        %dma_wait3A_185 = arith.constant 0 : i32
        %dma_wait3A_186 = tpu.memref_slice %arg8[%add3A_169, %dma_wait3A_185] : memref<40x128xi32, #tpu.memory_space<vmem>> -> memref<1x128xi32, #tpu.memory_space<vmem>>
        %dma_wait3A_187 = tpu.memref_squeeze %dma_wait3A_186 : memref<1x128xi32, #tpu.memory_space<vmem>> -> memref<128xi32, #tpu.memory_space<vmem>>
        %dma_wait3A_188 = arith.constant 0 : i32
        %dma_wait3A_189 = arith.constant 0 : i32
        %dma_wait3A_190 = tpu.memref_slice %arg6[%dma_wait3A_188, %dma_wait3A_189] : memref<10240x128xf32, #tpu.memory_space<vmem_shared>> -> memref<10240x128xf32, #tpu.memory_space<vmem_shared>>
        tpu.wait_indirect_dma semaphore(%run_scoped3A_178 : memref<!tpu.dma_semaphore, #tpu.memory_space<semaphore_mem>>) src(%arg10 : memref<128x128xf32, #tpu.memory_space<vmem>>) dst(%dma_wait3A_190 : memref<10240x128xf32, #tpu.memory_space<vmem_shared>>)
        tpu.yield
      }) : () -> ()
      %add3A_170 = arith.constant 3 : i32
      %add3A_171 = arith.addi %mul3A_145, %add3A_170 : i32
      %dma_start3A_172 = arith.constant 0 : i32
      %dma_start3A_173 = tpu.memref_slice %arg7[%add3A_171, %dma_start3A_172] : memref<40x128xi32, #tpu.memory_space<vmem>> -> memref<1x128xi32, #tpu.memory_space<vmem>>
      %dma_start3A_174 = tpu.memref_squeeze %dma_start3A_173 : memref<1x128xi32, #tpu.memory_space<vmem>> -> memref<128xi32, #tpu.memory_space<vmem>>
      %dma_start3A_175 = arith.constant 0 : i32
      %dma_start3A_176 = arith.constant 0 : i32
      %dma_start3A_177 = tpu.memref_slice %arg2[%dma_start3A_175, %dma_start3A_176] : memref<10000x128xf32, #tpu.memory_space<hbm>> -> memref<10000x128xf32, #tpu.memory_space<hbm>>
      tpu.enqueue_indirect_dma source(%dma_start3A_177 : memref<10000x128xf32, #tpu.memory_space<hbm>>) target(%arg10 : memref<128x128xf32, #tpu.memory_space<vmem>>) offsets(%dma_start3A_174 : memref<128xi32, #tpu.memory_space<vmem>>) semaphore(%arg12 : memref<!tpu.dma_semaphore, #tpu.memory_space<semaphore_mem>>)
    }
    %scan3A_83 = arith.constant 19 : i32
    %dma_wait3A_84 = arith.constant 0 : i32
    %dma_wait3A_85 = arith.constant 0 : i32
    %dma_wait3A_86 = tpu.memref_slice %arg7[%dma_wait3A_84, %dma_wait3A_85] : memref<40x128xi32, #tpu.memory_space<vmem>> -> memref<1x128xi32, #tpu.memory_space<vmem>>
    %dma_wait3A_87 = tpu.memref_squeeze %dma_wait3A_86 : memref<1x128xi32, #tpu.memory_space<vmem>> -> memref<128xi32, #tpu.memory_space<vmem>>
    %dma_wait3A_88 = arith.constant 0 : i32
    %dma_wait3A_89 = arith.constant 0 : i32
    %dma_wait3A_90 = tpu.memref_slice %arg2[%dma_wait3A_88, %dma_wait3A_89] : memref<10000x128xf32, #tpu.memory_space<hbm>> -> memref<10000x128xf32, #tpu.memory_space<hbm>>
    tpu.wait_indirect_dma semaphore(%arg11 : memref<!tpu.dma_semaphore, #tpu.memory_space<semaphore_mem>>) src(%dma_wait3A_90 : memref<10000x128xf32, #tpu.memory_space<hbm>>) dst(%arg9 : memref<128x128xf32, #tpu.memory_space<vmem>>)
    %run_scoped3A = arith.constant 38 : i32
    "tpu.region"() ({
      %run_scoped3A_143 = tpu.sem_alloc : memref<!tpu.dma_semaphore, #tpu.memory_space<semaphore_mem>>
      %dma_start3A_144 = arith.constant 0 : i32
      %dma_start3A_145 = tpu.memref_slice %arg8[%run_scoped3A, %dma_start3A_144] : memref<40x128xi32, #tpu.memory_space<vmem>> -> memref<1x128xi32, #tpu.memory_space<vmem>>
      %dma_start3A_146 = tpu.memref_squeeze %dma_start3A_145 : memref<1x128xi32, #tpu.memory_space<vmem>> -> memref<128xi32, #tpu.memory_space<vmem>>
      %dma_start3A_147 = arith.constant 0 : i32
      %dma_start3A_148 = arith.constant 0 : i32
      %dma_start3A_149 = tpu.memref_slice %arg6[%dma_start3A_147, %dma_start3A_148] : memref<10240x128xf32, #tpu.memory_space<vmem_shared>> -> memref<10240x128xf32, #tpu.memory_space<vmem_shared>>
      tpu.enqueue_indirect_dma source(%arg9 : memref<128x128xf32, #tpu.memory_space<vmem>>) target(%dma_start3A_149 : memref<10240x128xf32, #tpu.memory_space<vmem_shared>>) offsets(%dma_start3A_146 : memref<128xi32, #tpu.memory_space<vmem>>) semaphore(%run_scoped3A_143 : memref<!tpu.dma_semaphore, #tpu.memory_space<semaphore_mem>>) {add = true}
      %dma_wait3A_150 = arith.constant 0 : i32
      %dma_wait3A_151 = tpu.memref_slice %arg8[%run_scoped3A, %dma_wait3A_150] : memref<40x128xi32, #tpu.memory_space<vmem>> -> memref<1x128xi32, #tpu.memory_space<vmem>>
      %dma_wait3A_152 = tpu.memref_squeeze %dma_wait3A_151 : memref<1x128xi32, #tpu.memory_space<vmem>> -> memref<128xi32, #tpu.memory_space<vmem>>
      %dma_wait3A_153 = arith.constant 0 : i32
      %dma_wait3A_154 = arith.constant 0 : i32
      %dma_wait3A_155 = tpu.memref_slice %arg6[%dma_wait3A_153, %dma_wait3A_154] : memref<10240x128xf32, #tpu.memory_space<vmem_shared>> -> memref<10240x128xf32, #tpu.memory_space<vmem_shared>>
      tpu.wait_indirect_dma semaphore(%run_scoped3A_143 : memref<!tpu.dma_semaphore, #tpu.memory_space<semaphore_mem>>) src(%arg9 : memref<128x128xf32, #tpu.memory_space<vmem>>) dst(%dma_wait3A_155 : memref<10240x128xf32, #tpu.memory_space<vmem_shared>>)
      tpu.yield
    }) : () -> ()
    %dma_wait3A_91 = arith.constant 0 : i32
    %dma_wait3A_92 = arith.constant 0 : i32
    %dma_wait3A_93 = tpu.memref_slice %arg7[%dma_wait3A_91, %dma_wait3A_92] : memref<40x128xi32, #tpu.memory_space<vmem>> -> memref<1x128xi32, #tpu.memory_space<vmem>>
    %dma_wait3A_94 = tpu.memref_squeeze %dma_wait3A_93 : memref<1x128xi32, #tpu.memory_space<vmem>> -> memref<128xi32, #tpu.memory_space<vmem>>
    %dma_wait3A_95 = arith.constant 0 : i32
    %dma_wait3A_96 = arith.constant 0 : i32
    %dma_wait3A_97 = tpu.memref_slice %arg2[%dma_wait3A_95, %dma_wait3A_96] : memref<10000x128xf32, #tpu.memory_space<hbm>> -> memref<10000x128xf32, #tpu.memory_space<hbm>>
    tpu.wait_indirect_dma semaphore(%arg12 : memref<!tpu.dma_semaphore, #tpu.memory_space<semaphore_mem>>) src(%dma_wait3A_97 : memref<10000x128xf32, #tpu.memory_space<hbm>>) dst(%arg10 : memref<128x128xf32, #tpu.memory_space<vmem>>)
    %run_scoped3A_98 = arith.constant 39 : i32
    "tpu.region"() ({
      %run_scoped3A_143 = tpu.sem_alloc : memref<!tpu.dma_semaphore, #tpu.memory_space<semaphore_mem>>
      %dma_start3A_144 = arith.constant 0 : i32
      %dma_start3A_145 = tpu.memref_slice %arg8[%run_scoped3A_98, %dma_start3A_144] : memref<40x128xi32, #tpu.memory_space<vmem>> -> memref<1x128xi32, #tpu.memory_space<vmem>>
      %dma_start3A_146 = tpu.memref_squeeze %dma_start3A_145 : memref<1x128xi32, #tpu.memory_space<vmem>> -> memref<128xi32, #tpu.memory_space<vmem>>
      %dma_start3A_147 = arith.constant 0 : i32
      %dma_start3A_148 = arith.constant 0 : i32
      %dma_start3A_149 = tpu.memref_slice %arg6[%dma_start3A_147, %dma_start3A_148] : memref<10240x128xf32, #tpu.memory_space<vmem_shared>> -> memref<10240x128xf32, #tpu.memory_space<vmem_shared>>
      tpu.enqueue_indirect_dma source(%arg10 : memref<128x128xf32, #tpu.memory_space<vmem>>) target(%dma_start3A_149 : memref<10240x128xf32, #tpu.memory_space<vmem_shared>>) offsets(%dma_start3A_146 : memref<128xi32, #tpu.memory_space<vmem>>) semaphore(%run_scoped3A_143 : memref<!tpu.dma_semaphore, #tpu.memory_space<semaphore_mem>>) {add = true}
      %dma_wait3A_150 = arith.constant 0 : i32
      %dma_wait3A_151 = tpu.memref_slice %arg8[%run_scoped3A_98, %dma_wait3A_150] : memref<40x128xi32, #tpu.memory_space<vmem>> -> memref<1x128xi32, #tpu.memory_space<vmem>>
      %dma_wait3A_152 = tpu.memref_squeeze %dma_wait3A_151 : memref<1x128xi32, #tpu.memory_space<vmem>> -> memref<128xi32, #tpu.memory_space<vmem>>
      %dma_wait3A_153 = arith.constant 0 : i32
      %dma_wait3A_154 = arith.constant 0 : i32
      %dma_wait3A_155 = tpu.memref_slice %arg6[%dma_wait3A_153, %dma_wait3A_154] : memref<10240x128xf32, #tpu.memory_space<vmem_shared>> -> memref<10240x128xf32, #tpu.memory_space<vmem_shared>>
      tpu.wait_indirect_dma semaphore(%run_scoped3A_143 : memref<!tpu.dma_semaphore, #tpu.memory_space<semaphore_mem>>) src(%arg10 : memref<128x128xf32, #tpu.memory_space<vmem>>) dst(%dma_wait3A_155 : memref<10240x128xf32, #tpu.memory_space<vmem_shared>>)
      tpu.yield
    }) : () -> ()
    "tpu.region"() ({
      %run_scoped3A_143 = tpu.sem_alloc : memref<!tpu.dma_semaphore, #tpu.memory_space<semaphore_mem>>
      %dma_start3A_144 = arith.constant 40 : i32
      %dma_start3A_145 = arith.constant 0 : i32
      %dma_start3A_146 = tpu.memref_slice %arg3[%add3A, %dma_start3A_144, %dma_start3A_145] : memref<32x80x128xi32, #tpu.memory_space<hbm>> -> memref<1x40x128xi32, #tpu.memory_space<hbm>>
      %dma_start3A_147 = tpu.memref_squeeze %dma_start3A_146 : memref<1x40x128xi32, #tpu.memory_space<hbm>> -> memref<40x128xi32, #tpu.memory_space<hbm>>
      %dma_start3A_148 = arith.constant 40 : i32
      %dma_start3A_149 = arith.constant 0 : i32
      %dma_start3A_150 = tpu.memref_slice %arg3[%add3A, %dma_start3A_148, %dma_start3A_149] : memref<32x80x128xi32, #tpu.memory_space<hbm>> -> memref<1x40x128xi32, #tpu.memory_space<hbm>>
      %dma_start3A_151 = tpu.memref_squeeze %dma_start3A_150 : memref<1x40x128xi32, #tpu.memory_space<hbm>> -> memref<40x128xi32, #tpu.memory_space<hbm>>
      tpu.enqueue_dma source(%dma_start3A_151 : memref<40x128xi32, #tpu.memory_space<hbm>>) target(%arg7 : memref<40x128xi32, #tpu.memory_space<vmem>>) target_semaphore(%run_scoped3A_143 : memref<!tpu.dma_semaphore, #tpu.memory_space<semaphore_mem>>)
      %dma_wait3A_152 = arith.constant 40 : i32
      %dma_wait3A_153 = arith.constant 0 : i32
      %dma_wait3A_154 = tpu.memref_slice %arg3[%add3A, %dma_wait3A_152, %dma_wait3A_153] : memref<32x80x128xi32, #tpu.memory_space<hbm>> -> memref<1x40x128xi32, #tpu.memory_space<hbm>>
      %dma_wait3A_155 = tpu.memref_squeeze %dma_wait3A_154 : memref<1x40x128xi32, #tpu.memory_space<hbm>> -> memref<40x128xi32, #tpu.memory_space<hbm>>
      %dma_wait3A_156 = arith.constant 40 : i32
      %dma_wait3A_157 = arith.constant 0 : i32
      %dma_wait3A_158 = tpu.memref_slice %arg3[%add3A, %dma_wait3A_156, %dma_wait3A_157] : memref<32x80x128xi32, #tpu.memory_space<hbm>> -> memref<1x40x128xi32, #tpu.memory_space<hbm>>
      %dma_wait3A_159 = tpu.memref_squeeze %dma_wait3A_158 : memref<1x40x128xi32, #tpu.memory_space<hbm>> -> memref<40x128xi32, #tpu.memory_space<hbm>>
      tpu.wait_dma2 semaphore(%run_scoped3A_143 : memref<!tpu.dma_semaphore, #tpu.memory_space<semaphore_mem>>) src(%dma_wait3A_159 : memref<40x128xi32, #tpu.memory_space<hbm>>) dst(%arg7 : memref<40x128xi32, #tpu.memory_space<vmem>>)
      tpu.yield
    }) : () -> ()
    "tpu.region"() ({
      %run_scoped3A_143 = tpu.sem_alloc : memref<!tpu.dma_semaphore, #tpu.memory_space<semaphore_mem>>
      %dma_start3A_144 = arith.constant 40 : i32
      %dma_start3A_145 = arith.constant 0 : i32
      %dma_start3A_146 = tpu.memref_slice %arg4[%add3A, %dma_start3A_144, %dma_start3A_145] : memref<32x80x128xi32, #tpu.memory_space<hbm>> -> memref<1x40x128xi32, #tpu.memory_space<hbm>>
      %dma_start3A_147 = tpu.memref_squeeze %dma_start3A_146 : memref<1x40x128xi32, #tpu.memory_space<hbm>> -> memref<40x128xi32, #tpu.memory_space<hbm>>
      %dma_start3A_148 = arith.constant 40 : i32
      %dma_start3A_149 = arith.constant 0 : i32
      %dma_start3A_150 = tpu.memref_slice %arg4[%add3A, %dma_start3A_148, %dma_start3A_149] : memref<32x80x128xi32, #tpu.memory_space<hbm>> -> memref<1x40x128xi32, #tpu.memory_space<hbm>>
      %dma_start3A_151 = tpu.memref_squeeze %dma_start3A_150 : memref<1x40x128xi32, #tpu.memory_space<hbm>> -> memref<40x128xi32, #tpu.memory_space<hbm>>
      tpu.enqueue_dma source(%dma_start3A_151 : memref<40x128xi32, #tpu.memory_space<hbm>>) target(%arg8 : memref<40x128xi32, #tpu.memory_space<vmem>>) target_semaphore(%run_scoped3A_143 : memref<!tpu.dma_semaphore, #tpu.memory_space<semaphore_mem>>)
      %dma_wait3A_152 = arith.constant 40 : i32
      %dma_wait3A_153 = arith.constant 0 : i32
      %dma_wait3A_154 = tpu.memref_slice %arg4[%add3A, %dma_wait3A_152, %dma_wait3A_153] : memref<32x80x128xi32, #tpu.memory_space<hbm>> -> memref<1x40x128xi32, #tpu.memory_space<hbm>>
      %dma_wait3A_155 = tpu.memref_squeeze %dma_wait3A_154 : memref<1x40x128xi32, #tpu.memory_space<hbm>> -> memref<40x128xi32, #tpu.memory_space<hbm>>
      %dma_wait3A_156 = arith.constant 40 : i32
      %dma_wait3A_157 = arith.constant 0 : i32
      %dma_wait3A_158 = tpu.memref_slice %arg4[%add3A, %dma_wait3A_156, %dma_wait3A_157] : memref<32x80x128xi32, #tpu.memory_space<hbm>> -> memref<1x40x128xi32, #tpu.memory_space<hbm>>
      %dma_wait3A_159 = tpu.memref_squeeze %dma_wait3A_158 : memref<1x40x128xi32, #tpu.memory_space<hbm>> -> memref<40x128xi32, #tpu.memory_space<hbm>>
      tpu.wait_dma2 semaphore(%run_scoped3A_143 : memref<!tpu.dma_semaphore, #tpu.memory_space<semaphore_mem>>) src(%dma_wait3A_159 : memref<40x128xi32, #tpu.memory_space<hbm>>) dst(%arg8 : memref<40x128xi32, #tpu.memory_space<vmem>>)
      tpu.yield
    }) : () -> ()
    %dma_start3A_99 = arith.constant 0 : i32
    %dma_start3A_100 = arith.constant 0 : i32
    %dma_start3A_101 = tpu.memref_slice %arg7[%dma_start3A_99, %dma_start3A_100] : memref<40x128xi32, #tpu.memory_space<vmem>> -> memref<1x128xi32, #tpu.memory_space<vmem>>
    %dma_start3A_102 = tpu.memref_squeeze %dma_start3A_101 : memref<1x128xi32, #tpu.memory_space<vmem>> -> memref<128xi32, #tpu.memory_space<vmem>>
    %dma_start3A_103 = arith.constant 0 : i32
    %dma_start3A_104 = arith.constant 0 : i32
    %dma_start3A_105 = tpu.memref_slice %arg2[%dma_start3A_103, %dma_start3A_104] : memref<10000x128xf32, #tpu.memory_space<hbm>> -> memref<10000x128xf32, #tpu.memory_space<hbm>>
    tpu.enqueue_indirect_dma source(%dma_start3A_105 : memref<10000x128xf32, #tpu.memory_space<hbm>>) target(%arg9 : memref<128x128xf32, #tpu.memory_space<vmem>>) offsets(%dma_start3A_102 : memref<128xi32, #tpu.memory_space<vmem>>) semaphore(%arg11 : memref<!tpu.dma_semaphore, #tpu.memory_space<semaphore_mem>>)
    %dma_start3A_106 = arith.constant 1 : i32
    %dma_start3A_107 = arith.constant 0 : i32
    %dma_start3A_108 = tpu.memref_slice %arg7[%dma_start3A_106, %dma_start3A_107] : memref<40x128xi32, #tpu.memory_space<vmem>> -> memref<1x128xi32, #tpu.memory_space<vmem>>
    %dma_start3A_109 = tpu.memref_squeeze %dma_start3A_108 : memref<1x128xi32, #tpu.memory_space<vmem>> -> memref<128xi32, #tpu.memory_space<vmem>>
    %dma_start3A_110 = arith.constant 0 : i32
    %dma_start3A_111 = arith.constant 0 : i32
    %dma_start3A_112 = tpu.memref_slice %arg2[%dma_start3A_110, %dma_start3A_111] : memref<10000x128xf32, #tpu.memory_space<hbm>> -> memref<10000x128xf32, #tpu.memory_space<hbm>>
    tpu.enqueue_indirect_dma source(%dma_start3A_112 : memref<10000x128xf32, #tpu.memory_space<hbm>>) target(%arg10 : memref<128x128xf32, #tpu.memory_space<vmem>>) offsets(%dma_start3A_109 : memref<128xi32, #tpu.memory_space<vmem>>) semaphore(%arg12 : memref<!tpu.dma_semaphore, #tpu.memory_space<semaphore_mem>>)
    %scan3A_113 = arith.constant 0 : i32
    %scan3A_114 = arith.constant 0 : i32
    %scan3A_115 = arith.constant 19 : i32
    %scan3A_116 = arith.addi %scan3A_114, %scan3A_115 : i32
    %scan3A_117 = arith.constant 1 : i32
    scf.for %scan3A_143 = %scan3A_114 to %scan3A_116 step %scan3A_117  : i32 {
      %mul3A_144 = arith.constant 2 : i32
      %mul3A_145 = arith.muli %mul3A_144, %scan3A_143 : i32
      %dma_wait3A_146 = arith.constant 0 : i32
      %dma_wait3A_147 = arith.constant 0 : i32
      %dma_wait3A_148 = tpu.memref_slice %arg7[%dma_wait3A_146, %dma_wait3A_147] : memref<40x128xi32, #tpu.memory_space<vmem>> -> memref<1x128xi32, #tpu.memory_space<vmem>>
      %dma_wait3A_149 = tpu.memref_squeeze %dma_wait3A_148 : memref<1x128xi32, #tpu.memory_space<vmem>> -> memref<128xi32, #tpu.memory_space<vmem>>
      %dma_wait3A_150 = arith.constant 0 : i32
      %dma_wait3A_151 = arith.constant 0 : i32
      %dma_wait3A_152 = tpu.memref_slice %arg2[%dma_wait3A_150, %dma_wait3A_151] : memref<10000x128xf32, #tpu.memory_space<hbm>> -> memref<10000x128xf32, #tpu.memory_space<hbm>>
      tpu.wait_indirect_dma semaphore(%arg11 : memref<!tpu.dma_semaphore, #tpu.memory_space<semaphore_mem>>) src(%dma_wait3A_152 : memref<10000x128xf32, #tpu.memory_space<hbm>>) dst(%arg9 : memref<128x128xf32, #tpu.memory_space<vmem>>)
      "tpu.region"() ({
        %run_scoped3A_178 = tpu.sem_alloc : memref<!tpu.dma_semaphore, #tpu.memory_space<semaphore_mem>>
        %dma_start3A_179 = arith.constant 0 : i32
        %dma_start3A_180 = tpu.memref_slice %arg8[%mul3A_145, %dma_start3A_179] : memref<40x128xi32, #tpu.memory_space<vmem>> -> memref<1x128xi32, #tpu.memory_space<vmem>>
        %dma_start3A_181 = tpu.memref_squeeze %dma_start3A_180 : memref<1x128xi32, #tpu.memory_space<vmem>> -> memref<128xi32, #tpu.memory_space<vmem>>
        %dma_start3A_182 = arith.constant 0 : i32
        %dma_start3A_183 = arith.constant 0 : i32
        %dma_start3A_184 = tpu.memref_slice %arg6[%dma_start3A_182, %dma_start3A_183] : memref<10240x128xf32, #tpu.memory_space<vmem_shared>> -> memref<10240x128xf32, #tpu.memory_space<vmem_shared>>
        tpu.enqueue_indirect_dma source(%arg9 : memref<128x128xf32, #tpu.memory_space<vmem>>) target(%dma_start3A_184 : memref<10240x128xf32, #tpu.memory_space<vmem_shared>>) offsets(%dma_start3A_181 : memref<128xi32, #tpu.memory_space<vmem>>) semaphore(%run_scoped3A_178 : memref<!tpu.dma_semaphore, #tpu.memory_space<semaphore_mem>>) {add = true}
        %dma_wait3A_185 = arith.constant 0 : i32
        %dma_wait3A_186 = tpu.memref_slice %arg8[%mul3A_145, %dma_wait3A_185] : memref<40x128xi32, #tpu.memory_space<vmem>> -> memref<1x128xi32, #tpu.memory_space<vmem>>
        %dma_wait3A_187 = tpu.memref_squeeze %dma_wait3A_186 : memref<1x128xi32, #tpu.memory_space<vmem>> -> memref<128xi32, #tpu.memory_space<vmem>>
        %dma_wait3A_188 = arith.constant 0 : i32
        %dma_wait3A_189 = arith.constant 0 : i32
        %dma_wait3A_190 = tpu.memref_slice %arg6[%dma_wait3A_188, %dma_wait3A_189] : memref<10240x128xf32, #tpu.memory_space<vmem_shared>> -> memref<10240x128xf32, #tpu.memory_space<vmem_shared>>
        tpu.wait_indirect_dma semaphore(%run_scoped3A_178 : memref<!tpu.dma_semaphore, #tpu.memory_space<semaphore_mem>>) src(%arg9 : memref<128x128xf32, #tpu.memory_space<vmem>>) dst(%dma_wait3A_190 : memref<10240x128xf32, #tpu.memory_space<vmem_shared>>)
        tpu.yield
      }) : () -> ()
      %add3A_153 = arith.constant 2 : i32
      %add3A_154 = arith.addi %mul3A_145, %add3A_153 : i32
      %dma_start3A_155 = arith.constant 0 : i32
      %dma_start3A_156 = tpu.memref_slice %arg7[%add3A_154, %dma_start3A_155] : memref<40x128xi32, #tpu.memory_space<vmem>> -> memref<1x128xi32, #tpu.memory_space<vmem>>
      %dma_start3A_157 = tpu.memref_squeeze %dma_start3A_156 : memref<1x128xi32, #tpu.memory_space<vmem>> -> memref<128xi32, #tpu.memory_space<vmem>>
      %dma_start3A_158 = arith.constant 0 : i32
      %dma_start3A_159 = arith.constant 0 : i32
      %dma_start3A_160 = tpu.memref_slice %arg2[%dma_start3A_158, %dma_start3A_159] : memref<10000x128xf32, #tpu.memory_space<hbm>> -> memref<10000x128xf32, #tpu.memory_space<hbm>>
      tpu.enqueue_indirect_dma source(%dma_start3A_160 : memref<10000x128xf32, #tpu.memory_space<hbm>>) target(%arg9 : memref<128x128xf32, #tpu.memory_space<vmem>>) offsets(%dma_start3A_157 : memref<128xi32, #tpu.memory_space<vmem>>) semaphore(%arg11 : memref<!tpu.dma_semaphore, #tpu.memory_space<semaphore_mem>>)
      %dma_wait3A_161 = arith.constant 0 : i32
      %dma_wait3A_162 = arith.constant 0 : i32
      %dma_wait3A_163 = tpu.memref_slice %arg7[%dma_wait3A_161, %dma_wait3A_162] : memref<40x128xi32, #tpu.memory_space<vmem>> -> memref<1x128xi32, #tpu.memory_space<vmem>>
      %dma_wait3A_164 = tpu.memref_squeeze %dma_wait3A_163 : memref<1x128xi32, #tpu.memory_space<vmem>> -> memref<128xi32, #tpu.memory_space<vmem>>
      %dma_wait3A_165 = arith.constant 0 : i32
      %dma_wait3A_166 = arith.constant 0 : i32
      %dma_wait3A_167 = tpu.memref_slice %arg2[%dma_wait3A_165, %dma_wait3A_166] : memref<10000x128xf32, #tpu.memory_space<hbm>> -> memref<10000x128xf32, #tpu.memory_space<hbm>>
      tpu.wait_indirect_dma semaphore(%arg12 : memref<!tpu.dma_semaphore, #tpu.memory_space<semaphore_mem>>) src(%dma_wait3A_167 : memref<10000x128xf32, #tpu.memory_space<hbm>>) dst(%arg10 : memref<128x128xf32, #tpu.memory_space<vmem>>)
      %add3A_168 = arith.constant 1 : i32
      %add3A_169 = arith.addi %mul3A_145, %add3A_168 : i32
      "tpu.region"() ({
        %run_scoped3A_178 = tpu.sem_alloc : memref<!tpu.dma_semaphore, #tpu.memory_space<semaphore_mem>>
        %dma_start3A_179 = arith.constant 0 : i32
        %dma_start3A_180 = tpu.memref_slice %arg8[%add3A_169, %dma_start3A_179] : memref<40x128xi32, #tpu.memory_space<vmem>> -> memref<1x128xi32, #tpu.memory_space<vmem>>
        %dma_start3A_181 = tpu.memref_squeeze %dma_start3A_180 : memref<1x128xi32, #tpu.memory_space<vmem>> -> memref<128xi32, #tpu.memory_space<vmem>>
        %dma_start3A_182 = arith.constant 0 : i32
        %dma_start3A_183 = arith.constant 0 : i32
        %dma_start3A_184 = tpu.memref_slice %arg6[%dma_start3A_182, %dma_start3A_183] : memref<10240x128xf32, #tpu.memory_space<vmem_shared>> -> memref<10240x128xf32, #tpu.memory_space<vmem_shared>>
        tpu.enqueue_indirect_dma source(%arg10 : memref<128x128xf32, #tpu.memory_space<vmem>>) target(%dma_start3A_184 : memref<10240x128xf32, #tpu.memory_space<vmem_shared>>) offsets(%dma_start3A_181 : memref<128xi32, #tpu.memory_space<vmem>>) semaphore(%run_scoped3A_178 : memref<!tpu.dma_semaphore, #tpu.memory_space<semaphore_mem>>) {add = true}
        %dma_wait3A_185 = arith.constant 0 : i32
        %dma_wait3A_186 = tpu.memref_slice %arg8[%add3A_169, %dma_wait3A_185] : memref<40x128xi32, #tpu.memory_space<vmem>> -> memref<1x128xi32, #tpu.memory_space<vmem>>
        %dma_wait3A_187 = tpu.memref_squeeze %dma_wait3A_186 : memref<1x128xi32, #tpu.memory_space<vmem>> -> memref<128xi32, #tpu.memory_space<vmem>>
        %dma_wait3A_188 = arith.constant 0 : i32
        %dma_wait3A_189 = arith.constant 0 : i32
        %dma_wait3A_190 = tpu.memref_slice %arg6[%dma_wait3A_188, %dma_wait3A_189] : memref<10240x128xf32, #tpu.memory_space<vmem_shared>> -> memref<10240x128xf32, #tpu.memory_space<vmem_shared>>
        tpu.wait_indirect_dma semaphore(%run_scoped3A_178 : memref<!tpu.dma_semaphore, #tpu.memory_space<semaphore_mem>>) src(%arg10 : memref<128x128xf32, #tpu.memory_space<vmem>>) dst(%dma_wait3A_190 : memref<10240x128xf32, #tpu.memory_space<vmem_shared>>)
        tpu.yield
      }) : () -> ()
      %add3A_170 = arith.constant 3 : i32
      %add3A_171 = arith.addi %mul3A_145, %add3A_170 : i32
      %dma_start3A_172 = arith.constant 0 : i32
      %dma_start3A_173 = tpu.memref_slice %arg7[%add3A_171, %dma_start3A_172] : memref<40x128xi32, #tpu.memory_space<vmem>> -> memref<1x128xi32, #tpu.memory_space<vmem>>
      %dma_start3A_174 = tpu.memref_squeeze %dma_start3A_173 : memref<1x128xi32, #tpu.memory_space<vmem>> -> memref<128xi32, #tpu.memory_space<vmem>>
      %dma_start3A_175 = arith.constant 0 : i32
      %dma_start3A_176 = arith.constant 0 : i32
      %dma_start3A_177 = tpu.memref_slice %arg2[%dma_start3A_175, %dma_start3A_176] : memref<10000x128xf32, #tpu.memory_space<hbm>> -> memref<10000x128xf32, #tpu.memory_space<hbm>>
      tpu.enqueue_indirect_dma source(%dma_start3A_177 : memref<10000x128xf32, #tpu.memory_space<hbm>>) target(%arg10 : memref<128x128xf32, #tpu.memory_space<vmem>>) offsets(%dma_start3A_174 : memref<128xi32, #tpu.memory_space<vmem>>) semaphore(%arg12 : memref<!tpu.dma_semaphore, #tpu.memory_space<semaphore_mem>>)
    }
    %scan3A_118 = arith.constant 19 : i32
    %dma_wait3A_119 = arith.constant 0 : i32
    %dma_wait3A_120 = arith.constant 0 : i32
    %dma_wait3A_121 = tpu.memref_slice %arg7[%dma_wait3A_119, %dma_wait3A_120] : memref<40x128xi32, #tpu.memory_space<vmem>> -> memref<1x128xi32, #tpu.memory_space<vmem>>
    %dma_wait3A_122 = tpu.memref_squeeze %dma_wait3A_121 : memref<1x128xi32, #tpu.memory_space<vmem>> -> memref<128xi32, #tpu.memory_space<vmem>>
    %dma_wait3A_123 = arith.constant 0 : i32
    %dma_wait3A_124 = arith.constant 0 : i32
    %dma_wait3A_125 = tpu.memref_slice %arg2[%dma_wait3A_123, %dma_wait3A_124] : memref<10000x128xf32, #tpu.memory_space<hbm>> -> memref<10000x128xf32, #tpu.memory_space<hbm>>
    tpu.wait_indirect_dma semaphore(%arg11 : memref<!tpu.dma_semaphore, #tpu.memory_space<semaphore_mem>>) src(%dma_wait3A_125 : memref<10000x128xf32, #tpu.memory_space<hbm>>) dst(%arg9 : memref<128x128xf32, #tpu.memory_space<vmem>>)
    %run_scoped3A_126 = arith.constant 38 : i32
    "tpu.region"() ({
      %run_scoped3A_143 = tpu.sem_alloc : memref<!tpu.dma_semaphore, #tpu.memory_space<semaphore_mem>>
      %dma_start3A_144 = arith.constant 0 : i32
      %dma_start3A_145 = tpu.memref_slice %arg8[%run_scoped3A_126, %dma_start3A_144] : memref<40x128xi32, #tpu.memory_space<vmem>> -> memref<1x128xi32, #tpu.memory_space<vmem>>
      %dma_start3A_146 = tpu.memref_squeeze %dma_start3A_145 : memref<1x128xi32, #tpu.memory_space<vmem>> -> memref<128xi32, #tpu.memory_space<vmem>>
      %dma_start3A_147 = arith.constant 0 : i32
      %dma_start3A_148 = arith.constant 0 : i32
      %dma_start3A_149 = tpu.memref_slice %arg6[%dma_start3A_147, %dma_start3A_148] : memref<10240x128xf32, #tpu.memory_space<vmem_shared>> -> memref<10240x128xf32, #tpu.memory_space<vmem_shared>>
      tpu.enqueue_indirect_dma source(%arg9 : memref<128x128xf32, #tpu.memory_space<vmem>>) target(%dma_start3A_149 : memref<10240x128xf32, #tpu.memory_space<vmem_shared>>) offsets(%dma_start3A_146 : memref<128xi32, #tpu.memory_space<vmem>>) semaphore(%run_scoped3A_143 : memref<!tpu.dma_semaphore, #tpu.memory_space<semaphore_mem>>) {add = true}
      %dma_wait3A_150 = arith.constant 0 : i32
      %dma_wait3A_151 = tpu.memref_slice %arg8[%run_scoped3A_126, %dma_wait3A_150] : memref<40x128xi32, #tpu.memory_space<vmem>> -> memref<1x128xi32, #tpu.memory_space<vmem>>
      %dma_wait3A_152 = tpu.memref_squeeze %dma_wait3A_151 : memref<1x128xi32, #tpu.memory_space<vmem>> -> memref<128xi32, #tpu.memory_space<vmem>>
      %dma_wait3A_153 = arith.constant 0 : i32
      %dma_wait3A_154 = arith.constant 0 : i32
      %dma_wait3A_155 = tpu.memref_slice %arg6[%dma_wait3A_153, %dma_wait3A_154] : memref<10240x128xf32, #tpu.memory_space<vmem_shared>> -> memref<10240x128xf32, #tpu.memory_space<vmem_shared>>
      tpu.wait_indirect_dma semaphore(%run_scoped3A_143 : memref<!tpu.dma_semaphore, #tpu.memory_space<semaphore_mem>>) src(%arg9 : memref<128x128xf32, #tpu.memory_space<vmem>>) dst(%dma_wait3A_155 : memref<10240x128xf32, #tpu.memory_space<vmem_shared>>)
      tpu.yield
    }) : () -> ()
    %dma_wait3A_127 = arith.constant 0 : i32
    %dma_wait3A_128 = arith.constant 0 : i32
    %dma_wait3A_129 = tpu.memref_slice %arg7[%dma_wait3A_127, %dma_wait3A_128] : memref<40x128xi32, #tpu.memory_space<vmem>> -> memref<1x128xi32, #tpu.memory_space<vmem>>
    %dma_wait3A_130 = tpu.memref_squeeze %dma_wait3A_129 : memref<1x128xi32, #tpu.memory_space<vmem>> -> memref<128xi32, #tpu.memory_space<vmem>>
    %dma_wait3A_131 = arith.constant 0 : i32
    %dma_wait3A_132 = arith.constant 0 : i32
    %dma_wait3A_133 = tpu.memref_slice %arg2[%dma_wait3A_131, %dma_wait3A_132] : memref<10000x128xf32, #tpu.memory_space<hbm>> -> memref<10000x128xf32, #tpu.memory_space<hbm>>
    tpu.wait_indirect_dma semaphore(%arg12 : memref<!tpu.dma_semaphore, #tpu.memory_space<semaphore_mem>>) src(%dma_wait3A_133 : memref<10000x128xf32, #tpu.memory_space<hbm>>) dst(%arg10 : memref<128x128xf32, #tpu.memory_space<vmem>>)
    %run_scoped3A_134 = arith.constant 39 : i32
    "tpu.region"() ({
      %run_scoped3A_143 = tpu.sem_alloc : memref<!tpu.dma_semaphore, #tpu.memory_space<semaphore_mem>>
      %dma_start3A_144 = arith.constant 0 : i32
      %dma_start3A_145 = tpu.memref_slice %arg8[%run_scoped3A_134, %dma_start3A_144] : memref<40x128xi32, #tpu.memory_space<vmem>> -> memref<1x128xi32, #tpu.memory_space<vmem>>
      %dma_start3A_146 = tpu.memref_squeeze %dma_start3A_145 : memref<1x128xi32, #tpu.memory_space<vmem>> -> memref<128xi32, #tpu.memory_space<vmem>>
      %dma_start3A_147 = arith.constant 0 : i32
      %dma_start3A_148 = arith.constant 0 : i32
      %dma_start3A_149 = tpu.memref_slice %arg6[%dma_start3A_147, %dma_start3A_148] : memref<10240x128xf32, #tpu.memory_space<vmem_shared>> -> memref<10240x128xf32, #tpu.memory_space<vmem_shared>>
      tpu.enqueue_indirect_dma source(%arg10 : memref<128x128xf32, #tpu.memory_space<vmem>>) target(%dma_start3A_149 : memref<10240x128xf32, #tpu.memory_space<vmem_shared>>) offsets(%dma_start3A_146 : memref<128xi32, #tpu.memory_space<vmem>>) semaphore(%run_scoped3A_143 : memref<!tpu.dma_semaphore, #tpu.memory_space<semaphore_mem>>) {add = true}
      %dma_wait3A_150 = arith.constant 0 : i32
      %dma_wait3A_151 = tpu.memref_slice %arg8[%run_scoped3A_134, %dma_wait3A_150] : memref<40x128xi32, #tpu.memory_space<vmem>> -> memref<1x128xi32, #tpu.memory_space<vmem>>
      %dma_wait3A_152 = tpu.memref_squeeze %dma_wait3A_151 : memref<1x128xi32, #tpu.memory_space<vmem>> -> memref<128xi32, #tpu.memory_space<vmem>>
      %dma_wait3A_153 = arith.constant 0 : i32
      %dma_wait3A_154 = arith.constant 0 : i32
      %dma_wait3A_155 = tpu.memref_slice %arg6[%dma_wait3A_153, %dma_wait3A_154] : memref<10240x128xf32, #tpu.memory_space<vmem_shared>> -> memref<10240x128xf32, #tpu.memory_space<vmem_shared>>
      tpu.wait_indirect_dma semaphore(%run_scoped3A_143 : memref<!tpu.dma_semaphore, #tpu.memory_space<semaphore_mem>>) src(%arg10 : memref<128x128xf32, #tpu.memory_space<vmem>>) dst(%dma_wait3A_155 : memref<10240x128xf32, #tpu.memory_space<vmem_shared>>)
      tpu.yield
    }) : () -> ()
    %barrier3A_135 = arith.constant 0 : index
    tpu.barrier barrier_id(%barrier3A_135)
    %mul3A_136 = arith.constant 640 : i32
    %mul3A_137 = arith.muli %arg1, %mul3A_136 : i32
    %mul3A_138 = arith.constant 10240 : i32
    %mul3A_139 = arith.muli %arg0, %mul3A_138 : i32
    %mul3A_140 = arith.constant 640 : i32
    %mul3A_141 = arith.muli %arg1, %mul3A_140 : i32
    %add3A_142 = arith.addi %mul3A_139, %mul3A_141 : i32
    "tpu.region"() ({
      %run_scoped3A_143 = tpu.sem_alloc : memref<!tpu.dma_semaphore, #tpu.memory_space<semaphore_mem>>
      %dma_start3A_144 = arith.constant 0 : i32
      %dma_start3A_145 = tpu.memref_slice %arg5[%add3A_142, %dma_start3A_144] : memref<20480x128xf32, #tpu.memory_space<hbm>> -> memref<640x128xf32, #tpu.memory_space<hbm>>
      %dma_start3A_146 = arith.constant 0 : i32
      %dma_start3A_147 = tpu.memref_slice %arg6[%mul3A_137, %dma_start3A_146] : memref<10240x128xf32, #tpu.memory_space<vmem_shared>> -> memref<640x128xf32, #tpu.memory_space<vmem_shared>>
      tpu.enqueue_dma source(%dma_start3A_147 : memref<640x128xf32, #tpu.memory_space<vmem_shared>>) target(%dma_start3A_145 : memref<640x128xf32, #tpu.memory_space<hbm>>) target_semaphore(%run_scoped3A_143 : memref<!tpu.dma_semaphore, #tpu.memory_space<semaphore_mem>>)
      %dma_wait3A_148 = arith.constant 0 : i32
      %dma_wait3A_149 = tpu.memref_slice %arg5[%add3A_142, %dma_wait3A_148] : memref<20480x128xf32, #tpu.memory_space<hbm>> -> memref<640x128xf32, #tpu.memory_space<hbm>>
      %dma_wait3A_150 = arith.constant 0 : i32
      %dma_wait3A_151 = tpu.memref_slice %arg6[%mul3A_137, %dma_wait3A_150] : memref<10240x128xf32, #tpu.memory_space<vmem_shared>> -> memref<640x128xf32, #tpu.memory_space<vmem_shared>>
      tpu.wait_dma2 semaphore(%run_scoped3A_143 : memref<!tpu.dma_semaphore, #tpu.memory_space<semaphore_mem>>) src(%dma_wait3A_151 : memref<640x128xf32, #tpu.memory_space<vmem_shared>>) dst(%dma_wait3A_149 : memref<640x128xf32, #tpu.memory_space<hbm>>)
      tpu.yield
    }) : () -> ()
    return
  }
}

#map = affine_map<(d0, d1) -> (0, 0)>
#map1 = affine_map<(d0, d1) -> (0, 0, 0)>
module attributes {stable_mosaic.version = 14 : i64} {
  func.func @k(%arg0: i32, %arg1: i32, %arg2: memref<10000x128xf32, #tpu.memory_space<hbm>>, %arg3: memref<32x80x128xi32, #tpu.memory_space<hbm>>, %arg4: memref<32x80x128xi32, #tpu.memory_space<hbm>>, %arg5: memref<20480x128xf32, #tpu.memory_space<hbm>>, %arg6: memref<10240x128xf32, #tpu.memory_space<vmem_shared>>, %arg7: memref<40x128xi32, #tpu.memory_space<vmem>>, %arg8: memref<40x128xi32, #tpu.memory_space<vmem>>, %arg9: memref<128x128xf32, #tpu.memory_space<vmem>>, %arg10: memref<128x128xf32, #tpu.memory_space<vmem>>, %arg11: memref<!tpu.dma_semaphore, #tpu.memory_space<semaphore_mem>>, %arg12: memref<!tpu.dma_semaphore, #tpu.memory_space<semaphore_mem>>, %arg13: memref<!tpu.dma_semaphore, #tpu.memory_space<semaphore_mem>>) attributes {dimension_semantics = [#tpu.dimension_semantics<core_parallel>, #tpu.dimension_semantics<subcore_parallel>], iteration_bounds = array<i64: 2, 16>, scalar_prefetch = 0 : i64, scratch_operands = 8 : i64, tpu.core_type = #tpu.core_type<sc_vector_subcore>, window_params = [{transform_indices = #map}, {transform_indices = #map1}, {transform_indices = #map1}, {transform_indices = #map}]} {
    %mul3A = arith.constant 16 : i32
    %mul3A_0 = arith.muli %arg0, %mul3A : i32
    %add3A = arith.addi %mul3A_0, %arg1 : i32
    %scan3A = arith.constant 0 : i32
    %scan3A_1 = arith.constant 0 : i32
    %scan3A_2 = arith.constant 1024 : i32
    %scan3A_3 = arith.addi %scan3A_1, %scan3A_2 : i32
    %scan3A_4 = arith.constant 1 : i32
    scf.for %scan3A_143 = %scan3A_1 to %scan3A_3 step %scan3A_4  : i32 {
      %jit3A = arith.constant 8 : i32
      %div3A = arith.divsi %scan3A_143, %jit3A : i32
      %sign3A = arith.constant 0 : i32
      %sign3A_144 = arith.cmpi sgt, %scan3A_143, %sign3A : i32
      %sign3A_145 = arith.extui %sign3A_144 : i1 to i32
      %sign3A_146 = arith.constant 0 : i32
      %sign3A_147 = arith.cmpi slt, %scan3A_143, %sign3A_146 : i32
      %sign3A_148 = arith.extui %sign3A_147 : i1 to i32
      %sign3A_149 = arith.subi %sign3A_145, %sign3A_148 : i32
      %sign3A_150 = arith.constant 0 : i32
      %sign3A_151 = arith.cmpi sgt, %jit3A, %sign3A_150 : i32
      %sign3A_152 = arith.extui %sign3A_151 : i1 to i32
      %sign3A_153 = arith.constant 0 : i32
      %sign3A_154 = arith.cmpi slt, %jit3A, %sign3A_153 : i32
      %sign3A_155 = arith.extui %sign3A_154 : i1 to i32
      %sign3A_156 = arith.subi %sign3A_152, %sign3A_155 : i32
      %ne3A = arith.cmpi ne, %sign3A_149, %sign3A_156 : i32
      %rem3A = arith.remsi %scan3A_143, %jit3A : i32
      %ne3A_157 = arith.constant 0 : i32
      %ne3A_158 = arith.cmpi ne, %rem3A, %ne3A_157 : i32
      %and3A = arith.andi %ne3A, %ne3A_158 : i1
      %sub3A = arith.constant 1 : i32
      %sub3A_159 = arith.subi %div3A, %sub3A : i32
      %select_n3A = arith.select %and3A, %sub3A_159, %div3A : i32
      %jit3A_160 = arith.constant 8 : i32
      %eq3A = arith.constant 0 : i32
      %eq3A_161 = arith.cmpi eq, %jit3A_160, %eq3A : i32
      %jit3A_162 = arith.constant 1 : i32
      %select_n3A_163 = arith.select %eq3A_161, %jit3A_162, %jit3A_160 : i32
      %rem3A_164 = arith.remsi %scan3A_143, %select_n3A_163 : i32
      %ne3A_165 = arith.constant 0 : i32
      %ne3A_166 = arith.cmpi ne, %rem3A_164, %ne3A_165 : i32
      %lt3A = arith.constant 0 : i32
      %lt3A_167 = arith.cmpi slt, %rem3A_164, %lt3A : i32
      %lt3A_168 = arith.constant 0 : i32
      %lt3A_169 = arith.cmpi slt, %select_n3A_163, %lt3A_168 : i32
      %ne3A_170 = arith.xori %lt3A_167, %lt3A_169 : i1
      %and3A_171 = arith.andi %ne3A_170, %ne3A_166 : i1
      %add3A_172 = arith.addi %rem3A_164, %select_n3A_163 : i32
      %select_n3A_173 = arith.select %and3A_171, %add3A_172, %rem3A_164 : i32
      %mul3A_174 = arith.constant 16 : i32
      %mul3A_175 = arith.muli %select_n3A_173, %mul3A_174 : i32
      %broadcast_in_dim3A = arith.constant 0.000000e+00 : f32
      %broadcast_in_dim3A_176 = vector.broadcast %broadcast_in_dim3A : f32 to vector<16xf32>
      %swap3A = arith.index_cast %select_n3A : i32 to index
      %swap3A_177 = arith.index_cast %mul3A_175 : i32 to index
      %swap3A_178 = tpu.vector_load %arg9[%swap3A, %swap3A_177] {strides = array<i32>} : memref<128x128xf32, #tpu.memory_space<vmem>>, vector<1x16xf32>,
      %swap3A_179 = vector.shape_cast %swap3A_178 : vector<1x16xf32> to vector<16xf32>
      %swap3A_180 = vector.shape_cast %broadcast_in_dim3A_176 : vector<16xf32> to vector<1x16xf32>
      tpu.vector_store %arg9[%swap3A, %swap3A_177], %swap3A_180 {strides = array<i32>} : memref<128x128xf32, #tpu.memory_space<vmem>>, vector<1x16xf32>,
    }
    %scan3A_5 = arith.constant 1024 : i32
    %mul3A_6 = arith.constant 640 : i32
    %mul3A_7 = arith.muli %arg1, %mul3A_6 : i32
    %add3A_8 = arith.constant 0 : i32
    %add3A_9 = arith.addi %mul3A_7, %add3A_8 : i32
    %dma_start3A = arith.constant 0 : i32
    %dma_start3A_10 = tpu.memref_slice %arg6[%add3A_9, %dma_start3A] : memref<10240x128xf32, #tpu.memory_space<vmem_shared>> -> memref<128x128xf32, #tpu.memory_space<vmem_shared>>
    %dma_start3A_11 = arith.constant 0 : i32
    %dma_start3A_12 = tpu.memref_slice %arg6[%add3A_9, %dma_start3A_11] : memref<10240x128xf32, #tpu.memory_space<vmem_shared>> -> memref<128x128xf32, #tpu.memory_space<vmem_shared>>
    tpu.enqueue_dma source(%arg9 : memref<128x128xf32, #tpu.memory_space<vmem>>) target(%dma_start3A_12 : memref<128x128xf32, #tpu.memory_space<vmem_shared>>) target_semaphore(%arg13 : memref<!tpu.dma_semaphore, #tpu.memory_space<semaphore_mem>>)
    %mul3A_13 = arith.constant 640 : i32
    %mul3A_14 = arith.muli %arg1, %mul3A_13 : i32
    %add3A_15 = arith.constant 128 : i32
    %add3A_16 = arith.addi %mul3A_14, %add3A_15 : i32
    %dma_start3A_17 = arith.constant 0 : i32
    %dma_start3A_18 = tpu.memref_slice %arg6[%add3A_16, %dma_start3A_17] : memref<10240x128xf32, #tpu.memory_space<vmem_shared>> -> memref<128x128xf32, #tpu.memory_space<vmem_shared>>
    %dma_start3A_19 = arith.constant 0 : i32
    %dma_start3A_20 = tpu.memref_slice %arg6[%add3A_16, %dma_start3A_19] : memref<10240x128xf32, #tpu.memory_space<vmem_shared>> -> memref<128x128xf32, #tpu.memory_space<vmem_shared>>
    tpu.enqueue_dma source(%arg9 : memref<128x128xf32, #tpu.memory_space<vmem>>) target(%dma_start3A_20 : memref<128x128xf32, #tpu.memory_space<vmem_shared>>) target_semaphore(%arg13 : memref<!tpu.dma_semaphore, #tpu.memory_space<semaphore_mem>>)
    %mul3A_21 = arith.constant 640 : i32
    %mul3A_22 = arith.muli %arg1, %mul3A_21 : i32
    %add3A_23 = arith.constant 256 : i32
    %add3A_24 = arith.addi %mul3A_22, %add3A_23 : i32
    %dma_start3A_25 = arith.constant 0 : i32
    %dma_start3A_26 = tpu.memref_slice %arg6[%add3A_24, %dma_start3A_25] : memref<10240x128xf32, #tpu.memory_space<vmem_shared>> -> memref<128x128xf32, #tpu.memory_space<vmem_shared>>
    %dma_start3A_27 = arith.constant 0 : i32
    %dma_start3A_28 = tpu.memref_slice %arg6[%add3A_24, %dma_start3A_27] : memref<10240x128xf32, #tpu.memory_space<vmem_shared>> -> memref<128x128xf32, #tpu.memory_space<vmem_shared>>
    tpu.enqueue_dma source(%arg9 : memref<128x128xf32, #tpu.memory_space<vmem>>) target(%dma_start3A_28 : memref<128x128xf32, #tpu.memory_space<vmem_shared>>) target_semaphore(%arg13 : memref<!tpu.dma_semaphore, #tpu.memory_space<semaphore_mem>>)
    %mul3A_29 = arith.constant 640 : i32
    %mul3A_30 = arith.muli %arg1, %mul3A_29 : i32
    %add3A_31 = arith.constant 384 : i32
    %add3A_32 = arith.addi %mul3A_30, %add3A_31 : i32
    %dma_start3A_33 = arith.constant 0 : i32
    %dma_start3A_34 = tpu.memref_slice %arg6[%add3A_32, %dma_start3A_33] : memref<10240x128xf32, #tpu.memory_space<vmem_shared>> -> memref<128x128xf32, #tpu.memory_space<vmem_shared>>
    %dma_start3A_35 = arith.constant 0 : i32
    %dma_start3A_36 = tpu.memref_slice %arg6[%add3A_32, %dma_start3A_35] : memref<10240x128xf32, #tpu.memory_space<vmem_shared>> -> memref<128x128xf32, #tpu.memory_space<vmem_shared>>
    tpu.enqueue_dma source(%arg9 : memref<128x128xf32, #tpu.memory_space<vmem>>) target(%dma_start3A_36 : memref<128x128xf32, #tpu.memory_space<vmem_shared>>) target_semaphore(%arg13 : memref<!tpu.dma_semaphore, #tpu.memory_space<semaphore_mem>>)
    %mul3A_37 = arith.constant 640 : i32
    %mul3A_38 = arith.muli %arg1, %mul3A_37 : i32
    %add3A_39 = arith.constant 512 : i32
    %add3A_40 = arith.addi %mul3A_38, %add3A_39 : i32
    %dma_start3A_41 = arith.constant 0 : i32
    %dma_start3A_42 = tpu.memref_slice %arg6[%add3A_40, %dma_start3A_41] : memref<10240x128xf32, #tpu.memory_space<vmem_shared>> -> memref<128x128xf32, #tpu.memory_space<vmem_shared>>
    %dma_start3A_43 = arith.constant 0 : i32
    %dma_start3A_44 = tpu.memref_slice %arg6[%add3A_40, %dma_start3A_43] : memref<10240x128xf32, #tpu.memory_space<vmem_shared>> -> memref<128x128xf32, #tpu.memory_space<vmem_shared>>
    tpu.enqueue_dma source(%arg9 : memref<128x128xf32, #tpu.memory_space<vmem>>) target(%dma_start3A_44 : memref<128x128xf32, #tpu.memory_space<vmem_shared>>) target_semaphore(%arg13 : memref<!tpu.dma_semaphore, #tpu.memory_space<semaphore_mem>>)
    %dma_wait3A = arith.constant 0 : i32
    %dma_wait3A_45 = tpu.memref_slice %arg6[%add3A_9, %dma_wait3A] : memref<10240x128xf32, #tpu.memory_space<vmem_shared>> -> memref<128x128xf32, #tpu.memory_space<vmem_shared>>
    %dma_wait3A_46 = arith.constant 0 : i32
    %dma_wait3A_47 = tpu.memref_slice %arg6[%add3A_9, %dma_wait3A_46] : memref<10240x128xf32, #tpu.memory_space<vmem_shared>> -> memref<128x128xf32, #tpu.memory_space<vmem_shared>>
    tpu.wait_dma2 semaphore(%arg13 : memref<!tpu.dma_semaphore, #tpu.memory_space<semaphore_mem>>) src(%arg9 : memref<128x128xf32, #tpu.memory_space<vmem>>) dst(%dma_wait3A_47 : memref<128x128xf32, #tpu.memory_space<vmem_shared>>)
    %dma_wait3A_48 = arith.constant 0 : i32
    %dma_wait3A_49 = tpu.memref_slice %arg6[%add3A_16, %dma_wait3A_48] : memref<10240x128xf32, #tpu.memory_space<vmem_shared>> -> memref<128x128xf32, #tpu.memory_space<vmem_shared>>
    %dma_wait3A_50 = arith.constant 0 : i32
    %dma_wait3A_51 = tpu.memref_slice %arg6[%add3A_16, %dma_wait3A_50] : memref<10240x128xf32, #tpu.memory_space<vmem_shared>> -> memref<128x128xf32, #tpu.memory_space<vmem_shared>>
    tpu.wait_dma2 semaphore(%arg13 : memref<!tpu.dma_semaphore, #tpu.memory_space<semaphore_mem>>) src(%arg9 : memref<128x128xf32, #tpu.memory_space<vmem>>) dst(%dma_wait3A_51 : memref<128x128xf32, #tpu.memory_space<vmem_shared>>)
    %dma_wait3A_52 = arith.constant 0 : i32
    %dma_wait3A_53 = tpu.memref_slice %arg6[%add3A_24, %dma_wait3A_52] : memref<10240x128xf32, #tpu.memory_space<vmem_shared>> -> memref<128x128xf32, #tpu.memory_space<vmem_shared>>
    %dma_wait3A_54 = arith.constant 0 : i32
    %dma_wait3A_55 = tpu.memref_slice %arg6[%add3A_24, %dma_wait3A_54] : memref<10240x128xf32, #tpu.memory_space<vmem_shared>> -> memref<128x128xf32, #tpu.memory_space<vmem_shared>>
    tpu.wait_dma2 semaphore(%arg13 : memref<!tpu.dma_semaphore, #tpu.memory_space<semaphore_mem>>) src(%arg9 : memref<128x128xf32, #tpu.memory_space<vmem>>) dst(%dma_wait3A_55 : memref<128x128xf32, #tpu.memory_space<vmem_shared>>)
    %dma_wait3A_56 = arith.constant 0 : i32
    %dma_wait3A_57 = tpu.memref_slice %arg6[%add3A_32, %dma_wait3A_56] : memref<10240x128xf32, #tpu.memory_space<vmem_shared>> -> memref<128x128xf32, #tpu.memory_space<vmem_shared>>
    %dma_wait3A_58 = arith.constant 0 : i32
    %dma_wait3A_59 = tpu.memref_slice %arg6[%add3A_32, %dma_wait3A_58] : memref<10240x128xf32, #tpu.memory_space<vmem_shared>> -> memref<128x128xf32, #tpu.memory_space<vmem_shared>>
    tpu.wait_dma2 semaphore(%arg13 : memref<!tpu.dma_semaphore, #tpu.memory_space<semaphore_mem>>) src(%arg9 : memref<128x128xf32, #tpu.memory_space<vmem>>) dst(%dma_wait3A_59 : memref<128x128xf32, #tpu.memory_space<vmem_shared>>)
    %dma_wait3A_60 = arith.constant 0 : i32
    %dma_wait3A_61 = tpu.memref_slice %arg6[%add3A_40, %dma_wait3A_60] : memref<10240x128xf32, #tpu.memory_space<vmem_shared>> -> memref<128x128xf32, #tpu.memory_space<vmem_shared>>
    %dma_wait3A_62 = arith.constant 0 : i32
    %dma_wait3A_63 = tpu.memref_slice %arg6[%add3A_40, %dma_wait3A_62] : memref<10240x128xf32, #tpu.memory_space<vmem_shared>> -> memref<128x128xf32, #tpu.memory_space<vmem_shared>>
    tpu.wait_dma2 semaphore(%arg13 : memref<!tpu.dma_semaphore, #tpu.memory_space<semaphore_mem>>) src(%arg9 : memref<128x128xf32, #tpu.memory_space<vmem>>) dst(%dma_wait3A_63 : memref<128x128xf32, #tpu.memory_space<vmem_shared>>)
    %barrier3A = arith.constant 0 : index
    tpu.barrier barrier_id(%barrier3A)
    "tpu.region"() ({
      %run_scoped3A_143 = tpu.sem_alloc : memref<!tpu.dma_semaphore, #tpu.memory_space<semaphore_mem>>
      %dma_start3A_144 = arith.constant 0 : i32
      %dma_start3A_145 = arith.constant 0 : i32
      %dma_start3A_146 = tpu.memref_slice %arg3[%add3A, %dma_start3A_144, %dma_start3A_145] : memref<32x80x128xi32, #tpu.memory_space<hbm>> -> memref<1x40x128xi32, #tpu.memory_space<hbm>>
      %dma_start3A_147 = tpu.memref_squeeze %dma_start3A_146 : memref<1x40x128xi32, #tpu.memory_space<hbm>> -> memref<40x128xi32, #tpu.memory_space<hbm>>
      %dma_start3A_148 = arith.constant 0 : i32
      %dma_start3A_149 = arith.constant 0 : i32
      %dma_start3A_150 = tpu.memref_slice %arg3[%add3A, %dma_start3A_148, %dma_start3A_149] : memref<32x80x128xi32, #tpu.memory_space<hbm>> -> memref<1x40x128xi32, #tpu.memory_space<hbm>>
      %dma_start3A_151 = tpu.memref_squeeze %dma_start3A_150 : memref<1x40x128xi32, #tpu.memory_space<hbm>> -> memref<40x128xi32, #tpu.memory_space<hbm>>
      tpu.enqueue_dma source(%dma_start3A_151 : memref<40x128xi32, #tpu.memory_space<hbm>>) target(%arg7 : memref<40x128xi32, #tpu.memory_space<vmem>>) target_semaphore(%run_scoped3A_143 : memref<!tpu.dma_semaphore, #tpu.memory_space<semaphore_mem>>)
      %dma_wait3A_152 = arith.constant 0 : i32
      %dma_wait3A_153 = arith.constant 0 : i32
      %dma_wait3A_154 = tpu.memref_slice %arg3[%add3A, %dma_wait3A_152, %dma_wait3A_153] : memref<32x80x128xi32, #tpu.memory_space<hbm>> -> memref<1x40x128xi32, #tpu.memory_space<hbm>>
      %dma_wait3A_155 = tpu.memref_squeeze %dma_wait3A_154 : memref<1x40x128xi32, #tpu.memory_space<hbm>> -> memref<40x128xi32, #tpu.memory_space<hbm>>
      %dma_wait3A_156 = arith.constant 0 : i32
      %dma_wait3A_157 = arith.constant 0 : i32
      %dma_wait3A_158 = tpu.memref_slice %arg3[%add3A, %dma_wait3A_156, %dma_wait3A_157] : memref<32x80x128xi32, #tpu.memory_space<hbm>> -> memref<1x40x128xi32, #tpu.memory_space<hbm>>
      %dma_wait3A_159 = tpu.memref_squeeze %dma_wait3A_158 : memref<1x40x128xi32, #tpu.memory_space<hbm>> -> memref<40x128xi32, #tpu.memory_space<hbm>>
      tpu.wait_dma2 semaphore(%run_scoped3A_143 : memref<!tpu.dma_semaphore, #tpu.memory_space<semaphore_mem>>) src(%dma_wait3A_159 : memref<40x128xi32, #tpu.memory_space<hbm>>) dst(%arg7 : memref<40x128xi32, #tpu.memory_space<vmem>>)
      tpu.yield
    }) : () -> ()
    "tpu.region"() ({
      %run_scoped3A_143 = tpu.sem_alloc : memref<!tpu.dma_semaphore, #tpu.memory_space<semaphore_mem>>
      %dma_start3A_144 = arith.constant 0 : i32
      %dma_start3A_145 = arith.constant 0 : i32
      %dma_start3A_146 = tpu.memref_slice %arg4[%add3A, %dma_start3A_144, %dma_start3A_145] : memref<32x80x128xi32, #tpu.memory_space<hbm>> -> memref<1x40x128xi32, #tpu.memory_space<hbm>>
      %dma_start3A_147 = tpu.memref_squeeze %dma_start3A_146 : memref<1x40x128xi32, #tpu.memory_space<hbm>> -> memref<40x128xi32, #tpu.memory_space<hbm>>
      %dma_start3A_148 = arith.constant 0 : i32
      %dma_start3A_149 = arith.constant 0 : i32
      %dma_start3A_150 = tpu.memref_slice %arg4[%add3A, %dma_start3A_148, %dma_start3A_149] : memref<32x80x128xi32, #tpu.memory_space<hbm>> -> memref<1x40x128xi32, #tpu.memory_space<hbm>>
      %dma_start3A_151 = tpu.memref_squeeze %dma_start3A_150 : memref<1x40x128xi32, #tpu.memory_space<hbm>> -> memref<40x128xi32, #tpu.memory_space<hbm>>
      tpu.enqueue_dma source(%dma_start3A_151 : memref<40x128xi32, #tpu.memory_space<hbm>>) target(%arg8 : memref<40x128xi32, #tpu.memory_space<vmem>>) target_semaphore(%run_scoped3A_143 : memref<!tpu.dma_semaphore, #tpu.memory_space<semaphore_mem>>)
      %dma_wait3A_152 = arith.constant 0 : i32
      %dma_wait3A_153 = arith.constant 0 : i32
      %dma_wait3A_154 = tpu.memref_slice %arg4[%add3A, %dma_wait3A_152, %dma_wait3A_153] : memref<32x80x128xi32, #tpu.memory_space<hbm>> -> memref<1x40x128xi32, #tpu.memory_space<hbm>>
      %dma_wait3A_155 = tpu.memref_squeeze %dma_wait3A_154 : memref<1x40x128xi32, #tpu.memory_space<hbm>> -> memref<40x128xi32, #tpu.memory_space<hbm>>
      %dma_wait3A_156 = arith.constant 0 : i32
      %dma_wait3A_157 = arith.constant 0 : i32
      %dma_wait3A_158 = tpu.memref_slice %arg4[%add3A, %dma_wait3A_156, %dma_wait3A_157] : memref<32x80x128xi32, #tpu.memory_space<hbm>> -> memref<1x40x128xi32, #tpu.memory_space<hbm>>
      %dma_wait3A_159 = tpu.memref_squeeze %dma_wait3A_158 : memref<1x40x128xi32, #tpu.memory_space<hbm>> -> memref<40x128xi32, #tpu.memory_space<hbm>>
      tpu.wait_dma2 semaphore(%run_scoped3A_143 : memref<!tpu.dma_semaphore, #tpu.memory_space<semaphore_mem>>) src(%dma_wait3A_159 : memref<40x128xi32, #tpu.memory_space<hbm>>) dst(%arg8 : memref<40x128xi32, #tpu.memory_space<vmem>>)
      tpu.yield
    }) : () -> ()
    %dma_start3A_64 = arith.constant 0 : i32
    %dma_start3A_65 = arith.constant 0 : i32
    %dma_start3A_66 = tpu.memref_slice %arg7[%dma_start3A_64, %dma_start3A_65] : memref<40x128xi32, #tpu.memory_space<vmem>> -> memref<1x128xi32, #tpu.memory_space<vmem>>
    %dma_start3A_67 = tpu.memref_squeeze %dma_start3A_66 : memref<1x128xi32, #tpu.memory_space<vmem>> -> memref<128xi32, #tpu.memory_space<vmem>>
    %dma_start3A_68 = arith.constant 0 : i32
    %dma_start3A_69 = arith.constant 0 : i32
    %dma_start3A_70 = tpu.memref_slice %arg2[%dma_start3A_68, %dma_start3A_69] : memref<10000x128xf32, #tpu.memory_space<hbm>> -> memref<10000x128xf32, #tpu.memory_space<hbm>>
    tpu.enqueue_indirect_dma source(%dma_start3A_70 : memref<10000x128xf32, #tpu.memory_space<hbm>>) target(%arg9 : memref<128x128xf32, #tpu.memory_space<vmem>>) offsets(%dma_start3A_67 : memref<128xi32, #tpu.memory_space<vmem>>) semaphore(%arg11 : memref<!tpu.dma_semaphore, #tpu.memory_space<semaphore_mem>>)
    %dma_start3A_71 = arith.constant 1 : i32
    %dma_start3A_72 = arith.constant 0 : i32
    %dma_start3A_73 = tpu.memref_slice %arg7[%dma_start3A_71, %dma_start3A_72] : memref<40x128xi32, #tpu.memory_space<vmem>> -> memref<1x128xi32, #tpu.memory_space<vmem>>
    %dma_start3A_74 = tpu.memref_squeeze %dma_start3A_73 : memref<1x128xi32, #tpu.memory_space<vmem>> -> memref<128xi32, #tpu.memory_space<vmem>>
    %dma_start3A_75 = arith.constant 0 : i32
    %dma_start3A_76 = arith.constant 0 : i32
    %dma_start3A_77 = tpu.memref_slice %arg2[%dma_start3A_75, %dma_start3A_76] : memref<10000x128xf32, #tpu.memory_space<hbm>> -> memref<10000x128xf32, #tpu.memory_space<hbm>>
    tpu.enqueue_indirect_dma source(%dma_start3A_77 : memref<10000x128xf32, #tpu.memory_space<hbm>>) target(%arg10 : memref<128x128xf32, #tpu.memory_space<vmem>>) offsets(%dma_start3A_74 : memref<128xi32, #tpu.memory_space<vmem>>) semaphore(%arg12 : memref<!tpu.dma_semaphore, #tpu.memory_space<semaphore_mem>>)
    %scan3A_78 = arith.constant 0 : i32
    %scan3A_79 = arith.constant 0 : i32
    %scan3A_80 = arith.constant 19 : i32
    %scan3A_81 = arith.addi %scan3A_79, %scan3A_80 : i32
    %scan3A_82 = arith.constant 1 : i32
    scf.for %scan3A_143 = %scan3A_79 to %scan3A_81 step %scan3A_82  : i32 {
      %mul3A_144 = arith.constant 2 : i32
      %mul3A_145 = arith.muli %mul3A_144, %scan3A_143 : i32
      %dma_wait3A_146 = arith.constant 0 : i32
      %dma_wait3A_147 = arith.constant 0 : i32
      %dma_wait3A_148 = tpu.memref_slice %arg7[%dma_wait3A_146, %dma_wait3A_147] : memref<40x128xi32, #tpu.memory_space<vmem>> -> memref<1x128xi32, #tpu.memory_space<vmem>>
      %dma_wait3A_149 = tpu.memref_squeeze %dma_wait3A_148 : memref<1x128xi32, #tpu.memory_space<vmem>> -> memref<128xi32, #tpu.memory_space<vmem>>
      %dma_wait3A_150 = arith.constant 0 : i32
      %dma_wait3A_151 = arith.constant 0 : i32
      %dma_wait3A_152 = tpu.memref_slice %arg2[%dma_wait3A_150, %dma_wait3A_151] : memref<10000x128xf32, #tpu.memory_space<hbm>> -> memref<10000x128xf32, #tpu.memory_space<hbm>>
      tpu.wait_indirect_dma semaphore(%arg11 : memref<!tpu.dma_semaphore, #tpu.memory_space<semaphore_mem>>) src(%dma_wait3A_152 : memref<10000x128xf32, #tpu.memory_space<hbm>>) dst(%arg9 : memref<128x128xf32, #tpu.memory_space<vmem>>)
      "tpu.region"() ({
        %run_scoped3A_178 = tpu.sem_alloc : memref<!tpu.dma_semaphore, #tpu.memory_space<semaphore_mem>>
        %dma_start3A_179 = arith.constant 0 : i32
        %dma_start3A_180 = tpu.memref_slice %arg8[%mul3A_145, %dma_start3A_179] : memref<40x128xi32, #tpu.memory_space<vmem>> -> memref<1x128xi32, #tpu.memory_space<vmem>>
        %dma_start3A_181 = tpu.memref_squeeze %dma_start3A_180 : memref<1x128xi32, #tpu.memory_space<vmem>> -> memref<128xi32, #tpu.memory_space<vmem>>
        %dma_start3A_182 = arith.constant 0 : i32
        %dma_start3A_183 = arith.constant 0 : i32
        %dma_start3A_184 = tpu.memref_slice %arg6[%dma_start3A_182, %dma_start3A_183] : memref<10240x128xf32, #tpu.memory_space<vmem_shared>> -> memref<10240x128xf32, #tpu.memory_space<vmem_shared>>
        tpu.enqueue_indirect_dma source(%arg9 : memref<128x128xf32, #tpu.memory_space<vmem>>) target(%dma_start3A_184 : memref<10240x128xf32, #tpu.memory_space<vmem_shared>>) offsets(%dma_start3A_181 : memref<128xi32, #tpu.memory_space<vmem>>) semaphore(%run_scoped3A_178 : memref<!tpu.dma_semaphore, #tpu.memory_space<semaphore_mem>>) {add = true}
        %dma_wait3A_185 = arith.constant 0 : i32
        %dma_wait3A_186 = tpu.memref_slice %arg8[%mul3A_145, %dma_wait3A_185] : memref<40x128xi32, #tpu.memory_space<vmem>> -> memref<1x128xi32, #tpu.memory_space<vmem>>
        %dma_wait3A_187 = tpu.memref_squeeze %dma_wait3A_186 : memref<1x128xi32, #tpu.memory_space<vmem>> -> memref<128xi32, #tpu.memory_space<vmem>>
        %dma_wait3A_188 = arith.constant 0 : i32
        %dma_wait3A_189 = arith.constant 0 : i32
        %dma_wait3A_190 = tpu.memref_slice %arg6[%dma_wait3A_188, %dma_wait3A_189] : memref<10240x128xf32, #tpu.memory_space<vmem_shared>> -> memref<10240x128xf32, #tpu.memory_space<vmem_shared>>
        tpu.wait_indirect_dma semaphore(%run_scoped3A_178 : memref<!tpu.dma_semaphore, #tpu.memory_space<semaphore_mem>>) src(%arg9 : memref<128x128xf32, #tpu.memory_space<vmem>>) dst(%dma_wait3A_190 : memref<10240x128xf32, #tpu.memory_space<vmem_shared>>)
        tpu.yield
      }) : () -> ()
      %add3A_153 = arith.constant 2 : i32
      %add3A_154 = arith.addi %mul3A_145, %add3A_153 : i32
      %dma_start3A_155 = arith.constant 0 : i32
      %dma_start3A_156 = tpu.memref_slice %arg7[%add3A_154, %dma_start3A_155] : memref<40x128xi32, #tpu.memory_space<vmem>> -> memref<1x128xi32, #tpu.memory_space<vmem>>
      %dma_start3A_157 = tpu.memref_squeeze %dma_start3A_156 : memref<1x128xi32, #tpu.memory_space<vmem>> -> memref<128xi32, #tpu.memory_space<vmem>>
      %dma_start3A_158 = arith.constant 0 : i32
      %dma_start3A_159 = arith.constant 0 : i32
      %dma_start3A_160 = tpu.memref_slice %arg2[%dma_start3A_158, %dma_start3A_159] : memref<10000x128xf32, #tpu.memory_space<hbm>> -> memref<10000x128xf32, #tpu.memory_space<hbm>>
      tpu.enqueue_indirect_dma source(%dma_start3A_160 : memref<10000x128xf32, #tpu.memory_space<hbm>>) target(%arg9 : memref<128x128xf32, #tpu.memory_space<vmem>>) offsets(%dma_start3A_157 : memref<128xi32, #tpu.memory_space<vmem>>) semaphore(%arg11 : memref<!tpu.dma_semaphore, #tpu.memory_space<semaphore_mem>>)
      %dma_wait3A_161 = arith.constant 0 : i32
      %dma_wait3A_162 = arith.constant 0 : i32
      %dma_wait3A_163 = tpu.memref_slice %arg7[%dma_wait3A_161, %dma_wait3A_162] : memref<40x128xi32, #tpu.memory_space<vmem>> -> memref<1x128xi32, #tpu.memory_space<vmem>>
      %dma_wait3A_164 = tpu.memref_squeeze %dma_wait3A_163 : memref<1x128xi32, #tpu.memory_space<vmem>> -> memref<128xi32, #tpu.memory_space<vmem>>
      %dma_wait3A_165 = arith.constant 0 : i32
      %dma_wait3A_166 = arith.constant 0 : i32
      %dma_wait3A_167 = tpu.memref_slice %arg2[%dma_wait3A_165, %dma_wait3A_166] : memref<10000x128xf32, #tpu.memory_space<hbm>> -> memref<10000x128xf32, #tpu.memory_space<hbm>>
      tpu.wait_indirect_dma semaphore(%arg12 : memref<!tpu.dma_semaphore, #tpu.memory_space<semaphore_mem>>) src(%dma_wait3A_167 : memref<10000x128xf32, #tpu.memory_space<hbm>>) dst(%arg10 : memref<128x128xf32, #tpu.memory_space<vmem>>)
      %add3A_168 = arith.constant 1 : i32
      %add3A_169 = arith.addi %mul3A_145, %add3A_168 : i32
      "tpu.region"() ({
        %run_scoped3A_178 = tpu.sem_alloc : memref<!tpu.dma_semaphore, #tpu.memory_space<semaphore_mem>>
        %dma_start3A_179 = arith.constant 0 : i32
        %dma_start3A_180 = tpu.memref_slice %arg8[%add3A_169, %dma_start3A_179] : memref<40x128xi32, #tpu.memory_space<vmem>> -> memref<1x128xi32, #tpu.memory_space<vmem>>
        %dma_start3A_181 = tpu.memref_squeeze %dma_start3A_180 : memref<1x128xi32, #tpu.memory_space<vmem>> -> memref<128xi32, #tpu.memory_space<vmem>>
        %dma_start3A_182 = arith.constant 0 : i32
        %dma_start3A_183 = arith.constant 0 : i32
        %dma_start3A_184 = tpu.memref_slice %arg6[%dma_start3A_182, %dma_start3A_183] : memref<10240x128xf32, #tpu.memory_space<vmem_shared>> -> memref<10240x128xf32, #tpu.memory_space<vmem_shared>>
        tpu.enqueue_indirect_dma source(%arg10 : memref<128x128xf32, #tpu.memory_space<vmem>>) target(%dma_start3A_184 : memref<10240x128xf32, #tpu.memory_space<vmem_shared>>) offsets(%dma_start3A_181 : memref<128xi32, #tpu.memory_space<vmem>>) semaphore(%run_scoped3A_178 : memref<!tpu.dma_semaphore, #tpu.memory_space<semaphore_mem>>) {add = true}
        %dma_wait3A_185 = arith.constant 0 : i32
        %dma_wait3A_186 = tpu.memref_slice %arg8[%add3A_169, %dma_wait3A_185] : memref<40x128xi32, #tpu.memory_space<vmem>> -> memref<1x128xi32, #tpu.memory_space<vmem>>
        %dma_wait3A_187 = tpu.memref_squeeze %dma_wait3A_186 : memref<1x128xi32, #tpu.memory_space<vmem>> -> memref<128xi32, #tpu.memory_space<vmem>>
        %dma_wait3A_188 = arith.constant 0 : i32
        %dma_wait3A_189 = arith.constant 0 : i32
        %dma_wait3A_190 = tpu.memref_slice %arg6[%dma_wait3A_188, %dma_wait3A_189] : memref<10240x128xf32, #tpu.memory_space<vmem_shared>> -> memref<10240x128xf32, #tpu.memory_space<vmem_shared>>
        tpu.wait_indirect_dma semaphore(%run_scoped3A_178 : memref<!tpu.dma_semaphore, #tpu.memory_space<semaphore_mem>>) src(%arg10 : memref<128x128xf32, #tpu.memory_space<vmem>>) dst(%dma_wait3A_190 : memref<10240x128xf32, #tpu.memory_space<vmem_shared>>)
        tpu.yield
      }) : () -> ()
      %add3A_170 = arith.constant 3 : i32
      %add3A_171 = arith.addi %mul3A_145, %add3A_170 : i32
      %dma_start3A_172 = arith.constant 0 : i32
      %dma_start3A_173 = tpu.memref_slice %arg7[%add3A_171, %dma_start3A_172] : memref<40x128xi32, #tpu.memory_space<vmem>> -> memref<1x128xi32, #tpu.memory_space<vmem>>
      %dma_start3A_174 = tpu.memref_squeeze %dma_start3A_173 : memref<1x128xi32, #tpu.memory_space<vmem>> -> memref<128xi32, #tpu.memory_space<vmem>>
      %dma_start3A_175 = arith.constant 0 : i32
      %dma_start3A_176 = arith.constant 0 : i32
      %dma_start3A_177 = tpu.memref_slice %arg2[%dma_start3A_175, %dma_start3A_176] : memref<10000x128xf32, #tpu.memory_space<hbm>> -> memref<10000x128xf32, #tpu.memory_space<hbm>>
      tpu.enqueue_indirect_dma source(%dma_start3A_177 : memref<10000x128xf32, #tpu.memory_space<hbm>>) target(%arg10 : memref<128x128xf32, #tpu.memory_space<vmem>>) offsets(%dma_start3A_174 : memref<128xi32, #tpu.memory_space<vmem>>) semaphore(%arg12 : memref<!tpu.dma_semaphore, #tpu.memory_space<semaphore_mem>>)
    }
    %scan3A_83 = arith.constant 19 : i32
    %dma_wait3A_84 = arith.constant 0 : i32
    %dma_wait3A_85 = arith.constant 0 : i32
    %dma_wait3A_86 = tpu.memref_slice %arg7[%dma_wait3A_84, %dma_wait3A_85] : memref<40x128xi32, #tpu.memory_space<vmem>> -> memref<1x128xi32, #tpu.memory_space<vmem>>
    %dma_wait3A_87 = tpu.memref_squeeze %dma_wait3A_86 : memref<1x128xi32, #tpu.memory_space<vmem>> -> memref<128xi32, #tpu.memory_space<vmem>>
    %dma_wait3A_88 = arith.constant 0 : i32
    %dma_wait3A_89 = arith.constant 0 : i32
    %dma_wait3A_90 = tpu.memref_slice %arg2[%dma_wait3A_88, %dma_wait3A_89] : memref<10000x128xf32, #tpu.memory_space<hbm>> -> memref<10000x128xf32, #tpu.memory_space<hbm>>
    tpu.wait_indirect_dma semaphore(%arg11 : memref<!tpu.dma_semaphore, #tpu.memory_space<semaphore_mem>>) src(%dma_wait3A_90 : memref<10000x128xf32, #tpu.memory_space<hbm>>) dst(%arg9 : memref<128x128xf32, #tpu.memory_space<vmem>>)
    %run_scoped3A = arith.constant 38 : i32
    "tpu.region"() ({
      %run_scoped3A_143 = tpu.sem_alloc : memref<!tpu.dma_semaphore, #tpu.memory_space<semaphore_mem>>
      %dma_start3A_144 = arith.constant 0 : i32
      %dma_start3A_145 = tpu.memref_slice %arg8[%run_scoped3A, %dma_start3A_144] : memref<40x128xi32, #tpu.memory_space<vmem>> -> memref<1x128xi32, #tpu.memory_space<vmem>>
      %dma_start3A_146 = tpu.memref_squeeze %dma_start3A_145 : memref<1x128xi32, #tpu.memory_space<vmem>> -> memref<128xi32, #tpu.memory_space<vmem>>
      %dma_start3A_147 = arith.constant 0 : i32
      %dma_start3A_148 = arith.constant 0 : i32
      %dma_start3A_149 = tpu.memref_slice %arg6[%dma_start3A_147, %dma_start3A_148] : memref<10240x128xf32, #tpu.memory_space<vmem_shared>> -> memref<10240x128xf32, #tpu.memory_space<vmem_shared>>
      tpu.enqueue_indirect_dma source(%arg9 : memref<128x128xf32, #tpu.memory_space<vmem>>) target(%dma_start3A_149 : memref<10240x128xf32, #tpu.memory_space<vmem_shared>>) offsets(%dma_start3A_146 : memref<128xi32, #tpu.memory_space<vmem>>) semaphore(%run_scoped3A_143 : memref<!tpu.dma_semaphore, #tpu.memory_space<semaphore_mem>>) {add = true}
      %dma_wait3A_150 = arith.constant 0 : i32
      %dma_wait3A_151 = tpu.memref_slice %arg8[%run_scoped3A, %dma_wait3A_150] : memref<40x128xi32, #tpu.memory_space<vmem>> -> memref<1x128xi32, #tpu.memory_space<vmem>>
      %dma_wait3A_152 = tpu.memref_squeeze %dma_wait3A_151 : memref<1x128xi32, #tpu.memory_space<vmem>> -> memref<128xi32, #tpu.memory_space<vmem>>
      %dma_wait3A_153 = arith.constant 0 : i32
      %dma_wait3A_154 = arith.constant 0 : i32
      %dma_wait3A_155 = tpu.memref_slice %arg6[%dma_wait3A_153, %dma_wait3A_154] : memref<10240x128xf32, #tpu.memory_space<vmem_shared>> -> memref<10240x128xf32, #tpu.memory_space<vmem_shared>>
      tpu.wait_indirect_dma semaphore(%run_scoped3A_143 : memref<!tpu.dma_semaphore, #tpu.memory_space<semaphore_mem>>) src(%arg9 : memref<128x128xf32, #tpu.memory_space<vmem>>) dst(%dma_wait3A_155 : memref<10240x128xf32, #tpu.memory_space<vmem_shared>>)
      tpu.yield
    }) : () -> ()
    %dma_wait3A_91 = arith.constant 0 : i32
    %dma_wait3A_92 = arith.constant 0 : i32
    %dma_wait3A_93 = tpu.memref_slice %arg7[%dma_wait3A_91, %dma_wait3A_92] : memref<40x128xi32, #tpu.memory_space<vmem>> -> memref<1x128xi32, #tpu.memory_space<vmem>>
    %dma_wait3A_94 = tpu.memref_squeeze %dma_wait3A_93 : memref<1x128xi32, #tpu.memory_space<vmem>> -> memref<128xi32, #tpu.memory_space<vmem>>
    %dma_wait3A_95 = arith.constant 0 : i32
    %dma_wait3A_96 = arith.constant 0 : i32
    %dma_wait3A_97 = tpu.memref_slice %arg2[%dma_wait3A_95, %dma_wait3A_96] : memref<10000x128xf32, #tpu.memory_space<hbm>> -> memref<10000x128xf32, #tpu.memory_space<hbm>>
    tpu.wait_indirect_dma semaphore(%arg12 : memref<!tpu.dma_semaphore, #tpu.memory_space<semaphore_mem>>) src(%dma_wait3A_97 : memref<10000x128xf32, #tpu.memory_space<hbm>>) dst(%arg10 : memref<128x128xf32, #tpu.memory_space<vmem>>)
    %run_scoped3A_98 = arith.constant 39 : i32
    "tpu.region"() ({
      %run_scoped3A_143 = tpu.sem_alloc : memref<!tpu.dma_semaphore, #tpu.memory_space<semaphore_mem>>
      %dma_start3A_144 = arith.constant 0 : i32
      %dma_start3A_145 = tpu.memref_slice %arg8[%run_scoped3A_98, %dma_start3A_144] : memref<40x128xi32, #tpu.memory_space<vmem>> -> memref<1x128xi32, #tpu.memory_space<vmem>>
      %dma_start3A_146 = tpu.memref_squeeze %dma_start3A_145 : memref<1x128xi32, #tpu.memory_space<vmem>> -> memref<128xi32, #tpu.memory_space<vmem>>
      %dma_start3A_147 = arith.constant 0 : i32
      %dma_start3A_148 = arith.constant 0 : i32
      %dma_start3A_149 = tpu.memref_slice %arg6[%dma_start3A_147, %dma_start3A_148] : memref<10240x128xf32, #tpu.memory_space<vmem_shared>> -> memref<10240x128xf32, #tpu.memory_space<vmem_shared>>
      tpu.enqueue_indirect_dma source(%arg10 : memref<128x128xf32, #tpu.memory_space<vmem>>) target(%dma_start3A_149 : memref<10240x128xf32, #tpu.memory_space<vmem_shared>>) offsets(%dma_start3A_146 : memref<128xi32, #tpu.memory_space<vmem>>) semaphore(%run_scoped3A_143 : memref<!tpu.dma_semaphore, #tpu.memory_space<semaphore_mem>>) {add = true}
      %dma_wait3A_150 = arith.constant 0 : i32
      %dma_wait3A_151 = tpu.memref_slice %arg8[%run_scoped3A_98, %dma_wait3A_150] : memref<40x128xi32, #tpu.memory_space<vmem>> -> memref<1x128xi32, #tpu.memory_space<vmem>>
      %dma_wait3A_152 = tpu.memref_squeeze %dma_wait3A_151 : memref<1x128xi32, #tpu.memory_space<vmem>> -> memref<128xi32, #tpu.memory_space<vmem>>
      %dma_wait3A_153 = arith.constant 0 : i32
      %dma_wait3A_154 = arith.constant 0 : i32
      %dma_wait3A_155 = tpu.memref_slice %arg6[%dma_wait3A_153, %dma_wait3A_154] : memref<10240x128xf32, #tpu.memory_space<vmem_shared>> -> memref<10240x128xf32, #tpu.memory_space<vmem_shared>>
      tpu.wait_indirect_dma semaphore(%run_scoped3A_143 : memref<!tpu.dma_semaphore, #tpu.memory_space<semaphore_mem>>) src(%arg10 : memref<128x128xf32, #tpu.memory_space<vmem>>) dst(%dma_wait3A_155 : memref<10240x128xf32, #tpu.memory_space<vmem_shared>>)
      tpu.yield
    }) : () -> ()
    "tpu.region"() ({
      %run_scoped3A_143 = tpu.sem_alloc : memref<!tpu.dma_semaphore, #tpu.memory_space<semaphore_mem>>
      %dma_start3A_144 = arith.constant 40 : i32
      %dma_start3A_145 = arith.constant 0 : i32
      %dma_start3A_146 = tpu.memref_slice %arg3[%add3A, %dma_start3A_144, %dma_start3A_145] : memref<32x80x128xi32, #tpu.memory_space<hbm>> -> memref<1x40x128xi32, #tpu.memory_space<hbm>>
      %dma_start3A_147 = tpu.memref_squeeze %dma_start3A_146 : memref<1x40x128xi32, #tpu.memory_space<hbm>> -> memref<40x128xi32, #tpu.memory_space<hbm>>
      %dma_start3A_148 = arith.constant 40 : i32
      %dma_start3A_149 = arith.constant 0 : i32
      %dma_start3A_150 = tpu.memref_slice %arg3[%add3A, %dma_start3A_148, %dma_start3A_149] : memref<32x80x128xi32, #tpu.memory_space<hbm>> -> memref<1x40x128xi32, #tpu.memory_space<hbm>>
      %dma_start3A_151 = tpu.memref_squeeze %dma_start3A_150 : memref<1x40x128xi32, #tpu.memory_space<hbm>> -> memref<40x128xi32, #tpu.memory_space<hbm>>
      tpu.enqueue_dma source(%dma_start3A_151 : memref<40x128xi32, #tpu.memory_space<hbm>>) target(%arg7 : memref<40x128xi32, #tpu.memory_space<vmem>>) target_semaphore(%run_scoped3A_143 : memref<!tpu.dma_semaphore, #tpu.memory_space<semaphore_mem>>)
      %dma_wait3A_152 = arith.constant 40 : i32
      %dma_wait3A_153 = arith.constant 0 : i32
      %dma_wait3A_154 = tpu.memref_slice %arg3[%add3A, %dma_wait3A_152, %dma_wait3A_153] : memref<32x80x128xi32, #tpu.memory_space<hbm>> -> memref<1x40x128xi32, #tpu.memory_space<hbm>>
      %dma_wait3A_155 = tpu.memref_squeeze %dma_wait3A_154 : memref<1x40x128xi32, #tpu.memory_space<hbm>> -> memref<40x128xi32, #tpu.memory_space<hbm>>
      %dma_wait3A_156 = arith.constant 40 : i32
      %dma_wait3A_157 = arith.constant 0 : i32
      %dma_wait3A_158 = tpu.memref_slice %arg3[%add3A, %dma_wait3A_156, %dma_wait3A_157] : memref<32x80x128xi32, #tpu.memory_space<hbm>> -> memref<1x40x128xi32, #tpu.memory_space<hbm>>
      %dma_wait3A_159 = tpu.memref_squeeze %dma_wait3A_158 : memref<1x40x128xi32, #tpu.memory_space<hbm>> -> memref<40x128xi32, #tpu.memory_space<hbm>>
      tpu.wait_dma2 semaphore(%run_scoped3A_143 : memref<!tpu.dma_semaphore, #tpu.memory_space<semaphore_mem>>) src(%dma_wait3A_159 : memref<40x128xi32, #tpu.memory_space<hbm>>) dst(%arg7 : memref<40x128xi32, #tpu.memory_space<vmem>>)
      tpu.yield
    }) : () -> ()
    "tpu.region"() ({
      %run_scoped3A_143 = tpu.sem_alloc : memref<!tpu.dma_semaphore, #tpu.memory_space<semaphore_mem>>
      %dma_start3A_144 = arith.constant 40 : i32
      %dma_start3A_145 = arith.constant 0 : i32
      %dma_start3A_146 = tpu.memref_slice %arg4[%add3A, %dma_start3A_144, %dma_start3A_145] : memref<32x80x128xi32, #tpu.memory_space<hbm>> -> memref<1x40x128xi32, #tpu.memory_space<hbm>>
      %dma_start3A_147 = tpu.memref_squeeze %dma_start3A_146 : memref<1x40x128xi32, #tpu.memory_space<hbm>> -> memref<40x128xi32, #tpu.memory_space<hbm>>
      %dma_start3A_148 = arith.constant 40 : i32
      %dma_start3A_149 = arith.constant 0 : i32
      %dma_start3A_150 = tpu.memref_slice %arg4[%add3A, %dma_start3A_148, %dma_start3A_149] : memref<32x80x128xi32, #tpu.memory_space<hbm>> -> memref<1x40x128xi32, #tpu.memory_space<hbm>>
      %dma_start3A_151 = tpu.memref_squeeze %dma_start3A_150 : memref<1x40x128xi32, #tpu.memory_space<hbm>> -> memref<40x128xi32, #tpu.memory_space<hbm>>
      tpu.enqueue_dma source(%dma_start3A_151 : memref<40x128xi32, #tpu.memory_space<hbm>>) target(%arg8 : memref<40x128xi32, #tpu.memory_space<vmem>>) target_semaphore(%run_scoped3A_143 : memref<!tpu.dma_semaphore, #tpu.memory_space<semaphore_mem>>)
      %dma_wait3A_152 = arith.constant 40 : i32
      %dma_wait3A_153 = arith.constant 0 : i32
      %dma_wait3A_154 = tpu.memref_slice %arg4[%add3A, %dma_wait3A_152, %dma_wait3A_153] : memref<32x80x128xi32, #tpu.memory_space<hbm>> -> memref<1x40x128xi32, #tpu.memory_space<hbm>>
      %dma_wait3A_155 = tpu.memref_squeeze %dma_wait3A_154 : memref<1x40x128xi32, #tpu.memory_space<hbm>> -> memref<40x128xi32, #tpu.memory_space<hbm>>
      %dma_wait3A_156 = arith.constant 40 : i32
      %dma_wait3A_157 = arith.constant 0 : i32
      %dma_wait3A_158 = tpu.memref_slice %arg4[%add3A, %dma_wait3A_156, %dma_wait3A_157] : memref<32x80x128xi32, #tpu.memory_space<hbm>> -> memref<1x40x128xi32, #tpu.memory_space<hbm>>
      %dma_wait3A_159 = tpu.memref_squeeze %dma_wait3A_158 : memref<1x40x128xi32, #tpu.memory_space<hbm>> -> memref<40x128xi32, #tpu.memory_space<hbm>>
      tpu.wait_dma2 semaphore(%run_scoped3A_143 : memref<!tpu.dma_semaphore, #tpu.memory_space<semaphore_mem>>) src(%dma_wait3A_159 : memref<40x128xi32, #tpu.memory_space<hbm>>) dst(%arg8 : memref<40x128xi32, #tpu.memory_space<vmem>>)
      tpu.yield
    }) : () -> ()
    %dma_start3A_99 = arith.constant 0 : i32
    %dma_start3A_100 = arith.constant 0 : i32
    %dma_start3A_101 = tpu.memref_slice %arg7[%dma_start3A_99, %dma_start3A_100] : memref<40x128xi32, #tpu.memory_space<vmem>> -> memref<1x128xi32, #tpu.memory_space<vmem>>
    %dma_start3A_102 = tpu.memref_squeeze %dma_start3A_101 : memref<1x128xi32, #tpu.memory_space<vmem>> -> memref<128xi32, #tpu.memory_space<vmem>>
    %dma_start3A_103 = arith.constant 0 : i32
    %dma_start3A_104 = arith.constant 0 : i32
    %dma_start3A_105 = tpu.memref_slice %arg2[%dma_start3A_103, %dma_start3A_104] : memref<10000x128xf32, #tpu.memory_space<hbm>> -> memref<10000x128xf32, #tpu.memory_space<hbm>>
    tpu.enqueue_indirect_dma source(%dma_start3A_105 : memref<10000x128xf32, #tpu.memory_space<hbm>>) target(%arg9 : memref<128x128xf32, #tpu.memory_space<vmem>>) offsets(%dma_start3A_102 : memref<128xi32, #tpu.memory_space<vmem>>) semaphore(%arg11 : memref<!tpu.dma_semaphore, #tpu.memory_space<semaphore_mem>>)
    %dma_start3A_106 = arith.constant 1 : i32
    %dma_start3A_107 = arith.constant 0 : i32
    %dma_start3A_108 = tpu.memref_slice %arg7[%dma_start3A_106, %dma_start3A_107] : memref<40x128xi32, #tpu.memory_space<vmem>> -> memref<1x128xi32, #tpu.memory_space<vmem>>
    %dma_start3A_109 = tpu.memref_squeeze %dma_start3A_108 : memref<1x128xi32, #tpu.memory_space<vmem>> -> memref<128xi32, #tpu.memory_space<vmem>>
    %dma_start3A_110 = arith.constant 0 : i32
    %dma_start3A_111 = arith.constant 0 : i32
    %dma_start3A_112 = tpu.memref_slice %arg2[%dma_start3A_110, %dma_start3A_111] : memref<10000x128xf32, #tpu.memory_space<hbm>> -> memref<10000x128xf32, #tpu.memory_space<hbm>>
    tpu.enqueue_indirect_dma source(%dma_start3A_112 : memref<10000x128xf32, #tpu.memory_space<hbm>>) target(%arg10 : memref<128x128xf32, #tpu.memory_space<vmem>>) offsets(%dma_start3A_109 : memref<128xi32, #tpu.memory_space<vmem>>) semaphore(%arg12 : memref<!tpu.dma_semaphore, #tpu.memory_space<semaphore_mem>>)
    %scan3A_113 = arith.constant 0 : i32
    %scan3A_114 = arith.constant 0 : i32
    %scan3A_115 = arith.constant 19 : i32
    %scan3A_116 = arith.addi %scan3A_114, %scan3A_115 : i32
    %scan3A_117 = arith.constant 1 : i32
    scf.for %scan3A_143 = %scan3A_114 to %scan3A_116 step %scan3A_117  : i32 {
      %mul3A_144 = arith.constant 2 : i32
      %mul3A_145 = arith.muli %mul3A_144, %scan3A_143 : i32
      %dma_wait3A_146 = arith.constant 0 : i32
      %dma_wait3A_147 = arith.constant 0 : i32
      %dma_wait3A_148 = tpu.memref_slice %arg7[%dma_wait3A_146, %dma_wait3A_147] : memref<40x128xi32, #tpu.memory_space<vmem>> -> memref<1x128xi32, #tpu.memory_space<vmem>>
      %dma_wait3A_149 = tpu.memref_squeeze %dma_wait3A_148 : memref<1x128xi32, #tpu.memory_space<vmem>> -> memref<128xi32, #tpu.memory_space<vmem>>
      %dma_wait3A_150 = arith.constant 0 : i32
      %dma_wait3A_151 = arith.constant 0 : i32
      %dma_wait3A_152 = tpu.memref_slice %arg2[%dma_wait3A_150, %dma_wait3A_151] : memref<10000x128xf32, #tpu.memory_space<hbm>> -> memref<10000x128xf32, #tpu.memory_space<hbm>>
      tpu.wait_indirect_dma semaphore(%arg11 : memref<!tpu.dma_semaphore, #tpu.memory_space<semaphore_mem>>) src(%dma_wait3A_152 : memref<10000x128xf32, #tpu.memory_space<hbm>>) dst(%arg9 : memref<128x128xf32, #tpu.memory_space<vmem>>)
      "tpu.region"() ({
        %run_scoped3A_178 = tpu.sem_alloc : memref<!tpu.dma_semaphore, #tpu.memory_space<semaphore_mem>>
        %dma_start3A_179 = arith.constant 0 : i32
        %dma_start3A_180 = tpu.memref_slice %arg8[%mul3A_145, %dma_start3A_179] : memref<40x128xi32, #tpu.memory_space<vmem>> -> memref<1x128xi32, #tpu.memory_space<vmem>>
        %dma_start3A_181 = tpu.memref_squeeze %dma_start3A_180 : memref<1x128xi32, #tpu.memory_space<vmem>> -> memref<128xi32, #tpu.memory_space<vmem>>
        %dma_start3A_182 = arith.constant 0 : i32
        %dma_start3A_183 = arith.constant 0 : i32
        %dma_start3A_184 = tpu.memref_slice %arg6[%dma_start3A_182, %dma_start3A_183] : memref<10240x128xf32, #tpu.memory_space<vmem_shared>> -> memref<10240x128xf32, #tpu.memory_space<vmem_shared>>
        tpu.enqueue_indirect_dma source(%arg9 : memref<128x128xf32, #tpu.memory_space<vmem>>) target(%dma_start3A_184 : memref<10240x128xf32, #tpu.memory_space<vmem_shared>>) offsets(%dma_start3A_181 : memref<128xi32, #tpu.memory_space<vmem>>) semaphore(%run_scoped3A_178 : memref<!tpu.dma_semaphore, #tpu.memory_space<semaphore_mem>>) {add = true}
        %dma_wait3A_185 = arith.constant 0 : i32
        %dma_wait3A_186 = tpu.memref_slice %arg8[%mul3A_145, %dma_wait3A_185] : memref<40x128xi32, #tpu.memory_space<vmem>> -> memref<1x128xi32, #tpu.memory_space<vmem>>
        %dma_wait3A_187 = tpu.memref_squeeze %dma_wait3A_186 : memref<1x128xi32, #tpu.memory_space<vmem>> -> memref<128xi32, #tpu.memory_space<vmem>>
        %dma_wait3A_188 = arith.constant 0 : i32
        %dma_wait3A_189 = arith.constant 0 : i32
        %dma_wait3A_190 = tpu.memref_slice %arg6[%dma_wait3A_188, %dma_wait3A_189] : memref<10240x128xf32, #tpu.memory_space<vmem_shared>> -> memref<10240x128xf32, #tpu.memory_space<vmem_shared>>
        tpu.wait_indirect_dma semaphore(%run_scoped3A_178 : memref<!tpu.dma_semaphore, #tpu.memory_space<semaphore_mem>>) src(%arg9 : memref<128x128xf32, #tpu.memory_space<vmem>>) dst(%dma_wait3A_190 : memref<10240x128xf32, #tpu.memory_space<vmem_shared>>)
        tpu.yield
      }) : () -> ()
      %add3A_153 = arith.constant 2 : i32
      %add3A_154 = arith.addi %mul3A_145, %add3A_153 : i32
      %dma_start3A_155 = arith.constant 0 : i32
      %dma_start3A_156 = tpu.memref_slice %arg7[%add3A_154, %dma_start3A_155] : memref<40x128xi32, #tpu.memory_space<vmem>> -> memref<1x128xi32, #tpu.memory_space<vmem>>
      %dma_start3A_157 = tpu.memref_squeeze %dma_start3A_156 : memref<1x128xi32, #tpu.memory_space<vmem>> -> memref<128xi32, #tpu.memory_space<vmem>>
      %dma_start3A_158 = arith.constant 0 : i32
      %dma_start3A_159 = arith.constant 0 : i32
      %dma_start3A_160 = tpu.memref_slice %arg2[%dma_start3A_158, %dma_start3A_159] : memref<10000x128xf32, #tpu.memory_space<hbm>> -> memref<10000x128xf32, #tpu.memory_space<hbm>>
      tpu.enqueue_indirect_dma source(%dma_start3A_160 : memref<10000x128xf32, #tpu.memory_space<hbm>>) target(%arg9 : memref<128x128xf32, #tpu.memory_space<vmem>>) offsets(%dma_start3A_157 : memref<128xi32, #tpu.memory_space<vmem>>) semaphore(%arg11 : memref<!tpu.dma_semaphore, #tpu.memory_space<semaphore_mem>>)
      %dma_wait3A_161 = arith.constant 0 : i32
      %dma_wait3A_162 = arith.constant 0 : i32
      %dma_wait3A_163 = tpu.memref_slice %arg7[%dma_wait3A_161, %dma_wait3A_162] : memref<40x128xi32, #tpu.memory_space<vmem>> -> memref<1x128xi32, #tpu.memory_space<vmem>>
      %dma_wait3A_164 = tpu.memref_squeeze %dma_wait3A_163 : memref<1x128xi32, #tpu.memory_space<vmem>> -> memref<128xi32, #tpu.memory_space<vmem>>
      %dma_wait3A_165 = arith.constant 0 : i32
      %dma_wait3A_166 = arith.constant 0 : i32
      %dma_wait3A_167 = tpu.memref_slice %arg2[%dma_wait3A_165, %dma_wait3A_166] : memref<10000x128xf32, #tpu.memory_space<hbm>> -> memref<10000x128xf32, #tpu.memory_space<hbm>>
      tpu.wait_indirect_dma semaphore(%arg12 : memref<!tpu.dma_semaphore, #tpu.memory_space<semaphore_mem>>) src(%dma_wait3A_167 : memref<10000x128xf32, #tpu.memory_space<hbm>>) dst(%arg10 : memref<128x128xf32, #tpu.memory_space<vmem>>)
      %add3A_168 = arith.constant 1 : i32
      %add3A_169 = arith.addi %mul3A_145, %add3A_168 : i32
      "tpu.region"() ({
        %run_scoped3A_178 = tpu.sem_alloc : memref<!tpu.dma_semaphore, #tpu.memory_space<semaphore_mem>>
        %dma_start3A_179 = arith.constant 0 : i32
        %dma_start3A_180 = tpu.memref_slice %arg8[%add3A_169, %dma_start3A_179] : memref<40x128xi32, #tpu.memory_space<vmem>> -> memref<1x128xi32, #tpu.memory_space<vmem>>
        %dma_start3A_181 = tpu.memref_squeeze %dma_start3A_180 : memref<1x128xi32, #tpu.memory_space<vmem>> -> memref<128xi32, #tpu.memory_space<vmem>>
        %dma_start3A_182 = arith.constant 0 : i32
        %dma_start3A_183 = arith.constant 0 : i32
        %dma_start3A_184 = tpu.memref_slice %arg6[%dma_start3A_182, %dma_start3A_183] : memref<10240x128xf32, #tpu.memory_space<vmem_shared>> -> memref<10240x128xf32, #tpu.memory_space<vmem_shared>>
        tpu.enqueue_indirect_dma source(%arg10 : memref<128x128xf32, #tpu.memory_space<vmem>>) target(%dma_start3A_184 : memref<10240x128xf32, #tpu.memory_space<vmem_shared>>) offsets(%dma_start3A_181 : memref<128xi32, #tpu.memory_space<vmem>>) semaphore(%run_scoped3A_178 : memref<!tpu.dma_semaphore, #tpu.memory_space<semaphore_mem>>) {add = true}
        %dma_wait3A_185 = arith.constant 0 : i32
        %dma_wait3A_186 = tpu.memref_slice %arg8[%add3A_169, %dma_wait3A_185] : memref<40x128xi32, #tpu.memory_space<vmem>> -> memref<1x128xi32, #tpu.memory_space<vmem>>
        %dma_wait3A_187 = tpu.memref_squeeze %dma_wait3A_186 : memref<1x128xi32, #tpu.memory_space<vmem>> -> memref<128xi32, #tpu.memory_space<vmem>>
        %dma_wait3A_188 = arith.constant 0 : i32
        %dma_wait3A_189 = arith.constant 0 : i32
        %dma_wait3A_190 = tpu.memref_slice %arg6[%dma_wait3A_188, %dma_wait3A_189] : memref<10240x128xf32, #tpu.memory_space<vmem_shared>> -> memref<10240x128xf32, #tpu.memory_space<vmem_shared>>
        tpu.wait_indirect_dma semaphore(%run_scoped3A_178 : memref<!tpu.dma_semaphore, #tpu.memory_space<semaphore_mem>>) src(%arg10 : memref<128x128xf32, #tpu.memory_space<vmem>>) dst(%dma_wait3A_190 : memref<10240x128xf32, #tpu.memory_space<vmem_shared>>)
        tpu.yield
      }) : () -> ()
      %add3A_170 = arith.constant 3 : i32
      %add3A_171 = arith.addi %mul3A_145, %add3A_170 : i32
      %dma_start3A_172 = arith.constant 0 : i32
      %dma_start3A_173 = tpu.memref_slice %arg7[%add3A_171, %dma_start3A_172] : memref<40x128xi32, #tpu.memory_space<vmem>> -> memref<1x128xi32, #tpu.memory_space<vmem>>
      %dma_start3A_174 = tpu.memref_squeeze %dma_start3A_173 : memref<1x128xi32, #tpu.memory_space<vmem>> -> memref<128xi32, #tpu.memory_space<vmem>>
      %dma_start3A_175 = arith.constant 0 : i32
      %dma_start3A_176 = arith.constant 0 : i32
      %dma_start3A_177 = tpu.memref_slice %arg2[%dma_start3A_175, %dma_start3A_176] : memref<10000x128xf32, #tpu.memory_space<hbm>> -> memref<10000x128xf32, #tpu.memory_space<hbm>>
      tpu.enqueue_indirect_dma source(%dma_start3A_177 : memref<10000x128xf32, #tpu.memory_space<hbm>>) target(%arg10 : memref<128x128xf32, #tpu.memory_space<vmem>>) offsets(%dma_start3A_174 : memref<128xi32, #tpu.memory_space<vmem>>) semaphore(%arg12 : memref<!tpu.dma_semaphore, #tpu.memory_space<semaphore_mem>>)
    }
    %scan3A_118 = arith.constant 19 : i32
    %dma_wait3A_119 = arith.constant 0 : i32
    %dma_wait3A_120 = arith.constant 0 : i32
    %dma_wait3A_121 = tpu.memref_slice %arg7[%dma_wait3A_119, %dma_wait3A_120] : memref<40x128xi32, #tpu.memory_space<vmem>> -> memref<1x128xi32, #tpu.memory_space<vmem>>
    %dma_wait3A_122 = tpu.memref_squeeze %dma_wait3A_121 : memref<1x128xi32, #tpu.memory_space<vmem>> -> memref<128xi32, #tpu.memory_space<vmem>>
    %dma_wait3A_123 = arith.constant 0 : i32
    %dma_wait3A_124 = arith.constant 0 : i32
    %dma_wait3A_125 = tpu.memref_slice %arg2[%dma_wait3A_123, %dma_wait3A_124] : memref<10000x128xf32, #tpu.memory_space<hbm>> -> memref<10000x128xf32, #tpu.memory_space<hbm>>
    tpu.wait_indirect_dma semaphore(%arg11 : memref<!tpu.dma_semaphore, #tpu.memory_space<semaphore_mem>>) src(%dma_wait3A_125 : memref<10000x128xf32, #tpu.memory_space<hbm>>) dst(%arg9 : memref<128x128xf32, #tpu.memory_space<vmem>>)
    %run_scoped3A_126 = arith.constant 38 : i32
    "tpu.region"() ({
      %run_scoped3A_143 = tpu.sem_alloc : memref<!tpu.dma_semaphore, #tpu.memory_space<semaphore_mem>>
      %dma_start3A_144 = arith.constant 0 : i32
      %dma_start3A_145 = tpu.memref_slice %arg8[%run_scoped3A_126, %dma_start3A_144] : memref<40x128xi32, #tpu.memory_space<vmem>> -> memref<1x128xi32, #tpu.memory_space<vmem>>
      %dma_start3A_146 = tpu.memref_squeeze %dma_start3A_145 : memref<1x128xi32, #tpu.memory_space<vmem>> -> memref<128xi32, #tpu.memory_space<vmem>>
      %dma_start3A_147 = arith.constant 0 : i32
      %dma_start3A_148 = arith.constant 0 : i32
      %dma_start3A_149 = tpu.memref_slice %arg6[%dma_start3A_147, %dma_start3A_148] : memref<10240x128xf32, #tpu.memory_space<vmem_shared>> -> memref<10240x128xf32, #tpu.memory_space<vmem_shared>>
      tpu.enqueue_indirect_dma source(%arg9 : memref<128x128xf32, #tpu.memory_space<vmem>>) target(%dma_start3A_149 : memref<10240x128xf32, #tpu.memory_space<vmem_shared>>) offsets(%dma_start3A_146 : memref<128xi32, #tpu.memory_space<vmem>>) semaphore(%run_scoped3A_143 : memref<!tpu.dma_semaphore, #tpu.memory_space<semaphore_mem>>) {add = true}
      %dma_wait3A_150 = arith.constant 0 : i32
      %dma_wait3A_151 = tpu.memref_slice %arg8[%run_scoped3A_126, %dma_wait3A_150] : memref<40x128xi32, #tpu.memory_space<vmem>> -> memref<1x128xi32, #tpu.memory_space<vmem>>
      %dma_wait3A_152 = tpu.memref_squeeze %dma_wait3A_151 : memref<1x128xi32, #tpu.memory_space<vmem>> -> memref<128xi32, #tpu.memory_space<vmem>>
      %dma_wait3A_153 = arith.constant 0 : i32
      %dma_wait3A_154 = arith.constant 0 : i32
      %dma_wait3A_155 = tpu.memref_slice %arg6[%dma_wait3A_153, %dma_wait3A_154] : memref<10240x128xf32, #tpu.memory_space<vmem_shared>> -> memref<10240x128xf32, #tpu.memory_space<vmem_shared>>
      tpu.wait_indirect_dma semaphore(%run_scoped3A_143 : memref<!tpu.dma_semaphore, #tpu.memory_space<semaphore_mem>>) src(%arg9 : memref<128x128xf32, #tpu.memory_space<vmem>>) dst(%dma_wait3A_155 : memref<10240x128xf32, #tpu.memory_space<vmem_shared>>)
      tpu.yield
    }) : () -> ()
    %dma_wait3A_127 = arith.constant 0 : i32
    %dma_wait3A_128 = arith.constant 0 : i32
    %dma_wait3A_129 = tpu.memref_slice %arg7[%dma_wait3A_127, %dma_wait3A_128] : memref<40x128xi32, #tpu.memory_space<vmem>> -> memref<1x128xi32, #tpu.memory_space<vmem>>
    %dma_wait3A_130 = tpu.memref_squeeze %dma_wait3A_129 : memref<1x128xi32, #tpu.memory_space<vmem>> -> memref<128xi32, #tpu.memory_space<vmem>>
    %dma_wait3A_131 = arith.constant 0 : i32
    %dma_wait3A_132 = arith.constant 0 : i32
    %dma_wait3A_133 = tpu.memref_slice %arg2[%dma_wait3A_131, %dma_wait3A_132] : memref<10000x128xf32, #tpu.memory_space<hbm>> -> memref<10000x128xf32, #tpu.memory_space<hbm>>
    tpu.wait_indirect_dma semaphore(%arg12 : memref<!tpu.dma_semaphore, #tpu.memory_space<semaphore_mem>>) src(%dma_wait3A_133 : memref<10000x128xf32, #tpu.memory_space<hbm>>) dst(%arg10 : memref<128x128xf32, #tpu.memory_space<vmem>>)
    %run_scoped3A_134 = arith.constant 39 : i32
    "tpu.region"() ({
      %run_scoped3A_143 = tpu.sem_alloc : memref<!tpu.dma_semaphore, #tpu.memory_space<semaphore_mem>>
      %dma_start3A_144 = arith.constant 0 : i32
      %dma_start3A_145 = tpu.memref_slice %arg8[%run_scoped3A_134, %dma_start3A_144] : memref<40x128xi32, #tpu.memory_space<vmem>> -> memref<1x128xi32, #tpu.memory_space<vmem>>
      %dma_start3A_146 = tpu.memref_squeeze %dma_start3A_145 : memref<1x128xi32, #tpu.memory_space<vmem>> -> memref<128xi32, #tpu.memory_space<vmem>>
      %dma_start3A_147 = arith.constant 0 : i32
      %dma_start3A_148 = arith.constant 0 : i32
      %dma_start3A_149 = tpu.memref_slice %arg6[%dma_start3A_147, %dma_start3A_148] : memref<10240x128xf32, #tpu.memory_space<vmem_shared>> -> memref<10240x128xf32, #tpu.memory_space<vmem_shared>>
      tpu.enqueue_indirect_dma source(%arg10 : memref<128x128xf32, #tpu.memory_space<vmem>>) target(%dma_start3A_149 : memref<10240x128xf32, #tpu.memory_space<vmem_shared>>) offsets(%dma_start3A_146 : memref<128xi32, #tpu.memory_space<vmem>>) semaphore(%run_scoped3A_143 : memref<!tpu.dma_semaphore, #tpu.memory_space<semaphore_mem>>) {add = true}
      %dma_wait3A_150 = arith.constant 0 : i32
      %dma_wait3A_151 = tpu.memref_slice %arg8[%run_scoped3A_134, %dma_wait3A_150] : memref<40x128xi32, #tpu.memory_space<vmem>> -> memref<1x128xi32, #tpu.memory_space<vmem>>
      %dma_wait3A_152 = tpu.memref_squeeze %dma_wait3A_151 : memref<1x128xi32, #tpu.memory_space<vmem>> -> memref<128xi32, #tpu.memory_space<vmem>>
      %dma_wait3A_153 = arith.constant 0 : i32
      %dma_wait3A_154 = arith.constant 0 : i32
      %dma_wait3A_155 = tpu.memref_slice %arg6[%dma_wait3A_153, %dma_wait3A_154] : memref<10240x128xf32, #tpu.memory_space<vmem_shared>> -> memref<10240x128xf32, #tpu.memory_space<vmem_shared>>
      tpu.wait_indirect_dma semaphore(%run_scoped3A_143 : memref<!tpu.dma_semaphore, #tpu.memory_space<semaphore_mem>>) src(%arg10 : memref<128x128xf32, #tpu.memory_space<vmem>>) dst(%dma_wait3A_155 : memref<10240x128xf32, #tpu.memory_space<vmem_shared>>)
      tpu.yield
    }) : () -> ()
    %barrier3A_135 = arith.constant 0 : index
    tpu.barrier barrier_id(%barrier3A_135)
    %mul3A_136 = arith.constant 640 : i32
    %mul3A_137 = arith.muli %arg1, %mul3A_136 : i32
    %mul3A_138 = arith.constant 10240 : i32
    %mul3A_139 = arith.muli %arg0, %mul3A_138 : i32
    %mul3A_140 = arith.constant 640 : i32
    %mul3A_141 = arith.muli %arg1, %mul3A_140 : i32
    %add3A_142 = arith.addi %mul3A_139, %mul3A_141 : i32
    "tpu.region"() ({
      %run_scoped3A_143 = tpu.sem_alloc : memref<!tpu.dma_semaphore, #tpu.memory_space<semaphore_mem>>
      %dma_start3A_144 = arith.constant 0 : i32
      %dma_start3A_145 = tpu.memref_slice %arg5[%add3A_142, %dma_start3A_144] : memref<20480x128xf32, #tpu.memory_space<hbm>> -> memref<640x128xf32, #tpu.memory_space<hbm>>
      %dma_start3A_146 = arith.constant 0 : i32
      %dma_start3A_147 = tpu.memref_slice %arg6[%mul3A_137, %dma_start3A_146] : memref<10240x128xf32, #tpu.memory_space<vmem_shared>> -> memref<640x128xf32, #tpu.memory_space<vmem_shared>>
      tpu.enqueue_dma source(%dma_start3A_147 : memref<640x128xf32, #tpu.memory_space<vmem_shared>>) target(%dma_start3A_145 : memref<640x128xf32, #tpu.memory_space<hbm>>) target_semaphore(%run_scoped3A_143 : memref<!tpu.dma_semaphore, #tpu.memory_space<semaphore_mem>>)
      %dma_wait3A_148 = arith.constant 0 : i32
      %dma_wait3A_149 = tpu.memref_slice %arg5[%add3A_142, %dma_wait3A_148] : memref<20480x128xf32, #tpu.memory_space<hbm>> -> memref<640x128xf32, #tpu.memory_space<hbm>>
      %dma_wait3A_150 = arith.constant 0 : i32
      %dma_wait3A_151 = tpu.memref_slice %arg6[%mul3A_137, %dma_wait3A_150] : memref<10240x128xf32, #tpu.memory_space<vmem_shared>> -> memref<640x128xf32, #tpu.memory_space<vmem_shared>>
      tpu.wait_dma2 semaphore(%run_scoped3A_143 : memref<!tpu.dma_semaphore, #tpu.memory_space<semaphore_mem>>) src(%dma_wait3A_151 : memref<640x128xf32, #tpu.memory_space<vmem_shared>>) dst(%dma_wait3A_149 : memref<640x128xf32, #tpu.memory_space<hbm>>)
      tpu.yield
    }) : () -> ()
    return
  }
}

module attributes {stable_mosaic.version = 14 : i64} {
  func.func @_mm_body(%arg0: memref<10000x128xf32, #tpu.memory_space<vmem>>, %arg1: memref<128x128xf32, #tpu.memory_space<vmem>>, %arg2: memref<10000x128xf32, #tpu.memory_space<vmem>>) attributes {dimension_semantics = [], scalar_prefetch = 0 : i64, scratch_operands = 0 : i64, tpu.core_type = #tpu.core_type<tc>} {
    %get3A = arith.constant 0 : index
    %get3A_0 = arith.constant 0 : index
    %get3A_1 = vector.load %arg0[%get3A, %get3A_0] : memref<10000x128xf32, #tpu.memory_space<vmem>>, vector<10000x128xf32>
    %get3A_2 = arith.constant 0 : index
    %get3A_3 = arith.constant 0 : index
    %get3A_4 = vector.load %arg1[%get3A_2, %get3A_3] : memref<128x128xf32, #tpu.memory_space<vmem>>, vector<128x128xf32>
    %dot_general3A = arith.constant dense<0.000000e+00> : vector<10000x128xf32>
    %dot_general3A_5 = tpu.matmul %get3A_1, %get3A_4, %dot_general3A {dimension_numbers = #tpu.dot_dimension_numbers<[1], [0], [0], [1], [0, 0, 1, 1], [], []>, transpose_lhs_hint = false} : vector<10000x128xf32>, vector<128x128xf32>, vector<10000x128xf32> -> vector<10000x128xf32>
    %swap3A = arith.constant 0 : index
    %swap3A_6 = arith.constant 0 : index
    %swap3A_7 = vector.load %arg2[%swap3A, %swap3A_6] : memref<10000x128xf32, #tpu.memory_space<vmem>>, vector<10000x128xf32>
    tpu.vector_store %arg2[%swap3A, %swap3A_6], %dot_general3A_5 {strides = array<i32>} : memref<10000x128xf32, #tpu.memory_space<vmem>>, vector<10000x128xf32>,
    return
  }
}

module attributes {stable_mosaic.version = 14 : i64} {
  func.func @_combine_mm_body(%arg0: memref<1x1xf32, #tpu.memory_space<smem>>, %arg1: memref<10000x128xf32, #tpu.memory_space<vmem>>, %arg2: memref<20480x128xf32, #tpu.memory_space<vmem>>, %arg3: memref<1x128xf32, #tpu.memory_space<vmem>>, %arg4: memref<128x128xf32, #tpu.memory_space<vmem>>, %arg5: memref<10000x128xf32, #tpu.memory_space<vmem>>) attributes {dimension_semantics = [], scalar_prefetch = 0 : i64, scratch_operands = 0 : i64, tpu.core_type = #tpu.core_type<tc>} {
    %get3A = arith.constant 0 : index
    %get3A_0 = arith.constant 0 : index
    %get3A_1 = memref.load %arg0[%get3A, %get3A_0] : memref<1x1xf32, #tpu.memory_space<smem>>
    %get3A_2 = arith.constant 0 : index
    %get3A_3 = arith.constant 0 : index
    %get3A_4 = vector.load %arg1[%get3A_2, %get3A_3] : memref<10000x128xf32, #tpu.memory_space<vmem>>, vector<10000x128xf32>
    %mul3A = vector.broadcast %get3A_1 : f32 to vector<10000x128xf32>
    %mul3A_5 = arith.mulf %mul3A, %get3A_4 : vector<10000x128xf32>
    %get3A_6 = arith.constant 0 : index
    %get3A_7 = arith.constant 0 : index
    %get3A_8 = vector.load %arg2[%get3A_6, %get3A_7] : memref<20480x128xf32, #tpu.memory_space<vmem>>, vector<10000x128xf32>
    %add3A = arith.addf %mul3A_5, %get3A_8 : vector<10000x128xf32>
    %get3A_9 = arith.constant 10240 : index
    %get3A_10 = arith.constant 0 : index
    %get3A_11 = vector.load %arg2[%get3A_9, %get3A_10] : memref<20480x128xf32, #tpu.memory_space<vmem>>, vector<10000x128xf32>
    %add3A_12 = arith.addf %add3A, %get3A_11 : vector<10000x128xf32>
    %get3A_13 = arith.constant 0 : index
    %get3A_14 = arith.constant 0 : index
    %get3A_15 = vector.load %arg3[%get3A_13, %get3A_14] : memref<1x128xf32, #tpu.memory_space<vmem>>, vector<1x128xf32>
    %add3A_16 = vector.broadcast %get3A_15 : vector<1x128xf32> to vector<10000x128xf32>
    %add3A_17 = arith.addf %add3A_12, %add3A_16 : vector<10000x128xf32>
    %max3A = arith.constant 0.000000e+00 : f32
    %max3A_18 = vector.broadcast %max3A : f32 to vector<10000x128xf32>
    %max3A_19 = arith.maximumf %add3A_17, %max3A_18 : vector<10000x128xf32>
    %get3A_20 = arith.constant 0 : index
    %get3A_21 = arith.constant 0 : index
    %get3A_22 = vector.load %arg4[%get3A_20, %get3A_21] : memref<128x128xf32, #tpu.memory_space<vmem>>, vector<128x128xf32>
    %dot_general3A = arith.constant dense<0.000000e+00> : vector<10000x128xf32>
    %dot_general3A_23 = tpu.matmul %max3A_19, %get3A_22, %dot_general3A {dimension_numbers = #tpu.dot_dimension_numbers<[1], [0], [0], [1], [0, 0, 1, 1], [], []>, transpose_lhs_hint = false} : vector<10000x128xf32>, vector<128x128xf32>, vector<10000x128xf32> -> vector<10000x128xf32>
    %swap3A = arith.constant 0 : index
    %swap3A_24 = arith.constant 0 : index
    %swap3A_25 = vector.load %arg5[%swap3A, %swap3A_24] : memref<10000x128xf32, #tpu.memory_space<vmem>>, vector<10000x128xf32>
    tpu.vector_store %arg5[%swap3A, %swap3A_24], %dot_general3A_23 {strides = array<i32>} : memref<10000x128xf32, #tpu.memory_space<vmem>>, vector<10000x128xf32>,
    return
  }
}

module attributes {stable_mosaic.version = 14 : i64} {
  func.func @_combine_relu_body(%arg0: memref<1x1xf32, #tpu.memory_space<smem>>, %arg1: memref<10000x128xf32, #tpu.memory_space<vmem>>, %arg2: memref<20480x128xf32, #tpu.memory_space<vmem>>, %arg3: memref<1x128xf32, #tpu.memory_space<vmem>>, %arg4: memref<10000x128xf32, #tpu.memory_space<vmem>>) attributes {dimension_semantics = [], scalar_prefetch = 0 : i64, scratch_operands = 0 : i64, tpu.core_type = #tpu.core_type<tc>} {
    %get3A = arith.constant 0 : index
    %get3A_0 = arith.constant 0 : index
    %get3A_1 = memref.load %arg0[%get3A, %get3A_0] : memref<1x1xf32, #tpu.memory_space<smem>>
    %get3A_2 = arith.constant 0 : index
    %get3A_3 = arith.constant 0 : index
    %get3A_4 = vector.load %arg1[%get3A_2, %get3A_3] : memref<10000x128xf32, #tpu.memory_space<vmem>>, vector<10000x128xf32>
    %mul3A = vector.broadcast %get3A_1 : f32 to vector<10000x128xf32>
    %mul3A_5 = arith.mulf %mul3A, %get3A_4 : vector<10000x128xf32>
    %get3A_6 = arith.constant 0 : index
    %get3A_7 = arith.constant 0 : index
    %get3A_8 = vector.load %arg2[%get3A_6, %get3A_7] : memref<20480x128xf32, #tpu.memory_space<vmem>>, vector<10000x128xf32>
    %add3A = arith.addf %mul3A_5, %get3A_8 : vector<10000x128xf32>
    %get3A_9 = arith.constant 10240 : index
    %get3A_10 = arith.constant 0 : index
    %get3A_11 = vector.load %arg2[%get3A_9, %get3A_10] : memref<20480x128xf32, #tpu.memory_space<vmem>>, vector<10000x128xf32>
    %add3A_12 = arith.addf %add3A, %get3A_11 : vector<10000x128xf32>
    %get3A_13 = arith.constant 0 : index
    %get3A_14 = arith.constant 0 : index
    %get3A_15 = vector.load %arg3[%get3A_13, %get3A_14] : memref<1x128xf32, #tpu.memory_space<vmem>>, vector<1x128xf32>
    %add3A_16 = vector.broadcast %get3A_15 : vector<1x128xf32> to vector<10000x128xf32>
    %add3A_17 = arith.addf %add3A_12, %add3A_16 : vector<10000x128xf32>
    %max3A = arith.constant 0.000000e+00 : f32
    %max3A_18 = vector.broadcast %max3A : f32 to vector<10000x128xf32>
    %max3A_19 = arith.maximumf %add3A_17, %max3A_18 : vector<10000x128xf32>
    %swap3A = arith.constant 0 : index
    %swap3A_20 = arith.constant 0 : index
    %swap3A_21 = vector.load %arg4[%swap3A, %swap3A_20] : memref<10000x128xf32, #tpu.memory_space<vmem>>, vector<10000x128xf32>
    tpu.vector_store %arg4[%swap3A, %swap3A_20], %max3A_19 {strides = array<i32>} : memref<10000x128xf32, #tpu.memory_space<vmem>>, vector<10000x128xf32>,
    return
  }
}

module attributes {stable_mosaic.version = 14 : i64} {
  func.func @_final_mm_body(%arg0: memref<1x1xf32, #tpu.memory_space<smem>>, %arg1: memref<10000x128xf32, #tpu.memory_space<vmem>>, %arg2: memref<20480x128xf32, #tpu.memory_space<vmem>>, %arg3: memref<128x64xf32, #tpu.memory_space<vmem>>, %arg4: memref<1x64xf32, #tpu.memory_space<vmem>>, %arg5: memref<10000x64xf32, #tpu.memory_space<vmem>>) attributes {dimension_semantics = [], scalar_prefetch = 0 : i64, scratch_operands = 0 : i64, tpu.core_type = #tpu.core_type<tc>} {
    %get3A = arith.constant 0 : index
    %get3A_0 = arith.constant 0 : index
    %get3A_1 = memref.load %arg0[%get3A, %get3A_0] : memref<1x1xf32, #tpu.memory_space<smem>>
    %get3A_2 = arith.constant 0 : index
    %get3A_3 = arith.constant 0 : index
    %get3A_4 = vector.load %arg1[%get3A_2, %get3A_3] : memref<10000x128xf32, #tpu.memory_space<vmem>>, vector<10000x128xf32>
    %mul3A = vector.broadcast %get3A_1 : f32 to vector<10000x128xf32>
    %mul3A_5 = arith.mulf %mul3A, %get3A_4 : vector<10000x128xf32>
    %get3A_6 = arith.constant 0 : index
    %get3A_7 = arith.constant 0 : index
    %get3A_8 = vector.load %arg2[%get3A_6, %get3A_7] : memref<20480x128xf32, #tpu.memory_space<vmem>>, vector<10000x128xf32>
    %add3A = arith.addf %mul3A_5, %get3A_8 : vector<10000x128xf32>
    %get3A_9 = arith.constant 10240 : index
    %get3A_10 = arith.constant 0 : index
    %get3A_11 = vector.load %arg2[%get3A_9, %get3A_10] : memref<20480x128xf32, #tpu.memory_space<vmem>>, vector<10000x128xf32>
    %add3A_12 = arith.addf %add3A, %get3A_11 : vector<10000x128xf32>
    %get3A_13 = arith.constant 0 : index
    %get3A_14 = arith.constant 0 : index
    %get3A_15 = vector.load %arg3[%get3A_13, %get3A_14] : memref<128x64xf32, #tpu.memory_space<vmem>>, vector<128x64xf32>
    %dot_general3A = arith.constant dense<0.000000e+00> : vector<10000x64xf32>
    %dot_general3A_16 = tpu.matmul %add3A_12, %get3A_15, %dot_general3A {dimension_numbers = #tpu.dot_dimension_numbers<[1], [0], [0], [1], [0, 0, 1, 1], [], []>, transpose_lhs_hint = false} : vector<10000x128xf32>, vector<128x64xf32>, vector<10000x64xf32> -> vector<10000x64xf32>
    %get3A_17 = arith.constant 0 : index
    %get3A_18 = arith.constant 0 : index
    %get3A_19 = vector.load %arg4[%get3A_17, %get3A_18] : memref<1x64xf32, #tpu.memory_space<vmem>>, vector<1x64xf32>
    %add3A_20 = vector.broadcast %get3A_19 : vector<1x64xf32> to vector<10000x64xf32>
    %add3A_21 = arith.addf %dot_general3A_16, %add3A_20 : vector<10000x64xf32>
    %swap3A = arith.constant 0 : index
    %swap3A_22 = arith.constant 0 : index
    %swap3A_23 = vector.load %arg5[%swap3A, %swap3A_22] : memref<10000x64xf32, #tpu.memory_space<vmem>>, vector<10000x64xf32>
    tpu.vector_store %arg5[%swap3A, %swap3A_22], %add3A_21 {strides = array<i32>} : memref<10000x64xf32, #tpu.memory_space<vmem>>, vector<10000x64xf32>,
    return
  }
}

</mosaic_0001>

<sc_bundles>
// kernel: kernel.12.cloned.1.call-start
scs
__scs_entry_jumppad:
0x0: {  	(pc) =	sbr.rel $0x88, $3  }
0x1: {  	(tag) =	ssettag $0x0;
	lr =	simm.s32 $0x1  }
0x2: {  	[smem:$0x3F98] =	sst lr;
	_ =	strace $0xD0000000  }
0x3: {  	_ = 	snop  }
0x4: {  	_ = 	snop  }
0x5: {  	_ = 	snop  }
0x6: {  	_ = 	snop  }
0x7: {  	_ = 	snop  }
__scs_overlays_trampoline_lowered:
0x8: {  	[smem:$0x3FA7] =	sst s0  }
0x9: {  	[smem:$0x3FA8] =	sst s1  }
0xa: {  	[smem:$0x3FA9] =	sst s2  }
0xb: {  	[smem:$0x3FAA] =	sst s3  }
0xc: {  	[smem:$0x3FAB] =	sst s4  }
0xd: {  	[smem:$0x3FAC] =	sst s5  }
0xe: {  	[smem:$0x3FAD] =	sst s6  }
0xf: {  	[smem:$0x3FAE] =	sst s7  }
0x10: {  	[smem:$0x3FAF] =	sst s8  }
0x11: {  	[smem:$0x3FB0] =	sst s9;
	s0 =	simm.s32 @!p0 $0x0  }
0x12: {  	s1 =	sld [smem:$0x3F96];
	s0 =	simm.s32 @p0 $0x1  }
0x13: {  	[smem:$0x3FB1] =	sst s0;
	s0 =	simm.s32 @!p1 $0x0  }
0x14: {  	s2 =	sld [smem:$0x3F95];
	s0 =	simm.s32 @p1 $0x1  }
0x15: {  	[smem:$0x3FB2] =	sst s0;
	s0 =	simm.s32 @!p2 $0x0  }
0x16: {  	s3 =	sld [smem:$0x3FDB];
	s0 =	simm.s32 @p2 $0x1  }
0x17: {  	s4 =	simm.s32 $0x1BF5;
	[smem:$0x3FB4] =	sst s0  }
0x18: {  	s0 =	sld [smem:$0x3F97];
	_ =	swait.ge [sflag:s4], $0x0  }
0x19: {  	s7 =	sld [smem:$0x3F98]  }
0x1a: {  	s8 =	sadd.s32 $0xFFFFE003, lr  }
0x1b: {  	s9 =	sadd.s32 $0xFFFFFEF7, lr;
	s5 =	simm.s32 $0xFFFFFFFF;
	p2 =	slt.u32 s8, $0xFFFFF086  }
0x1c: {  	p1 =	slt.u32 s9, $0xF7A;
	s5 =	simm.s32 @!p2 $0x0  }
0x1d: {  	s5 =	simm.s32 @p1 $0x1;
	p0 =	seq.s32 s7, s2  }
0x1e: {  	s7 =	smul.u32 @!p0 $0xF7A, s2;
	p2 =	seq.s32 @!p0 s5, $0x0  }
0x1f: {  	s9 =	smul.u32 $0xF7A, s1;
	s8 =	simm.s32 @!p0 $0x1BF5;
	p2 =	por !p2, p0  }
0x20: {  	[sflag:s8] =	ssyncset.s32 @!p0 $0xFFFFF086;
	s6 =	sadd.s32 @!p0 s3, s7;
	s7 =	simm.s32 @!p0 $0x108  }
0x21: {  	s3 =	sadd.s32 s3, s9;
	s6 =	sadd.s32 @!p0 $0x88, s6;
	s7 =	simm.s32 @p2 $0x1082  }
0x22: {  	[simem:s7], [sflag:s8] =	dma.local @!p0 [hbm:s6], $0xF7A  }
0x23: {  	s9 =	sor.u32 $0xD0000000, s2;
	s6 =	simm.s32 $0x108;
	_ =	swait.ge @!p0 [sflag:s8], $0x0  }
0x24: {  	s3 =	sadd.s32 $0x88, s3;
	s6 =	simm.s32 @!p1 $0x1082;
	[sflag:s4] =	ssyncset.s32 $0xFFFFF086  }
0x25: {  	[simem:s6], [sflag:s4] =	dma.local [hbm:s3], $0xF7A  }
0x26: {  	[smem:$0x3F98] =	sst s1;
	(tag) =	ssettag s2;
	_ =	strace s9  }
0x27: {  	s1 =	sld [smem:$0x3FA8]  }
0x28: {  	s2 =	sld [smem:$0x3FA9]  }
0x29: {  	s4 =	sld [smem:$0x3FAB]  }
0x2a: {  	p0 =	seq.s32 s5, $0x0;
	s5 =	sld [smem:$0x3FAC]  }
0x2b: {  	s6 =	sld [smem:$0x3FAD]  }
0x2c: {  	s7 =	sld [smem:$0x3FAE]  }
0x2d: {  	s3 =	simm.s32 $0x108;
	s8 =	sld [smem:$0x3FAF]  }
0x2e: {  	s3 =	simm.s32 @!p0 $0x1082;
	s9 =	sld [smem:$0x3FB0]  }
0x2f: {  	lr =	sadd.s32 s0, s3;
	s0 =	sld [smem:$0x3FA7]  }
0x30: {  	s3 =	sld [smem:$0x3FAA]  }
0x31: {  	[smem:$0x3FB3] =	sst s10  }
0x32: {  	s10 =	sld [smem:$0x3FB1];
	_ =	sdelay $0x3  }
0x33: {  	p0 =	seq.s32 s10, $0x1;
	s10 =	sld [smem:$0x3FB3];
	_ =	sdelay $0x3  }
0x34: {  	[smem:$0x3FB3] =	sst s10  }
0x35: {  	s10 =	sld [smem:$0x3FB2];
	_ =	sdelay $0x3  }
0x36: {  	p1 =	seq.s32 s10, $0x1;
	s10 =	sld [smem:$0x3FB3];
	_ =	sdelay $0x3  }
0x37: {  	[smem:$0x3FB3] =	sst s10  }
0x38: {  	s10 =	sld [smem:$0x3FB4]  }
0x39: {  	_ = 	snop;
	(pc) =	sbr.ind lr, $3  }
0x3a: {  	_ = 	snop  }
0x3b: {  	_ = 	snop  }
0x3c: {  	p2 =	seq.s32 s10, $0x1;
	s10 =	sld [smem:$0x3FB3]  }
0x3d: {  	_ =	shalt  }
0x3e: {  	_ =	shalt  }
0x3f: {  	_ =	shalt  }
0x40: {  	_ =	shalt  }
0x41: {  	_ =	shalt  }
0x42: {  	_ =	shalt  }
0x43: {  	_ =	shalt  }
0x44: {  	_ =	shalt  }
0x45: {  	_ =	shalt  }
0x46: {  	_ =	shalt  }
0x47: {  	_ =	shalt  }
0x48: {  	_ =	shalt  }
0x49: {  	_ =	shalt  }
0x4a: {  	_ =	shalt  }
0x4b: {  	_ =	shalt  }
0x4c: {  	_ =	shalt  }
0x4d: {  	_ =	shalt  }
0x4e: {  	_ =	shalt  }
0x4f: {  	_ =	shalt  }
0x50: {  	_ =	shalt  }
0x51: {  	_ =	shalt  }
0x52: {  	_ =	shalt  }
0x53: {  	_ =	shalt  }
0x54: {  	_ =	shalt  }
0x55: {  	_ =	shalt  }
0x56: {  	_ =	shalt  }
0x57: {  	_ =	shalt  }
0x58: {  	_ =	shalt  }
0x59: {  	_ =	shalt  }
0x5a: {  	_ =	shalt  }
0x5b: {  	_ =	shalt  }
0x5c: {  	_ =	shalt  }
0x5d: {  	_ =	shalt  }
0x5e: {  	_ =	shalt  }
0x5f: {  	_ =	shalt  }
0x60: {  	_ =	shalt  }
0x61: {  	_ =	shalt  }
0x62: {  	_ =	shalt  }
0x63: {  	_ =	shalt  }
0x64: {  	_ =	shalt  }
0x65: {  	_ =	shalt  }
0x66: {  	_ =	shalt  }
0x67: {  	_ =	shalt  }
0x68: {  	_ =	shalt  }
0x69: {  	_ =	shalt  }
0x6a: {  	_ =	shalt  }
0x6b: {  	_ =	shalt  }
0x6c: {  	_ =	shalt  }
0x6d: {  	_ =	shalt  }
0x6e: {  	_ =	shalt  }
0x6f: {  	_ =	shalt  }
0x70: {  	_ =	shalt  }
0x71: {  	_ =	shalt  }
0x72: {  	_ =	shalt  }
0x73: {  	_ =	shalt  }
0x74: {  	_ =	shalt  }
0x75: {  	_ =	shalt  }
0x76: {  	_ =	shalt  }
0x77: {  	_ =	shalt  }
0x78: {  	_ =	shalt  }
0x79: {  	_ =	shalt  }
0x7a: {  	_ =	shalt  }
0x7b: {  	_ =	shalt  }
0x7c: {  	_ =	shalt  }
0x7d: {  	_ =	shalt  }
0x7e: {  	_ =	shalt  }
0x7f: {  	_ =	shalt  }
0x80: {  	_ =	shalt  }
0x81: {  	_ =	shalt  }
0x82: {  	_ =	shalt  }
0x83: {  	_ =	shalt  }
0x84: {  	_ =	shalt  }
0x85: {  	_ =	shalt  }
0x86: {  	_ =	shalt  }
0x87: {  	_ =	shalt  }
.Lfunc_end0:
.L_simem_size_0:
called_computation.1_lowered:
.L_overlay_start_0:
0x88: {  	s2 =	sld [smem:$0x3FD9]  }
0x89: {  	s3 =	sld [smem:$0x3FFE];
	_ =	sdelay $0x1  }
0x8a: {  	s1 =	srdreg.scid  }
0x8b: {  	s0 =	sand.u32 $0x1, s1  }
0x8c: {  	s17 =	sshll.u32 s0, $0xA;
	s2 =	sadd.s32 s3, s2  }
0x8d: {  	s2 =	sadd.s32 s2, s17  }
0x8e: {  	[smem:$0x3FBF] =	sst s2  }
0x8f: {  	_ = 	snop  }
0x90: {  	s2 =	sld [smem:$0x3FD0];
	(tm) =	ssettm $0x1  }
0x91: {  	s18 =	sld [smem:$0x3FFB];
	_ =	sdelay $0x3  }
0x92: {  	_ =	strace s18  }
0x93: {  	s3 =	sld [smem:$0x3FFC];
	_ =	sdelay $0x3  }
0x94: {  	_ =	strace s3  }
0x95: {  	s3 =	sld [smem:$0x3FFD];
	_ =	sdelay $0x3  }
0x96: {  	_ =	strace s3  }
0x97: {  	_ =	strace $0x8FFFFFFF  }
0x98: {  	s19 =	sld [smem:$0x3FDB];
	_ =	sdelay $0x1  }
0x99: {  	s4 =	simm.s32 $_scs_section_size  }
0x9a: {  	s5 =	simm.s32 $_size__tile_overlayer_lowered;
	s6 =	simm.s32 $_tile_overlayer_lowered  }
0x9b: {  	s22 =	simm.s32 $0x1BFF;
	s21 =	sshll.u32 s6, $0x1;
	s3 =	sadd.s32 s4, s19  }
0x9c: {  	s7 =	simm.s32 $0x0;
	s20 =	sshll.u32 s5, $0x1;
	s5 =	sadd.s32 s21, s3  }
0x9d: {  	[timem:s7], [sflag:s22] =	dma.local [hbm:s5], s20  }
0x9e: {  	_ =	swait.ge [sflag:s22], s20  }
0x9f: {  	s4 =	ssub.s32 $0x0, s20;
	[sflag:s22] =	ssyncset.done $0x0  }
0xa0: {  	[sflag:s22] =	ssyncadd.s32 s4;
	_ =	sdelay $0x1  }
0xa1: {  	s23 =	simm.s32 $0x1B8B  }
0xa2: {  	_ =	swait.ge [sflag:s23], $0x1  }
0xa3: {  	[sflag:s23] =	ssyncset.done $0x0  }
0xa4: {  	s25 =	simm.s32 $0x1B8E;
	s24 =	sld [smem:$0x3FFE];
	[sflag:s23] =	ssyncadd.s32 $0xFFFFFFFF  }
0xa5: {  	s26 =	simm.s32 $execute0_lowered;
	[smem:$0x3FD2] =	sst s25  }
0xa6: {  	s5 =	sshll.u32 s26, $0x1;
	_ =	strace $0x80000049;
	[dreg:$0x1] =	wrdreg $0xFFFFFFFF  }
0xa7: {  	s28 =	simm.s32 $_size_execute0_lowered;
	s3 =	sadd.s32 s3, s5;
	[dreg:$0x0] =	wrdreg $0x0  }
0xa8: {  	s5 =	sshll.u32 s28, $0x1;
	[dreg:$0x2] =	wrdreg s3  }
0xa9: {  	[dreg:$0x3] =	wrdreg s5  }
0xaa: {  	[dreg:$0x4] =	wrdreg $0xC0  }
0xab: {  	_ =	task [dreg:s7], $0x5FFFF  }
0xac: {  	[dreg:$0x1] =	wrdreg $0xFFFFFFFF  }
0xad: {  	[dreg:$0x0] =	wrdreg $0x60  }
0xae: {  	[dreg:$0x2] =	wrdreg s24  }
0xaf: {  	[dreg:$0x3] =	wrdreg s2  }
0xb0: {  	[dreg:$0x4] =	wrdreg $0x0  }
0xb1: {  	[dreg:$0x5] =	wrdreg $0x9  }
0xb2: {  	_ =	task.clear_ibuf [dreg:s7], $0x6FFFF;
	_ =	strace $0x90000049  }
0xb3: {  	s29 =	simm.s32 $0x9;
	_ =	strace $0x8000004B  }
0xb4: {  	_ =	swait.ge [sflag:s29], $0x1  }
0xb5: {  	[sflag:s29] =	ssyncadd.s32 $0xFFFFFFFF  }
0xb6: {  	_ =	strace $0x9000004B  }
0xb7: {  	_ =	sfence  }
0xb8: {  	s30 =	sld [smem:$0x0];
	_ =	sdelay $0x2  }
0xb9: {  	s31 =	sshll.u32 s1, $0xD;
	s1 =	sshrl.u32 s1, $0x2  }
0xba: {  	s3 =	sand.u32 $0x4000, s31;
	s1 =	sadd.s32 s1, s30  }
0xbb: {  	s0 =	sor.u32 s3, s0;
	s1 =	sshll.u32 s1, $0x11  }
0xbc: {  	s0 =	sor.u32 s1, s0  }
0xbd: {  	s0 =	sadd.s32 $0x8F2B, s0  }
0xbe: {  	[sflag:s0] =	ssyncadd.remote.s32 $0x1  }
0xbf: {  	_ =	sfence.sel $0xFFFF  }
0xc0: {  	[dreg:$0x0] =	wrdreg $0xFFFFFFFF;
	(pc) =	sbr.abs _section_cstart, $3  }
0xc1: {  	[dreg:$0x1] =	wrdreg $0xFFFFFFFF  }
0xc2: {  	_ =	task.clear_ibuf [dreg:s7], $0x2FFFF;
	_ =	strace $0x9FFFFFFF  }
0xc3: {  	(tm) =	ssettm $0x7FFFFFFF  }
tec
execute0_lowered:
.L_overlay_start_1:
0x0: {  	(tag) =	ssettag $0x1  }
0x1: {  	s0 =	rddreg [dreg:$0x0]  }
0x2: {  	s12 =	rddreg [dreg:$0x1]  }
0x3: {  	s2 =	rddreg [dreg:$0x2];
	s4 =	srdreg.scid  }
0x4: {  	s1 =	stileid.u32;
	s3 =	simm.s32 $0x0;
	s16 =	simm.s32 $0x16800  }
0x5: {  	s17 =	simm.s32 $0x3;
	s18 =	simm.s32 $0x14000;
	s19 =	simm.s32 $0x4  }
0x6: {  	s20 =	simm.s32 $0x15400;
	s21 =	simm.s32 $0x80;
	s22 =	simm.s32 $0x14080  }
0x7: {  	s23 =	simm.s32 $0x1A800;
	s24 =	simm.s32 $0x1;
	s25 =	simm.s32 $0x2  }
0x8: {  	s28 =	simm.s32 $0x16780;
	s29 =	simm.s32 $0x0;
	s6 =	smul.u32 $0x2800, s1  }
0x9: {  	s5 =	sand.u32 $0x1, s4;
	[smem:$0x7FF] =	sst s3;
	s8 =	smul.u32 $0x50000, s1  }
0xa: {  	s4 =	sadd.s32 $0x2E00, s0;
	s13 =	sadd.s32 $0x2A000, s0;
	s7 =	smul.u32 $0x28000, s5  }
0xb: {  	_ =	strace $0x8000004A;
	s26 =	sshll.u32 s5, $0x4;
	s9 =	ssub.s32 $0x2, s5  }
0xc: {  	s30 =	sshrl.u32 s8, $0x2;
	s31 =	sshrl.u32 s9, $0x1;
	s6 =	sadd.s32 s6, s7  }
0xd: {  	s7 =	sor.u32 s1, s26;
	s5 =	sadd.s32 s30, s2;
	s15 =	ssub.s32 s9, s31  }
0xe: {  	s26 =	simm.s32 $0x16700;
	s10 =	smul.u32 $0x2800, s7;
	s0 =	sadd.s32 s6, s0  }
0xf: {  	s6 =	sadd.s32 $0x4000, s5;
	s7 =	sadd.s32 $0x8000, s5;
	s8 =	sadd.s32 $0xC000, s5  }
0x10: {  	s9 =	sadd.s32 $0x10000, s5;
	s15 =	smax.u32 s15, $0x1;
	s11 =	sshrl.u32 s10, $0x3  }
0x11: {  	s10 =	sadd.s32 s12, s11;
	s14 =	sadd.s32 $0x280, s11;
	s11 =	sadd.s32 s13, s11  }
0x12: {  	v0 =	vimm.f32 $0.0e+00;
	s12 =	sadd.s32 s12, s14;
	s13 =	sadd.s32 s13, s14;
	s14 =	sadd.s32 $0x34000, s0  }
.LBB2_1:
0x13: {  	s0 =	sand.u32 $0xFE00, s3  }
0x14: {  	s31 =	sand.u32 $0x70, s3;
	s0 =	sshrl.u32 s0, $0x2  }
0x15: {  	s30 =	simm.s32 $0x40;
	s0 =	sor.u32 s31, s0;
	s31 =	simm.s32 $0x0  }
.LBB2_2:
0x16: {  	p0 =	sne.s32 s30, $0xFFC0  }
0x17: {  	[tilespmem:s0+$0x16800] =	vst v0;
	s31 =	sadd.s32 $0x10, s31;
	s0 =	smov.u32 s30;
	s30 =	sadd.s32 $0x40, s30  }
.Ltmp0:
0x18: {  	(pc) =	sbr.rel @p0 .LBB2_2-.Ltmp0, $4  }
0x19: {  	_ = 	snop  }
0x1a: {  	s0 =	sand.u32 $0xFE00, s0  }
0x1b: {  	s1 =	sand.u32 $0x70, s31;
	s0 =	sshrl.u32 s0, $0x2  }
0x1c: {  	s0 =	sor.u32 s1, s0  }
0x1d: {  	[tilespmem:s0+$0x16800] =	vst v0  }
0x1e: {  	[spmem:s5] =	stream.linear.scatter [tilespmem:s16], [sflag:$0x3], $0x4000, $0x38;
	[tilespmem:$0x1E800] =	vst v63  }
0x1f: {  	_ = 	snop  }
0x20: {  	[spmem:s6] =	stream.linear.scatter [tilespmem:s16], [sflag:$0x3], $0x4000, $0x38;
	[tilespmem:$0x1E800] =	vst v63  }
0x21: {  	_ = 	snop  }
0x22: {  	[spmem:s7] =	stream.linear.scatter [tilespmem:s16], [sflag:$0x3], $0x4000, $0x38;
	[tilespmem:$0x1E800] =	vst v63  }
0x23: {  	_ = 	snop  }
0x24: {  	[spmem:s8] =	stream.linear.scatter [tilespmem:s16], [sflag:$0x3], $0x4000, $0x38;
	[tilespmem:$0x1E800] =	vst v63  }
0x25: {  	_ = 	snop  }
0x26: {  	[spmem:s9] =	stream.linear.scatter [tilespmem:s16], [sflag:$0x3], $0x4000, $0x38;
	[tilespmem:$0x1E800] =	vst v63  }
0x27: {  	_ =	swait.ge [sflag:s17], $0x4000  }
0x28: {  	[sflag:s17] =	ssyncset.done $0x0  }
0x29: {  	[sflag:s17] =	ssyncadd.s32 $0xFFFFC000  }
0x2a: {  	_ =	swait.ge [sflag:s17], $0x4000  }
0x2b: {  	[sflag:s17] =	ssyncset.done $0x0  }
0x2c: {  	[sflag:s17] =	ssyncadd.s32 $0xFFFFC000  }
0x2d: {  	_ =	swait.ge [sflag:s17], $0x4000  }
0x2e: {  	[sflag:s17] =	ssyncset.done $0x0  }
0x2f: {  	[sflag:s17] =	ssyncadd.s32 $0xFFFFC000  }
0x30: {  	_ =	swait.ge [sflag:s17], $0x4000  }
0x31: {  	[sflag:s17] =	ssyncset.done $0x0  }
0x32: {  	[sflag:s17] =	ssyncadd.s32 $0xFFFFC000  }
0x33: {  	_ =	swait.ge [sflag:s17], $0x4000  }
0x34: {  	[sflag:s17] =	ssyncset.done $0x0  }
0x35: {  	[sflag:s17] =	ssyncadd.s32 $0xFFFFC000  }
0x36: {  	s1 =	simm.s32 $0x0;
	[bflag:$0x0] =	sbarrier.arrive $0xFFFF  }
0x37: {  	[tilespmem:s18], [sflag:$0x4] =	stream.linear.gather [hbm4b:s10+s1], $0x1400, $0x38;
	[tilespmem:$0x1E800] =	vst v63  }
0x38: {  	_ =	swait.ge [sflag:s19], $0x1400  }
0x39: {  	[sflag:s19] =	ssyncset.done $0x0  }
0x3a: {  	[sflag:s19] =	ssyncadd.s32 $0xFFFFEC00  }
0x3b: {  	[tilespmem:s20], [sflag:$0x4] =	stream.linear.gather [hbm4b:s11+s1], $0x1400, $0x38;
	[tilespmem:$0x1E800] =	vst v63  }
0x3c: {  	_ =	swait.ge [sflag:s19], $0x1400  }
0x3d: {  	[sflag:s19] =	ssyncset.done $0x0  }
0x3e: {  	[sflag:s19] =	ssyncadd.s32 $0xFFFFEC00  }
0x3f: {  	[tilespmem:s16], [sflag:$0x1] =	stream.indirect.gather [hbm4b:s4+s21], $0x80, s18, s21, $0xb8;
	[tilespmem:$0x1E800] =	vst v63  }
0x40: {  	_ = 	snop  }
0x41: {  	[tilespmem:s23], [sflag:$0x2] =	stream.indirect.gather [hbm4b:s4+s21], $0x80, s22, s21, $0xb8;
	[tilespmem:$0x1E800] =	vst v63  }
0x42: {  	_ =	swait.ge [sflag:s24], $0x4000  }
0x43: {  	[sflag:s24] =	ssyncset.done $0x0  }
0x44: {  	s31 =	simm.s32 $0x15400;
	[sflag:s24] =	ssyncadd.s32 $0xFFFFC000  }
0x45: {  	[spmem:s2] =	stream.indirect.scatter.add.f32 [tilespmem:s16], [sflag:$0x4], $0x80, s31, s21, $0xb8;
	[tilespmem:$0x1E800] =	vst v63  }
0x46: {  	_ =	swait.ge [sflag:s19], $0x4000  }
0x47: {  	[sflag:s19] =	ssyncset.done $0x0  }
0x48: {  	s1 =	simm.s32 $0x14100;
	[sflag:s19] =	ssyncadd.s32 $0xFFFFC000  }
0x49: {  	[tilespmem:s16], [sflag:$0x1] =	stream.indirect.gather [hbm4b:s4+s21], $0x80, s1, s21, $0xb8;
	[tilespmem:$0x1E800] =	vst v63  }
0x4a: {  	_ =	swait.ge [sflag:s25], $0x4000  }
0x4b: {  	[sflag:s25] =	ssyncset.done $0x0  }
0x4c: {  	s31 =	simm.s32 $0x15480;
	[sflag:s25] =	ssyncadd.s32 $0xFFFFC000  }
0x4d: {  	[spmem:s2] =	stream.indirect.scatter.add.f32 [tilespmem:s23], [sflag:$0x4], $0x80, s31, s21, $0xb8;
	[tilespmem:$0x1E800] =	vst v63  }
0x4e: {  	_ =	swait.ge [sflag:s19], $0x4000  }
0x4f: {  	[sflag:s19] =	ssyncset.done $0x0  }
0x50: {  	s30 =	simm.s32 $0x400;
	s0 =	simm.s32 $0x14180;
	[sflag:s19] =	ssyncadd.s32 $0xFFFFC000  }
.LBB2_4:
0x51: {  	[tilespmem:s23], [sflag:$0x2] =	stream.indirect.gather [hbm4b:s4+s21], $0x80, s0, s21, $0xb8;
	[tilespmem:$0x1E800] =	vst v63  }
0x52: {  	s0 =	smov.u32 s30  }
0x53: {  	p0 =	sne.s32 s30, $0x4800;
	s30 =	sadd.s32 $0x400, s30;
	_ =	swait.ge [sflag:s24], $0x4000  }
0x54: {  	s0 =	sshra.s32 s0, $0x2;
	[sflag:s24] =	ssyncset.done $0x0  }
0x55: {  	s1 =	sadd.s32 $0x15400, s0;
	[sflag:s24] =	ssyncadd.s32 $0xFFFFC000  }
0x56: {  	[spmem:s2] =	stream.indirect.scatter.add.f32 [tilespmem:s16], [sflag:$0x4], $0x80, s1, s21, $0xb8;
	[tilespmem:$0x1E800] =	vst v63  }
0x57: {  	_ =	swait.ge [sflag:s19], $0x4000  }
0x58: {  	[sflag:s19] =	ssyncset.done $0x0  }
0x59: {  	s1 =	sadd.s32 $0x14100, s0;
	[sflag:s19] =	ssyncadd.s32 $0xFFFFC000  }
0x5a: {  	[tilespmem:s16], [sflag:$0x1] =	stream.indirect.gather [hbm4b:s4+s21], $0x80, s1, s21, $0xb8;
	[tilespmem:$0x1E800] =	vst v63  }
0x5b: {  	_ =	swait.ge [sflag:s25], $0x4000  }
0x5c: {  	[sflag:s25] =	ssyncset.done $0x0  }
.Ltmp1:
0x5d: {  	s1 =	sadd.s32 $0x15480, s0;
	[sflag:s25] =	ssyncadd.s32 $0xFFFFC000;
	(pc) =	sbr.rel @p0 .LBB2_4-.Ltmp1, $4  }
0x5e: {  	[spmem:s2] =	stream.indirect.scatter.add.f32 [tilespmem:s23], [sflag:$0x4], $0x80, s1, s21, $0xb8;
	[tilespmem:$0x1E800] =	vst v63  }
0x5f: {  	_ =	swait.ge [sflag:s19], $0x4000  }
0x60: {  	[sflag:s19] =	ssyncset.done $0x0  }
0x61: {  	s0 =	sadd.s32 $0x14180, s0;
	[sflag:s19] =	ssyncadd.s32 $0xFFFFC000  }
0x62: {  	[tilespmem:s23], [sflag:$0x2] =	stream.indirect.gather [hbm4b:s4+s21], $0x80, s0, s21, $0xb8;
	[tilespmem:$0x1E800] =	vst v63  }
0x63: {  	_ =	swait.ge [sflag:s24], $0x4000  }
0x64: {  	[sflag:s24] =	ssyncset.done $0x0  }
0x65: {  	[sflag:s24] =	ssyncadd.s32 $0xFFFFC000  }
0x66: {  	[spmem:s2] =	stream.indirect.scatter.add.f32 [tilespmem:s16], [sflag:$0x4], $0x80, s26, s21, $0xb8;
	[tilespmem:$0x1E800] =	vst v63  }
0x67: {  	_ =	swait.ge [sflag:s19], $0x4000  }
0x68: {  	[sflag:s19] =	ssyncset.done $0x0  }
0x69: {  	[sflag:s19] =	ssyncadd.s32 $0xFFFFC000  }
0x6a: {  	_ =	swait.ge [sflag:s25], $0x4000  }
0x6b: {  	[sflag:s25] =	ssyncset.done $0x0  }
0x6c: {  	[sflag:s25] =	ssyncadd.s32 $0xFFFFC000  }
0x6d: {  	[spmem:s2] =	stream.indirect.scatter.add.f32 [tilespmem:s23], [sflag:$0x4], $0x80, s28, s21, $0xb8;
	[tilespmem:$0x1E800] =	vst v63  }
0x6e: {  	_ =	swait.ge [sflag:s19], $0x4000  }
0x6f: {  	[sflag:s19] =	ssyncset.done $0x0  }
0x70: {  	s1 =	simm.s32 $0x0;
	[sflag:s19] =	ssyncadd.s32 $0xFFFFC000  }
0x71: {  	[tilespmem:s18], [sflag:$0x4] =	stream.linear.gather [hbm4b:s12+s1], $0x1400, $0x38;
	[tilespmem:$0x1E800] =	vst v63  }
0x72: {  	_ =	swait.ge [sflag:s19], $0x1400  }
0x73: {  	[sflag:s19] =	ssyncset.done $0x0  }
0x74: {  	[sflag:s19] =	ssyncadd.s32 $0xFFFFEC00  }
0x75: {  	[tilespmem:s20], [sflag:$0x4] =	stream.linear.gather [hbm4b:s13+s1], $0x1400, $0x38;
	[tilespmem:$0x1E800] =	vst v63  }
0x76: {  	_ =	swait.ge [sflag:s19], $0x1400  }
0x77: {  	[sflag:s19] =	ssyncset.done $0x0  }
0x78: {  	[sflag:s19] =	ssyncadd.s32 $0xFFFFEC00  }
0x79: {  	[tilespmem:s16], [sflag:$0x1] =	stream.indirect.gather [hbm4b:s4+s21], $0x80, s18, s21, $0xb8;
	[tilespmem:$0x1E800] =	vst v63  }
0x7a: {  	_ = 	snop  }
0x7b: {  	[tilespmem:s23], [sflag:$0x2] =	stream.indirect.gather [hbm4b:s4+s21], $0x80, s22, s21, $0xb8;
	[tilespmem:$0x1E800] =	vst v63  }
0x7c: {  	_ =	swait.ge [sflag:s24], $0x4000  }
0x7d: {  	[sflag:s24] =	ssyncset.done $0x0  }
0x7e: {  	s31 =	simm.s32 $0x15400;
	[sflag:s24] =	ssyncadd.s32 $0xFFFFC000  }
0x7f: {  	[spmem:s2] =	stream.indirect.scatter.add.f32 [tilespmem:s16], [sflag:$0x4], $0x80, s31, s21, $0xb8;
	[tilespmem:$0x1E800] =	vst v63  }
0x80: {  	_ =	swait.ge [sflag:s19], $0x4000  }
0x81: {  	[sflag:s19] =	ssyncset.done $0x0  }
0x82: {  	s1 =	simm.s32 $0x14100;
	[sflag:s19] =	ssyncadd.s32 $0xFFFFC000  }
0x83: {  	[tilespmem:s16], [sflag:$0x1] =	stream.indirect.gather [hbm4b:s4+s21], $0x80, s1, s21, $0xb8;
	[tilespmem:$0x1E800] =	vst v63  }
0x84: {  	_ =	swait.ge [sflag:s25], $0x4000  }
0x85: {  	[sflag:s25] =	ssyncset.done $0x0  }
0x86: {  	s31 =	simm.s32 $0x15480;
	[sflag:s25] =	ssyncadd.s32 $0xFFFFC000  }
0x87: {  	[spmem:s2] =	stream.indirect.scatter.add.f32 [tilespmem:s23], [sflag:$0x4], $0x80, s31, s21, $0xb8;
	[tilespmem:$0x1E800] =	vst v63  }
0x88: {  	_ =	swait.ge [sflag:s19], $0x4000  }
0x89: {  	[sflag:s19] =	ssyncset.done $0x0  }
0x8a: {  	s30 =	simm.s32 $0x400;
	s0 =	simm.s32 $0x14180;
	[sflag:s19] =	ssyncadd.s32 $0xFFFFC000  }
.LBB2_6:
0x8b: {  	[tilespmem:s23], [sflag:$0x2] =	stream.indirect.gather [hbm4b:s4+s21], $0x80, s0, s21, $0xb8;
	[tilespmem:$0x1E800] =	vst v63  }
0x8c: {  	s0 =	smov.u32 s30  }
0x8d: {  	p0 =	sne.s32 s30, $0x4800;
	s30 =	sadd.s32 $0x400, s30;
	_ =	swait.ge [sflag:s24], $0x4000  }
0x8e: {  	s0 =	sshra.s32 s0, $0x2;
	[sflag:s24] =	ssyncset.done $0x0  }
0x8f: {  	s1 =	sadd.s32 $0x15400, s0;
	[sflag:s24] =	ssyncadd.s32 $0xFFFFC000  }
0x90: {  	[spmem:s2] =	stream.indirect.scatter.add.f32 [tilespmem:s16], [sflag:$0x4], $0x80, s1, s21, $0xb8;
	[tilespmem:$0x1E800] =	vst v63  }
0x91: {  	_ =	swait.ge [sflag:s19], $0x4000  }
0x92: {  	[sflag:s19] =	ssyncset.done $0x0  }
0x93: {  	s1 =	sadd.s32 $0x14100, s0;
	[sflag:s19] =	ssyncadd.s32 $0xFFFFC000  }
0x94: {  	[tilespmem:s16], [sflag:$0x1] =	stream.indirect.gather [hbm4b:s4+s21], $0x80, s1, s21, $0xb8;
	[tilespmem:$0x1E800] =	vst v63  }
0x95: {  	_ =	swait.ge [sflag:s25], $0x4000  }
0x96: {  	[sflag:s25] =	ssyncset.done $0x0  }
.Ltmp2:
0x97: {  	s1 =	sadd.s32 $0x15480, s0;
	[sflag:s25] =	ssyncadd.s32 $0xFFFFC000;
	(pc) =	sbr.rel @p0 .LBB2_6-.Ltmp2, $4  }
0x98: {  	[spmem:s2] =	stream.indirect.scatter.add.f32 [tilespmem:s23], [sflag:$0x4], $0x80, s1, s21, $0xb8;
	[tilespmem:$0x1E800] =	vst v63  }
0x99: {  	_ =	swait.ge [sflag:s19], $0x4000  }
0x9a: {  	[sflag:s19] =	ssyncset.done $0x0  }
0x9b: {  	s0 =	sadd.s32 $0x14180, s0;
	[sflag:s19] =	ssyncadd.s32 $0xFFFFC000  }
0x9c: {  	[tilespmem:s23], [sflag:$0x2] =	stream.indirect.gather [hbm4b:s4+s21], $0x80, s0, s21, $0xb8;
	[tilespmem:$0x1E800] =	vst v63  }
0x9d: {  	_ =	swait.ge [sflag:s24], $0x4000  }
0x9e: {  	[sflag:s24] =	ssyncset.done $0x0  }
0x9f: {  	[sflag:s24] =	ssyncadd.s32 $0xFFFFC000  }
0xa0: {  	[spmem:s2] =	stream.indirect.scatter.add.f32 [tilespmem:s16], [sflag:$0x4], $0x80, s26, s21, $0xb8;
	[tilespmem:$0x1E800] =	vst v63  }
0xa1: {  	_ =	swait.ge [sflag:s19], $0x4000  }
0xa2: {  	[sflag:s19] =	ssyncset.done $0x0  }
0xa3: {  	[sflag:s19] =	ssyncadd.s32 $0xFFFFC000  }
0xa4: {  	_ =	swait.ge [sflag:s25], $0x4000  }
0xa5: {  	[sflag:s25] =	ssyncset.done $0x0  }
0xa6: {  	[sflag:s25] =	ssyncadd.s32 $0xFFFFC000  }
0xa7: {  	[spmem:s2] =	stream.indirect.scatter.add.f32 [tilespmem:s23], [sflag:$0x4], $0x80, s28, s21, $0xb8;
	[tilespmem:$0x1E800] =	vst v63  }
0xa8: {  	s31 =	stileid.u32;
	_ =	swait.ge [sflag:s19], $0x4000  }
0xa9: {  	s1 =	sshrl.u32 s5, $0x3;
	s29 =	sadd.s32 $0x1, s29;
	[sflag:s19] =	ssyncset.done $0x0  }
0xaa: {  	s0 =	sshll.u32 s31, $0x6;
	p0 =	sne.s32 s29, s15;
	[sflag:s19] =	ssyncadd.s32 $0xFFFFC000  }
.Ltmp3:
0xab: {  	s0 =	sor.u32 $0x1C04, s0;
	[bflag:$0x0] =	sbarrier.arrive $0xFFFF;
	(pc) =	sbr.rel @p0 .LBB2_1-.Ltmp3, $4  }
0xac: {  	[hbm:s14], [sflag:s0] =	dma.local [spmem:s1], $0x2800  }
0xad: {  	_ =	swait.ge [sflag:s19], $0x2800  }
0xae: {  	[sflag:s19] =	ssyncset.done $0x0  }
0xaf: {  	[sflag:s19] =	ssyncadd.s32 $0xFFFFD800  }
0xb0: {  	_ =	sfence.sel $0x180000  }
0xb1: {  	[bflag:$0x0] =	sbarrier.arrive $0xFFFF  }
0xb2: {  	_ =	strace $0x9000004A  }
0xb3: {  	s0 =	stileid.u32;
	[bflag:$0x2] =	sbarrier.arrive $0xFFFF  }
0xb4: {  	p0 =	sne.s32 s0, $0x0;
	s0 =	rddreg [dreg:$0x3]  }
0xb5: {  	s0 =	sadd.s32 @!p0 $0x100000, s0  }
0xb6: {  	[sflag:s0] =	ssyncadd.tile.s32 @!p0 $0x1;
	_ =	shalt  }
.Lfunc_end2:
_tile_overlayer_lowered:
.L_overlay_start_2:
0xb7: {  	(tag) =	ssettag $0x2  }
0xb8: {  	s0 =	rddreg [dreg:$0x0];
	s2 =	stileid.u32  }
0xb9: {  	s1 =	rddreg [dreg:$0x1];
	p0 =	sne.s32 s2, $0x0  }
0xba: {  	s3 =	rddreg [dreg:$0x2];
	[bflag:$0x3] =	sbarrier.arrive $0xFFFF;
	s2 =	simm.s32 @!p0 $0x1C04  }
0xbb: {  	[timem:s3], [sflag:s2] =	dma.local @!p0 [hbm:s0], s1  }
0xbc: {  	s0 =	simm.s32 @!p0 $0x4  }
0xbd: {  	_ =	swait.ge @!p0 [sflag:s0], s1  }
0xbe: {  	s1 =	ssub.s32 @!p0 $0x0, s1;
	[sflag:s0] =	ssyncset.done @!p0 $0x0  }
0xbf: {  	[sflag:s0] =	ssyncadd.s32 @!p0 s1  }
0xc0: {  	[bflag:$0x3] =	sbarrier.arrive $0xFFFF  }
0xc1: {  	_ =	shalt  }

// kernel: kernel.15.cloned.1.call-start
scs
__scs_entry_jumppad:
0x0: {  	(pc) =	sbr.rel $0x88, $3  }
0x1: {  	(tag) =	ssettag $0x0;
	lr =	simm.s32 $0x1  }
0x2: {  	[smem:$0x3F98] =	sst lr;
	_ =	strace $0xD0000000  }
0x3: {  	_ = 	snop  }
0x4: {  	_ = 	snop  }
0x5: {  	_ = 	snop  }
0x6: {  	_ = 	snop  }
0x7: {  	_ = 	snop  }
__scs_overlays_trampoline_lowered:
0x8: {  	[smem:$0x3FA7] =	sst s0  }
0x9: {  	[smem:$0x3FA8] =	sst s1  }
0xa: {  	[smem:$0x3FA9] =	sst s2  }
0xb: {  	[smem:$0x3FAA] =	sst s3  }
0xc: {  	[smem:$0x3FAB] =	sst s4  }
0xd: {  	[smem:$0x3FAC] =	sst s5  }
0xe: {  	[smem:$0x3FAD] =	sst s6  }
0xf: {  	[smem:$0x3FAE] =	sst s7  }
0x10: {  	[smem:$0x3FAF] =	sst s8  }
0x11: {  	[smem:$0x3FB0] =	sst s9;
	s0 =	simm.s32 @!p0 $0x0  }
0x12: {  	s1 =	sld [smem:$0x3F96];
	s0 =	simm.s32 @p0 $0x1  }
0x13: {  	[smem:$0x3FB1] =	sst s0;
	s0 =	simm.s32 @!p1 $0x0  }
0x14: {  	s2 =	sld [smem:$0x3F95];
	s0 =	simm.s32 @p1 $0x1  }
0x15: {  	[smem:$0x3FB2] =	sst s0;
	s0 =	simm.s32 @!p2 $0x0  }
0x16: {  	s3 =	sld [smem:$0x3FDB];
	s0 =	simm.s32 @p2 $0x1  }
0x17: {  	s4 =	simm.s32 $0x1BF5;
	[smem:$0x3FB4] =	sst s0  }
0x18: {  	s0 =	sld [smem:$0x3F97];
	_ =	swait.ge [sflag:s4], $0x0  }
0x19: {  	s7 =	sld [smem:$0x3F98]  }
0x1a: {  	s8 =	sadd.s32 $0xFFFFE003, lr  }
0x1b: {  	s9 =	sadd.s32 $0xFFFFFEF7, lr;
	s5 =	simm.s32 $0xFFFFFFFF;
	p2 =	slt.u32 s8, $0xFFFFF086  }
0x1c: {  	p1 =	slt.u32 s9, $0xF7A;
	s5 =	simm.s32 @!p2 $0x0  }
0x1d: {  	s5 =	simm.s32 @p1 $0x1;
	p0 =	seq.s32 s7, s2  }
0x1e: {  	s7 =	smul.u32 @!p0 $0xF7A, s2;
	p2 =	seq.s32 @!p0 s5, $0x0  }
0x1f: {  	s9 =	smul.u32 $0xF7A, s1;
	s8 =	simm.s32 @!p0 $0x1BF5;
	p2 =	por !p2, p0  }
0x20: {  	[sflag:s8] =	ssyncset.s32 @!p0 $0xFFFFF086;
	s6 =	sadd.s32 @!p0 s3, s7;
	s7 =	simm.s32 @!p0 $0x108  }
0x21: {  	s3 =	sadd.s32 s3, s9;
	s6 =	sadd.s32 @!p0 $0x88, s6;
	s7 =	simm.s32 @p2 $0x1082  }
0x22: {  	[simem:s7], [sflag:s8] =	dma.local @!p0 [hbm:s6], $0xF7A  }
0x23: {  	s9 =	sor.u32 $0xD0000000, s2;
	s6 =	simm.s32 $0x108;
	_ =	swait.ge @!p0 [sflag:s8], $0x0  }
0x24: {  	s3 =	sadd.s32 $0x88, s3;
	s6 =	simm.s32 @!p1 $0x1082;
	[sflag:s4] =	ssyncset.s32 $0xFFFFF086  }
0x25: {  	[simem:s6], [sflag:s4] =	dma.local [hbm:s3], $0xF7A  }
0x26: {  	[smem:$0x3F98] =	sst s1;
	(tag) =	ssettag s2;
	_ =	strace s9  }
0x27: {  	s1 =	sld [smem:$0x3FA8]  }
0x28: {  	s2 =	sld [smem:$0x3FA9]  }
0x29: {  	s4 =	sld [smem:$0x3FAB]  }
0x2a: {  	p0 =	seq.s32 s5, $0x0;
	s5 =	sld [smem:$0x3FAC]  }
0x2b: {  	s6 =	sld [smem:$0x3FAD]  }
0x2c: {  	s7 =	sld [smem:$0x3FAE]  }
0x2d: {  	s3 =	simm.s32 $0x108;
	s8 =	sld [smem:$0x3FAF]  }
0x2e: {  	s3 =	simm.s32 @!p0 $0x1082;
	s9 =	sld [smem:$0x3FB0]  }
0x2f: {  	lr =	sadd.s32 s0, s3;
	s0 =	sld [smem:$0x3FA7]  }
0x30: {  	s3 =	sld [smem:$0x3FAA]  }
0x31: {  	[smem:$0x3FB3] =	sst s10  }
0x32: {  	s10 =	sld [smem:$0x3FB1];
	_ =	sdelay $0x3  }
0x33: {  	p0 =	seq.s32 s10, $0x1;
	s10 =	sld [smem:$0x3FB3];
	_ =	sdelay $0x3  }
0x34: {  	[smem:$0x3FB3] =	sst s10  }
0x35: {  	s10 =	sld [smem:$0x3FB2];
	_ =	sdelay $0x3  }
0x36: {  	p1 =	seq.s32 s10, $0x1;
	s10 =	sld [smem:$0x3FB3];
	_ =	sdelay $0x3  }
0x37: {  	[smem:$0x3FB3] =	sst s10  }
0x38: {  	s10 =	sld [smem:$0x3FB4]  }
0x39: {  	_ = 	snop;
	(pc) =	sbr.ind lr, $3  }
0x3a: {  	_ = 	snop  }
0x3b: {  	_ = 	snop  }
0x3c: {  	p2 =	seq.s32 s10, $0x1;
	s10 =	sld [smem:$0x3FB3]  }
0x3d: {  	_ =	shalt  }
0x3e: {  	_ =	shalt  }
0x3f: {  	_ =	shalt  }
0x40: {  	_ =	shalt  }
0x41: {  	_ =	shalt  }
0x42: {  	_ =	shalt  }
0x43: {  	_ =	shalt  }
0x44: {  	_ =	shalt  }
0x45: {  	_ =	shalt  }
0x46: {  	_ =	shalt  }
0x47: {  	_ =	shalt  }
0x48: {  	_ =	shalt  }
0x49: {  	_ =	shalt  }
0x4a: {  	_ =	shalt  }
0x4b: {  	_ =	shalt  }
0x4c: {  	_ =	shalt  }
0x4d: {  	_ =	shalt  }
0x4e: {  	_ =	shalt  }
0x4f: {  	_ =	shalt  }
0x50: {  	_ =	shalt  }
0x51: {  	_ =	shalt  }
0x52: {  	_ =	shalt  }
0x53: {  	_ =	shalt  }
0x54: {  	_ =	shalt  }
0x55: {  	_ =	shalt  }
0x56: {  	_ =	shalt  }
0x57: {  	_ =	shalt  }
0x58: {  	_ =	shalt  }
0x59: {  	_ =	shalt  }
0x5a: {  	_ =	shalt  }
0x5b: {  	_ =	shalt  }
0x5c: {  	_ =	shalt  }
0x5d: {  	_ =	shalt  }
0x5e: {  	_ =	shalt  }
0x5f: {  	_ =	shalt  }
0x60: {  	_ =	shalt  }
0x61: {  	_ =	shalt  }
0x62: {  	_ =	shalt  }
0x63: {  	_ =	shalt  }
0x64: {  	_ =	shalt  }
0x65: {  	_ =	shalt  }
0x66: {  	_ =	shalt  }
0x67: {  	_ =	shalt  }
0x68: {  	_ =	shalt  }
0x69: {  	_ =	shalt  }
0x6a: {  	_ =	shalt  }
0x6b: {  	_ =	shalt  }
0x6c: {  	_ =	shalt  }
0x6d: {  	_ =	shalt  }
0x6e: {  	_ =	shalt  }
0x6f: {  	_ =	shalt  }
0x70: {  	_ =	shalt  }
0x71: {  	_ =	shalt  }
0x72: {  	_ =	shalt  }
0x73: {  	_ =	shalt  }
0x74: {  	_ =	shalt  }
0x75: {  	_ =	shalt  }
0x76: {  	_ =	shalt  }
0x77: {  	_ =	shalt  }
0x78: {  	_ =	shalt  }
0x79: {  	_ =	shalt  }
0x7a: {  	_ =	shalt  }
0x7b: {  	_ =	shalt  }
0x7c: {  	_ =	shalt  }
0x7d: {  	_ =	shalt  }
0x7e: {  	_ =	shalt  }
0x7f: {  	_ =	shalt  }
0x80: {  	_ =	shalt  }
0x81: {  	_ =	shalt  }
0x82: {  	_ =	shalt  }
0x83: {  	_ =	shalt  }
0x84: {  	_ =	shalt  }
0x85: {  	_ =	shalt  }
0x86: {  	_ =	shalt  }
0x87: {  	_ =	shalt  }
.Lfunc_end0:
.L_simem_size_0:
called_computation.2_lowered:
.L_overlay_start_0:
0x88: {  	s2 =	sld [smem:$0x3FD9]  }
0x89: {  	s3 =	sld [smem:$0x3FFE];
	_ =	sdelay $0x1  }
0x8a: {  	s1 =	srdreg.scid  }
0x8b: {  	s0 =	sand.u32 $0x1, s1  }
0x8c: {  	s17 =	sshll.u32 s0, $0xA;
	s2 =	sadd.s32 s3, s2  }
0x8d: {  	s2 =	sadd.s32 s2, s17  }
0x8e: {  	[smem:$0x3FBF] =	sst s2  }
0x8f: {  	_ = 	snop  }
0x90: {  	s2 =	sld [smem:$0x3FD0];
	(tm) =	ssettm $0x1  }
0x91: {  	s18 =	sld [smem:$0x3FFB];
	_ =	sdelay $0x3  }
0x92: {  	_ =	strace s18  }
0x93: {  	s3 =	sld [smem:$0x3FFC];
	_ =	sdelay $0x3  }
0x94: {  	_ =	strace s3  }
0x95: {  	s3 =	sld [smem:$0x3FFD];
	_ =	sdelay $0x3  }
0x96: {  	_ =	strace s3  }
0x97: {  	_ =	strace $0x8FFFFFFF  }
0x98: {  	s19 =	sld [smem:$0x3FDB];
	_ =	sdelay $0x1  }
0x99: {  	s4 =	simm.s32 $_scs_section_size  }
0x9a: {  	s5 =	simm.s32 $_size__tile_overlayer_lowered;
	s6 =	simm.s32 $_tile_overlayer_lowered  }
0x9b: {  	s22 =	simm.s32 $0x1BFF;
	s21 =	sshll.u32 s6, $0x1;
	s3 =	sadd.s32 s4, s19  }
0x9c: {  	s7 =	simm.s32 $0x0;
	s20 =	sshll.u32 s5, $0x1;
	s5 =	sadd.s32 s21, s3  }
0x9d: {  	[timem:s7], [sflag:s22] =	dma.local [hbm:s5], s20  }
0x9e: {  	_ =	swait.ge [sflag:s22], s20  }
0x9f: {  	s4 =	ssub.s32 $0x0, s20;
	[sflag:s22] =	ssyncset.done $0x0  }
0xa0: {  	[sflag:s22] =	ssyncadd.s32 s4;
	_ =	sdelay $0x1  }
0xa1: {  	s23 =	simm.s32 $0x1B8B  }
0xa2: {  	_ =	swait.ge [sflag:s23], $0x1  }
0xa3: {  	[sflag:s23] =	ssyncset.done $0x0  }
0xa4: {  	s25 =	simm.s32 $0x1B8E;
	s24 =	sld [smem:$0x3FFE];
	[sflag:s23] =	ssyncadd.s32 $0xFFFFFFFF  }
0xa5: {  	s26 =	simm.s32 $execute0_lowered;
	[smem:$0x3FD2] =	sst s25  }
0xa6: {  	s5 =	sshll.u32 s26, $0x1;
	_ =	strace $0x8000004C;
	[dreg:$0x1] =	wrdreg $0xFFFFFFFF  }
0xa7: {  	s28 =	simm.s32 $_size_execute0_lowered;
	s3 =	sadd.s32 s3, s5;
	[dreg:$0x0] =	wrdreg $0x0  }
0xa8: {  	s5 =	sshll.u32 s28, $0x1;
	[dreg:$0x2] =	wrdreg s3  }
0xa9: {  	[dreg:$0x3] =	wrdreg s5  }
0xaa: {  	[dreg:$0x4] =	wrdreg $0xC0  }
0xab: {  	_ =	task [dreg:s7], $0x5FFFF  }
0xac: {  	[dreg:$0x1] =	wrdreg $0xFFFFFFFF  }
0xad: {  	[dreg:$0x0] =	wrdreg $0x60  }
0xae: {  	[dreg:$0x2] =	wrdreg s24  }
0xaf: {  	[dreg:$0x3] =	wrdreg s2  }
0xb0: {  	[dreg:$0x4] =	wrdreg $0x0  }
0xb1: {  	[dreg:$0x5] =	wrdreg $0x9  }
0xb2: {  	_ =	task.clear_ibuf [dreg:s7], $0x6FFFF;
	_ =	strace $0x9000004C  }
0xb3: {  	s29 =	simm.s32 $0x9;
	_ =	strace $0x8000004E  }
0xb4: {  	_ =	swait.ge [sflag:s29], $0x1  }
0xb5: {  	[sflag:s29] =	ssyncadd.s32 $0xFFFFFFFF  }
0xb6: {  	_ =	strace $0x9000004E  }
0xb7: {  	_ =	sfence  }
0xb8: {  	s30 =	sld [smem:$0x0];
	_ =	sdelay $0x2  }
0xb9: {  	s31 =	sshll.u32 s1, $0xD;
	s1 =	sshrl.u32 s1, $0x2  }
0xba: {  	s3 =	sand.u32 $0x4000, s31;
	s1 =	sadd.s32 s1, s30  }
0xbb: {  	s0 =	sor.u32 s3, s0;
	s1 =	sshll.u32 s1, $0x11  }
0xbc: {  	s0 =	sor.u32 s1, s0  }
0xbd: {  	s0 =	sadd.s32 $0x8F2B, s0  }
0xbe: {  	[sflag:s0] =	ssyncadd.remote.s32 $0x1  }
0xbf: {  	_ =	sfence.sel $0xFFFF  }
0xc0: {  	[dreg:$0x0] =	wrdreg $0xFFFFFFFF;
	(pc) =	sbr.abs _section_cstart, $3  }
0xc1: {  	[dreg:$0x1] =	wrdreg $0xFFFFFFFF  }
0xc2: {  	_ =	task.clear_ibuf [dreg:s7], $0x2FFFF;
	_ =	strace $0x9FFFFFFF  }
0xc3: {  	(tm) =	ssettm $0x7FFFFFFF  }
tec
execute0_lowered:
.L_overlay_start_1:
0x0: {  	(tag) =	ssettag $0x1  }
0x1: {  	s0 =	rddreg [dreg:$0x0]  }
0x2: {  	s12 =	rddreg [dreg:$0x1]  }
0x3: {  	s2 =	rddreg [dreg:$0x2];
	s4 =	srdreg.scid  }
0x4: {  	s1 =	stileid.u32;
	s3 =	simm.s32 $0x0;
	s16 =	simm.s32 $0x16800  }
0x5: {  	s17 =	simm.s32 $0x3;
	s18 =	simm.s32 $0x14000;
	s19 =	simm.s32 $0x4  }
0x6: {  	s20 =	simm.s32 $0x15400;
	s21 =	simm.s32 $0x80;
	s22 =	simm.s32 $0x14080  }
0x7: {  	s23 =	simm.s32 $0x1A800;
	s24 =	simm.s32 $0x1;
	s25 =	simm.s32 $0x2  }
0x8: {  	s28 =	simm.s32 $0x16780;
	s29 =	simm.s32 $0x0;
	s6 =	smul.u32 $0x2800, s1  }
0x9: {  	s5 =	sand.u32 $0x1, s4;
	[smem:$0x7FF] =	sst s3;
	s8 =	smul.u32 $0x50000, s1  }
0xa: {  	s4 =	sadd.s32 $0x2E00, s0;
	s13 =	sadd.s32 $0x2A000, s0;
	s7 =	smul.u32 $0x28000, s5  }
0xb: {  	_ =	strace $0x8000004D;
	s26 =	sshll.u32 s5, $0x4;
	s9 =	ssub.s32 $0x2, s5  }
0xc: {  	s30 =	sshrl.u32 s8, $0x2;
	s31 =	sshrl.u32 s9, $0x1;
	s6 =	sadd.s32 s6, s7  }
0xd: {  	s7 =	sor.u32 s1, s26;
	s5 =	sadd.s32 s30, s2;
	s15 =	ssub.s32 s9, s31  }
0xe: {  	s26 =	simm.s32 $0x16700;
	s10 =	smul.u32 $0x2800, s7;
	s0 =	sadd.s32 s6, s0  }
0xf: {  	s6 =	sadd.s32 $0x4000, s5;
	s7 =	sadd.s32 $0x8000, s5;
	s8 =	sadd.s32 $0xC000, s5  }
0x10: {  	s9 =	sadd.s32 $0x10000, s5;
	s15 =	smax.u32 s15, $0x1;
	s11 =	sshrl.u32 s10, $0x3  }
0x11: {  	s10 =	sadd.s32 s12, s11;
	s14 =	sadd.s32 $0x280, s11;
	s11 =	sadd.s32 s13, s11  }
0x12: {  	v0 =	vimm.f32 $0.0e+00;
	s12 =	sadd.s32 s12, s14;
	s13 =	sadd.s32 s13, s14;
	s14 =	sadd.s32 $0x34000, s0  }
.LBB2_1:
0x13: {  	s0 =	sand.u32 $0xFE00, s3  }
0x14: {  	s31 =	sand.u32 $0x70, s3;
	s0 =	sshrl.u32 s0, $0x2  }
0x15: {  	s30 =	simm.s32 $0x40;
	s0 =	sor.u32 s31, s0;
	s31 =	simm.s32 $0x0  }
.LBB2_2:
0x16: {  	p0 =	sne.s32 s30, $0xFFC0  }
0x17: {  	[tilespmem:s0+$0x16800] =	vst v0;
	s31 =	sadd.s32 $0x10, s31;
	s0 =	smov.u32 s30;
	s30 =	sadd.s32 $0x40, s30  }
.Ltmp0:
0x18: {  	(pc) =	sbr.rel @p0 .LBB2_2-.Ltmp0, $4  }
0x19: {  	_ = 	snop  }
0x1a: {  	s0 =	sand.u32 $0xFE00, s0  }
0x1b: {  	s1 =	sand.u32 $0x70, s31;
	s0 =	sshrl.u32 s0, $0x2  }
0x1c: {  	s0 =	sor.u32 s1, s0  }
0x1d: {  	[tilespmem:s0+$0x16800] =	vst v0  }
0x1e: {  	[spmem:s5] =	stream.linear.scatter [tilespmem:s16], [sflag:$0x3], $0x4000, $0x38;
	[tilespmem:$0x1E800] =	vst v63  }
0x1f: {  	_ = 	snop  }
0x20: {  	[spmem:s6] =	stream.linear.scatter [tilespmem:s16], [sflag:$0x3], $0x4000, $0x38;
	[tilespmem:$0x1E800] =	vst v63  }
0x21: {  	_ = 	snop  }
0x22: {  	[spmem:s7] =	stream.linear.scatter [tilespmem:s16], [sflag:$0x3], $0x4000, $0x38;
	[tilespmem:$0x1E800] =	vst v63  }
0x23: {  	_ = 	snop  }
0x24: {  	[spmem:s8] =	stream.linear.scatter [tilespmem:s16], [sflag:$0x3], $0x4000, $0x38;
	[tilespmem:$0x1E800] =	vst v63  }
0x25: {  	_ = 	snop  }
0x26: {  	[spmem:s9] =	stream.linear.scatter [tilespmem:s16], [sflag:$0x3], $0x4000, $0x38;
	[tilespmem:$0x1E800] =	vst v63  }
0x27: {  	_ =	swait.ge [sflag:s17], $0x4000  }
0x28: {  	[sflag:s17] =	ssyncset.done $0x0  }
0x29: {  	[sflag:s17] =	ssyncadd.s32 $0xFFFFC000  }
0x2a: {  	_ =	swait.ge [sflag:s17], $0x4000  }
0x2b: {  	[sflag:s17] =	ssyncset.done $0x0  }
0x2c: {  	[sflag:s17] =	ssyncadd.s32 $0xFFFFC000  }
0x2d: {  	_ =	swait.ge [sflag:s17], $0x4000  }
0x2e: {  	[sflag:s17] =	ssyncset.done $0x0  }
0x2f: {  	[sflag:s17] =	ssyncadd.s32 $0xFFFFC000  }
0x30: {  	_ =	swait.ge [sflag:s17], $0x4000  }
0x31: {  	[sflag:s17] =	ssyncset.done $0x0  }
0x32: {  	[sflag:s17] =	ssyncadd.s32 $0xFFFFC000  }
0x33: {  	_ =	swait.ge [sflag:s17], $0x4000  }
0x34: {  	[sflag:s17] =	ssyncset.done $0x0  }
0x35: {  	[sflag:s17] =	ssyncadd.s32 $0xFFFFC000  }
0x36: {  	s1 =	simm.s32 $0x0;
	[bflag:$0x0] =	sbarrier.arrive $0xFFFF  }
0x37: {  	[tilespmem:s18], [sflag:$0x4] =	stream.linear.gather [hbm4b:s10+s1], $0x1400, $0x38;
	[tilespmem:$0x1E800] =	vst v63  }
0x38: {  	_ =	swait.ge [sflag:s19], $0x1400  }
0x39: {  	[sflag:s19] =	ssyncset.done $0x0  }
0x3a: {  	[sflag:s19] =	ssyncadd.s32 $0xFFFFEC00  }
0x3b: {  	[tilespmem:s20], [sflag:$0x4] =	stream.linear.gather [hbm4b:s11+s1], $0x1400, $0x38;
	[tilespmem:$0x1E800] =	vst v63  }
0x3c: {  	_ =	swait.ge [sflag:s19], $0x1400  }
0x3d: {  	[sflag:s19] =	ssyncset.done $0x0  }
0x3e: {  	[sflag:s19] =	ssyncadd.s32 $0xFFFFEC00  }
0x3f: {  	[tilespmem:s16], [sflag:$0x1] =	stream.indirect.gather [hbm4b:s4+s21], $0x80, s18, s21, $0xb8;
	[tilespmem:$0x1E800] =	vst v63  }
0x40: {  	_ = 	snop  }
0x41: {  	[tilespmem:s23], [sflag:$0x2] =	stream.indirect.gather [hbm4b:s4+s21], $0x80, s22, s21, $0xb8;
	[tilespmem:$0x1E800] =	vst v63  }
0x42: {  	_ =	swait.ge [sflag:s24], $0x4000  }
0x43: {  	[sflag:s24] =	ssyncset.done $0x0  }
0x44: {  	s31 =	simm.s32 $0x15400;
	[sflag:s24] =	ssyncadd.s32 $0xFFFFC000  }
0x45: {  	[spmem:s2] =	stream.indirect.scatter.add.f32 [tilespmem:s16], [sflag:$0x4], $0x80, s31, s21, $0xb8;
	[tilespmem:$0x1E800] =	vst v63  }
0x46: {  	_ =	swait.ge [sflag:s19], $0x4000  }
0x47: {  	[sflag:s19] =	ssyncset.done $0x0  }
0x48: {  	s1 =	simm.s32 $0x14100;
	[sflag:s19] =	ssyncadd.s32 $0xFFFFC000  }
0x49: {  	[tilespmem:s16], [sflag:$0x1] =	stream.indirect.gather [hbm4b:s4+s21], $0x80, s1, s21, $0xb8;
	[tilespmem:$0x1E800] =	vst v63  }
0x4a: {  	_ =	swait.ge [sflag:s25], $0x4000  }
0x4b: {  	[sflag:s25] =	ssyncset.done $0x0  }
0x4c: {  	s31 =	simm.s32 $0x15480;
	[sflag:s25] =	ssyncadd.s32 $0xFFFFC000  }
0x4d: {  	[spmem:s2] =	stream.indirect.scatter.add.f32 [tilespmem:s23], [sflag:$0x4], $0x80, s31, s21, $0xb8;
	[tilespmem:$0x1E800] =	vst v63  }
0x4e: {  	_ =	swait.ge [sflag:s19], $0x4000  }
0x4f: {  	[sflag:s19] =	ssyncset.done $0x0  }
0x50: {  	s30 =	simm.s32 $0x400;
	s0 =	simm.s32 $0x14180;
	[sflag:s19] =	ssyncadd.s32 $0xFFFFC000  }
.LBB2_4:
0x51: {  	[tilespmem:s23], [sflag:$0x2] =	stream.indirect.gather [hbm4b:s4+s21], $0x80, s0, s21, $0xb8;
	[tilespmem:$0x1E800] =	vst v63  }
0x52: {  	s0 =	smov.u32 s30  }
0x53: {  	p0 =	sne.s32 s30, $0x4800;
	s30 =	sadd.s32 $0x400, s30;
	_ =	swait.ge [sflag:s24], $0x4000  }
0x54: {  	s0 =	sshra.s32 s0, $0x2;
	[sflag:s24] =	ssyncset.done $0x0  }
0x55: {  	s1 =	sadd.s32 $0x15400, s0;
	[sflag:s24] =	ssyncadd.s32 $0xFFFFC000  }
0x56: {  	[spmem:s2] =	stream.indirect.scatter.add.f32 [tilespmem:s16], [sflag:$0x4], $0x80, s1, s21, $0xb8;
	[tilespmem:$0x1E800] =	vst v63  }
0x57: {  	_ =	swait.ge [sflag:s19], $0x4000  }
0x58: {  	[sflag:s19] =	ssyncset.done $0x0  }
0x59: {  	s1 =	sadd.s32 $0x14100, s0;
	[sflag:s19] =	ssyncadd.s32 $0xFFFFC000  }
0x5a: {  	[tilespmem:s16], [sflag:$0x1] =	stream.indirect.gather [hbm4b:s4+s21], $0x80, s1, s21, $0xb8;
	[tilespmem:$0x1E800] =	vst v63  }
0x5b: {  	_ =	swait.ge [sflag:s25], $0x4000  }
0x5c: {  	[sflag:s25] =	ssyncset.done $0x0  }
.Ltmp1:
0x5d: {  	s1 =	sadd.s32 $0x15480, s0;
	[sflag:s25] =	ssyncadd.s32 $0xFFFFC000;
	(pc) =	sbr.rel @p0 .LBB2_4-.Ltmp1, $4  }
0x5e: {  	[spmem:s2] =	stream.indirect.scatter.add.f32 [tilespmem:s23], [sflag:$0x4], $0x80, s1, s21, $0xb8;
	[tilespmem:$0x1E800] =	vst v63  }
0x5f: {  	_ =	swait.ge [sflag:s19], $0x4000  }
0x60: {  	[sflag:s19] =	ssyncset.done $0x0  }
0x61: {  	s0 =	sadd.s32 $0x14180, s0;
	[sflag:s19] =	ssyncadd.s32 $0xFFFFC000  }
0x62: {  	[tilespmem:s23], [sflag:$0x2] =	stream.indirect.gather [hbm4b:s4+s21], $0x80, s0, s21, $0xb8;
	[tilespmem:$0x1E800] =	vst v63  }
0x63: {  	_ =	swait.ge [sflag:s24], $0x4000  }
0x64: {  	[sflag:s24] =	ssyncset.done $0x0  }
0x65: {  	[sflag:s24] =	ssyncadd.s32 $0xFFFFC000  }
0x66: {  	[spmem:s2] =	stream.indirect.scatter.add.f32 [tilespmem:s16], [sflag:$0x4], $0x80, s26, s21, $0xb8;
	[tilespmem:$0x1E800] =	vst v63  }
0x67: {  	_ =	swait.ge [sflag:s19], $0x4000  }
0x68: {  	[sflag:s19] =	ssyncset.done $0x0  }
0x69: {  	[sflag:s19] =	ssyncadd.s32 $0xFFFFC000  }
0x6a: {  	_ =	swait.ge [sflag:s25], $0x4000  }
0x6b: {  	[sflag:s25] =	ssyncset.done $0x0  }
0x6c: {  	[sflag:s25] =	ssyncadd.s32 $0xFFFFC000  }
0x6d: {  	[spmem:s2] =	stream.indirect.scatter.add.f32 [tilespmem:s23], [sflag:$0x4], $0x80, s28, s21, $0xb8;
	[tilespmem:$0x1E800] =	vst v63  }
0x6e: {  	_ =	swait.ge [sflag:s19], $0x4000  }
0x6f: {  	[sflag:s19] =	ssyncset.done $0x0  }
0x70: {  	s1 =	simm.s32 $0x0;
	[sflag:s19] =	ssyncadd.s32 $0xFFFFC000  }
0x71: {  	[tilespmem:s18], [sflag:$0x4] =	stream.linear.gather [hbm4b:s12+s1], $0x1400, $0x38;
	[tilespmem:$0x1E800] =	vst v63  }
0x72: {  	_ =	swait.ge [sflag:s19], $0x1400  }
0x73: {  	[sflag:s19] =	ssyncset.done $0x0  }
0x74: {  	[sflag:s19] =	ssyncadd.s32 $0xFFFFEC00  }
0x75: {  	[tilespmem:s20], [sflag:$0x4] =	stream.linear.gather [hbm4b:s13+s1], $0x1400, $0x38;
	[tilespmem:$0x1E800] =	vst v63  }
0x76: {  	_ =	swait.ge [sflag:s19], $0x1400  }
0x77: {  	[sflag:s19] =	ssyncset.done $0x0  }
0x78: {  	[sflag:s19] =	ssyncadd.s32 $0xFFFFEC00  }
0x79: {  	[tilespmem:s16], [sflag:$0x1] =	stream.indirect.gather [hbm4b:s4+s21], $0x80, s18, s21, $0xb8;
	[tilespmem:$0x1E800] =	vst v63  }
0x7a: {  	_ = 	snop  }
0x7b: {  	[tilespmem:s23], [sflag:$0x2] =	stream.indirect.gather [hbm4b:s4+s21], $0x80, s22, s21, $0xb8;
	[tilespmem:$0x1E800] =	vst v63  }
0x7c: {  	_ =	swait.ge [sflag:s24], $0x4000  }
0x7d: {  	[sflag:s24] =	ssyncset.done $0x0  }
0x7e: {  	s31 =	simm.s32 $0x15400;
	[sflag:s24] =	ssyncadd.s32 $0xFFFFC000  }
0x7f: {  	[spmem:s2] =	stream.indirect.scatter.add.f32 [tilespmem:s16], [sflag:$0x4], $0x80, s31, s21, $0xb8;
	[tilespmem:$0x1E800] =	vst v63  }
0x80: {  	_ =	swait.ge [sflag:s19], $0x4000  }
0x81: {  	[sflag:s19] =	ssyncset.done $0x0  }
0x82: {  	s1 =	simm.s32 $0x14100;
	[sflag:s19] =	ssyncadd.s32 $0xFFFFC000  }
0x83: {  	[tilespmem:s16], [sflag:$0x1] =	stream.indirect.gather [hbm4b:s4+s21], $0x80, s1, s21, $0xb8;
	[tilespmem:$0x1E800] =	vst v63  }
0x84: {  	_ =	swait.ge [sflag:s25], $0x4000  }
0x85: {  	[sflag:s25] =	ssyncset.done $0x0  }
0x86: {  	s31 =	simm.s32 $0x15480;
	[sflag:s25] =	ssyncadd.s32 $0xFFFFC000  }
0x87: {  	[spmem:s2] =	stream.indirect.scatter.add.f32 [tilespmem:s23], [sflag:$0x4], $0x80, s31, s21, $0xb8;
	[tilespmem:$0x1E800] =	vst v63  }
0x88: {  	_ =	swait.ge [sflag:s19], $0x4000  }
0x89: {  	[sflag:s19] =	ssyncset.done $0x0  }
0x8a: {  	s30 =	simm.s32 $0x400;
	s0 =	simm.s32 $0x14180;
	[sflag:s19] =	ssyncadd.s32 $0xFFFFC000  }
.LBB2_6:
0x8b: {  	[tilespmem:s23], [sflag:$0x2] =	stream.indirect.gather [hbm4b:s4+s21], $0x80, s0, s21, $0xb8;
	[tilespmem:$0x1E800] =	vst v63  }
0x8c: {  	s0 =	smov.u32 s30  }
0x8d: {  	p0 =	sne.s32 s30, $0x4800;
	s30 =	sadd.s32 $0x400, s30;
	_ =	swait.ge [sflag:s24], $0x4000  }
0x8e: {  	s0 =	sshra.s32 s0, $0x2;
	[sflag:s24] =	ssyncset.done $0x0  }
0x8f: {  	s1 =	sadd.s32 $0x15400, s0;
	[sflag:s24] =	ssyncadd.s32 $0xFFFFC000  }
0x90: {  	[spmem:s2] =	stream.indirect.scatter.add.f32 [tilespmem:s16], [sflag:$0x4], $0x80, s1, s21, $0xb8;
	[tilespmem:$0x1E800] =	vst v63  }
0x91: {  	_ =	swait.ge [sflag:s19], $0x4000  }
0x92: {  	[sflag:s19] =	ssyncset.done $0x0  }
0x93: {  	s1 =	sadd.s32 $0x14100, s0;
	[sflag:s19] =	ssyncadd.s32 $0xFFFFC000  }
0x94: {  	[tilespmem:s16], [sflag:$0x1] =	stream.indirect.gather [hbm4b:s4+s21], $0x80, s1, s21, $0xb8;
	[tilespmem:$0x1E800] =	vst v63  }
0x95: {  	_ =	swait.ge [sflag:s25], $0x4000  }
0x96: {  	[sflag:s25] =	ssyncset.done $0x0  }
.Ltmp2:
0x97: {  	s1 =	sadd.s32 $0x15480, s0;
	[sflag:s25] =	ssyncadd.s32 $0xFFFFC000;
	(pc) =	sbr.rel @p0 .LBB2_6-.Ltmp2, $4  }
0x98: {  	[spmem:s2] =	stream.indirect.scatter.add.f32 [tilespmem:s23], [sflag:$0x4], $0x80, s1, s21, $0xb8;
	[tilespmem:$0x1E800] =	vst v63  }
0x99: {  	_ =	swait.ge [sflag:s19], $0x4000  }
0x9a: {  	[sflag:s19] =	ssyncset.done $0x0  }
0x9b: {  	s0 =	sadd.s32 $0x14180, s0;
	[sflag:s19] =	ssyncadd.s32 $0xFFFFC000  }
0x9c: {  	[tilespmem:s23], [sflag:$0x2] =	stream.indirect.gather [hbm4b:s4+s21], $0x80, s0, s21, $0xb8;
	[tilespmem:$0x1E800] =	vst v63  }
0x9d: {  	_ =	swait.ge [sflag:s24], $0x4000  }
0x9e: {  	[sflag:s24] =	ssyncset.done $0x0  }
0x9f: {  	[sflag:s24] =	ssyncadd.s32 $0xFFFFC000  }
0xa0: {  	[spmem:s2] =	stream.indirect.scatter.add.f32 [tilespmem:s16], [sflag:$0x4], $0x80, s26, s21, $0xb8;
	[tilespmem:$0x1E800] =	vst v63  }
0xa1: {  	_ =	swait.ge [sflag:s19], $0x4000  }
0xa2: {  	[sflag:s19] =	ssyncset.done $0x0  }
0xa3: {  	[sflag:s19] =	ssyncadd.s32 $0xFFFFC000  }
0xa4: {  	_ =	swait.ge [sflag:s25], $0x4000  }
0xa5: {  	[sflag:s25] =	ssyncset.done $0x0  }
0xa6: {  	[sflag:s25] =	ssyncadd.s32 $0xFFFFC000  }
0xa7: {  	[spmem:s2] =	stream.indirect.scatter.add.f32 [tilespmem:s23], [sflag:$0x4], $0x80, s28, s21, $0xb8;
	[tilespmem:$0x1E800] =	vst v63  }
0xa8: {  	s31 =	stileid.u32;
	_ =	swait.ge [sflag:s19], $0x4000  }
0xa9: {  	s1 =	sshrl.u32 s5, $0x3;
	s29 =	sadd.s32 $0x1, s29;
	[sflag:s19] =	ssyncset.done $0x0  }
0xaa: {  	s0 =	sshll.u32 s31, $0x6;
	p0 =	sne.s32 s29, s15;
	[sflag:s19] =	ssyncadd.s32 $0xFFFFC000  }
.Ltmp3:
0xab: {  	s0 =	sor.u32 $0x1C04, s0;
	[bflag:$0x0] =	sbarrier.arrive $0xFFFF;
	(pc) =	sbr.rel @p0 .LBB2_1-.Ltmp3, $4  }
0xac: {  	[hbm:s14], [sflag:s0] =	dma.local [spmem:s1], $0x2800  }
0xad: {  	_ =	swait.ge [sflag:s19], $0x2800  }
0xae: {  	[sflag:s19] =	ssyncset.done $0x0  }
0xaf: {  	[sflag:s19] =	ssyncadd.s32 $0xFFFFD800  }
0xb0: {  	_ =	sfence.sel $0x180000  }
0xb1: {  	[bflag:$0x0] =	sbarrier.arrive $0xFFFF  }
0xb2: {  	_ =	strace $0x9000004D  }
0xb3: {  	s0 =	stileid.u32;
	[bflag:$0x2] =	sbarrier.arrive $0xFFFF  }
0xb4: {  	p0 =	sne.s32 s0, $0x0;
	s0 =	rddreg [dreg:$0x3]  }
0xb5: {  	s0 =	sadd.s32 @!p0 $0x100000, s0  }
0xb6: {  	[sflag:s0] =	ssyncadd.tile.s32 @!p0 $0x1;
	_ =	shalt  }
.Lfunc_end2:
_tile_overlayer_lowered:
.L_overlay_start_2:
0xb7: {  	(tag) =	ssettag $0x2  }
0xb8: {  	s0 =	rddreg [dreg:$0x0];
	s2 =	stileid.u32  }
0xb9: {  	s1 =	rddreg [dreg:$0x1];
	p0 =	sne.s32 s2, $0x0  }
0xba: {  	s3 =	rddreg [dreg:$0x2];
	[bflag:$0x3] =	sbarrier.arrive $0xFFFF;
	s2 =	simm.s32 @!p0 $0x1C04  }
0xbb: {  	[timem:s3], [sflag:s2] =	dma.local @!p0 [hbm:s0], s1  }
0xbc: {  	s0 =	simm.s32 @!p0 $0x4  }
0xbd: {  	_ =	swait.ge @!p0 [sflag:s0], s1  }
0xbe: {  	s1 =	ssub.s32 @!p0 $0x0, s1;
	[sflag:s0] =	ssyncset.done @!p0 $0x0  }
0xbf: {  	[sflag:s0] =	ssyncadd.s32 @!p0 s1  }
0xc0: {  	[bflag:$0x3] =	sbarrier.arrive $0xFFFF  }
0xc1: {  	_ =	shalt  }

// kernel: kernel.9.cloned.1.call-start
scs
__scs_entry_jumppad:
0x0: {  	(pc) =	sbr.rel $0x88, $3  }
0x1: {  	(tag) =	ssettag $0x0;
	lr =	simm.s32 $0x1  }
0x2: {  	[smem:$0x3F98] =	sst lr;
	_ =	strace $0xD0000000  }
0x3: {  	_ = 	snop  }
0x4: {  	_ = 	snop  }
0x5: {  	_ = 	snop  }
0x6: {  	_ = 	snop  }
0x7: {  	_ = 	snop  }
__scs_overlays_trampoline_lowered:
0x8: {  	[smem:$0x3FA7] =	sst s0  }
0x9: {  	[smem:$0x3FA8] =	sst s1  }
0xa: {  	[smem:$0x3FA9] =	sst s2  }
0xb: {  	[smem:$0x3FAA] =	sst s3  }
0xc: {  	[smem:$0x3FAB] =	sst s4  }
0xd: {  	[smem:$0x3FAC] =	sst s5  }
0xe: {  	[smem:$0x3FAD] =	sst s6  }
0xf: {  	[smem:$0x3FAE] =	sst s7  }
0x10: {  	[smem:$0x3FAF] =	sst s8  }
0x11: {  	[smem:$0x3FB0] =	sst s9;
	s0 =	simm.s32 @!p0 $0x0  }
0x12: {  	s1 =	sld [smem:$0x3F96];
	s0 =	simm.s32 @p0 $0x1  }
0x13: {  	[smem:$0x3FB1] =	sst s0;
	s0 =	simm.s32 @!p1 $0x0  }
0x14: {  	s2 =	sld [smem:$0x3F95];
	s0 =	simm.s32 @p1 $0x1  }
0x15: {  	[smem:$0x3FB2] =	sst s0;
	s0 =	simm.s32 @!p2 $0x0  }
0x16: {  	s3 =	sld [smem:$0x3FDB];
	s0 =	simm.s32 @p2 $0x1  }
0x17: {  	s4 =	simm.s32 $0x1BF5;
	[smem:$0x3FB4] =	sst s0  }
0x18: {  	s0 =	sld [smem:$0x3F97];
	_ =	swait.ge [sflag:s4], $0x0  }
0x19: {  	s7 =	sld [smem:$0x3F98]  }
0x1a: {  	s8 =	sadd.s32 $0xFFFFE003, lr  }
0x1b: {  	s9 =	sadd.s32 $0xFFFFFEF7, lr;
	s5 =	simm.s32 $0xFFFFFFFF;
	p2 =	slt.u32 s8, $0xFFFFF086  }
0x1c: {  	p1 =	slt.u32 s9, $0xF7A;
	s5 =	simm.s32 @!p2 $0x0  }
0x1d: {  	s5 =	simm.s32 @p1 $0x1;
	p0 =	seq.s32 s7, s2  }
0x1e: {  	s7 =	smul.u32 @!p0 $0xF7A, s2;
	p2 =	seq.s32 @!p0 s5, $0x0  }
0x1f: {  	s9 =	smul.u32 $0xF7A, s1;
	s8 =	simm.s32 @!p0 $0x1BF5;
	p2 =	por !p2, p0  }
0x20: {  	[sflag:s8] =	ssyncset.s32 @!p0 $0xFFFFF086;
	s6 =	sadd.s32 @!p0 s3, s7;
	s7 =	simm.s32 @!p0 $0x108  }
0x21: {  	s3 =	sadd.s32 s3, s9;
	s6 =	sadd.s32 @!p0 $0x88, s6;
	s7 =	simm.s32 @p2 $0x1082  }
0x22: {  	[simem:s7], [sflag:s8] =	dma.local @!p0 [hbm:s6], $0xF7A  }
0x23: {  	s9 =	sor.u32 $0xD0000000, s2;
	s6 =	simm.s32 $0x108;
	_ =	swait.ge @!p0 [sflag:s8], $0x0  }
0x24: {  	s3 =	sadd.s32 $0x88, s3;
	s6 =	simm.s32 @!p1 $0x1082;
	[sflag:s4] =	ssyncset.s32 $0xFFFFF086  }
0x25: {  	[simem:s6], [sflag:s4] =	dma.local [hbm:s3], $0xF7A  }
0x26: {  	[smem:$0x3F98] =	sst s1;
	(tag) =	ssettag s2;
	_ =	strace s9  }
0x27: {  	s1 =	sld [smem:$0x3FA8]  }
0x28: {  	s2 =	sld [smem:$0x3FA9]  }
0x29: {  	s4 =	sld [smem:$0x3FAB]  }
0x2a: {  	p0 =	seq.s32 s5, $0x0;
	s5 =	sld [smem:$0x3FAC]  }
0x2b: {  	s6 =	sld [smem:$0x3FAD]  }
0x2c: {  	s7 =	sld [smem:$0x3FAE]  }
0x2d: {  	s3 =	simm.s32 $0x108;
	s8 =	sld [smem:$0x3FAF]  }
0x2e: {  	s3 =	simm.s32 @!p0 $0x1082;
	s9 =	sld [smem:$0x3FB0]  }
0x2f: {  	lr =	sadd.s32 s0, s3;
	s0 =	sld [smem:$0x3FA7]  }
0x30: {  	s3 =	sld [smem:$0x3FAA]  }
0x31: {  	[smem:$0x3FB3] =	sst s10  }
0x32: {  	s10 =	sld [smem:$0x3FB1];
	_ =	sdelay $0x3  }
0x33: {  	p0 =	seq.s32 s10, $0x1;
	s10 =	sld [smem:$0x3FB3];
	_ =	sdelay $0x3  }
0x34: {  	[smem:$0x3FB3] =	sst s10  }
0x35: {  	s10 =	sld [smem:$0x3FB2];
	_ =	sdelay $0x3  }
0x36: {  	p1 =	seq.s32 s10, $0x1;
	s10 =	sld [smem:$0x3FB3];
	_ =	sdelay $0x3  }
0x37: {  	[smem:$0x3FB3] =	sst s10  }
0x38: {  	s10 =	sld [smem:$0x3FB4]  }
0x39: {  	_ = 	snop;
	(pc) =	sbr.ind lr, $3  }
0x3a: {  	_ = 	snop  }
0x3b: {  	_ = 	snop  }
0x3c: {  	p2 =	seq.s32 s10, $0x1;
	s10 =	sld [smem:$0x3FB3]  }
0x3d: {  	_ =	shalt  }
0x3e: {  	_ =	shalt  }
0x3f: {  	_ =	shalt  }
0x40: {  	_ =	shalt  }
0x41: {  	_ =	shalt  }
0x42: {  	_ =	shalt  }
0x43: {  	_ =	shalt  }
0x44: {  	_ =	shalt  }
0x45: {  	_ =	shalt  }
0x46: {  	_ =	shalt  }
0x47: {  	_ =	shalt  }
0x48: {  	_ =	shalt  }
0x49: {  	_ =	shalt  }
0x4a: {  	_ =	shalt  }
0x4b: {  	_ =	shalt  }
0x4c: {  	_ =	shalt  }
0x4d: {  	_ =	shalt  }
0x4e: {  	_ =	shalt  }
0x4f: {  	_ =	shalt  }
0x50: {  	_ =	shalt  }
0x51: {  	_ =	shalt  }
0x52: {  	_ =	shalt  }
0x53: {  	_ =	shalt  }
0x54: {  	_ =	shalt  }
0x55: {  	_ =	shalt  }
0x56: {  	_ =	shalt  }
0x57: {  	_ =	shalt  }
0x58: {  	_ =	shalt  }
0x59: {  	_ =	shalt  }
0x5a: {  	_ =	shalt  }
0x5b: {  	_ =	shalt  }
0x5c: {  	_ =	shalt  }
0x5d: {  	_ =	shalt  }
0x5e: {  	_ =	shalt  }
0x5f: {  	_ =	shalt  }
0x60: {  	_ =	shalt  }
0x61: {  	_ =	shalt  }
0x62: {  	_ =	shalt  }
0x63: {  	_ =	shalt  }
0x64: {  	_ =	shalt  }
0x65: {  	_ =	shalt  }
0x66: {  	_ =	shalt  }
0x67: {  	_ =	shalt  }
0x68: {  	_ =	shalt  }
0x69: {  	_ =	shalt  }
0x6a: {  	_ =	shalt  }
0x6b: {  	_ =	shalt  }
0x6c: {  	_ =	shalt  }
0x6d: {  	_ =	shalt  }
0x6e: {  	_ =	shalt  }
0x6f: {  	_ =	shalt  }
0x70: {  	_ =	shalt  }
0x71: {  	_ =	shalt  }
0x72: {  	_ =	shalt  }
0x73: {  	_ =	shalt  }
0x74: {  	_ =	shalt  }
0x75: {  	_ =	shalt  }
0x76: {  	_ =	shalt  }
0x77: {  	_ =	shalt  }
0x78: {  	_ =	shalt  }
0x79: {  	_ =	shalt  }
0x7a: {  	_ =	shalt  }
0x7b: {  	_ =	shalt  }
0x7c: {  	_ =	shalt  }
0x7d: {  	_ =	shalt  }
0x7e: {  	_ =	shalt  }
0x7f: {  	_ =	shalt  }
0x80: {  	_ =	shalt  }
0x81: {  	_ =	shalt  }
0x82: {  	_ =	shalt  }
0x83: {  	_ =	shalt  }
0x84: {  	_ =	shalt  }
0x85: {  	_ =	shalt  }
0x86: {  	_ =	shalt  }
0x87: {  	_ =	shalt  }
.Lfunc_end0:
.L_simem_size_0:
called_computation_lowered:
.L_overlay_start_0:
0x88: {  	s2 =	sld [smem:$0x3FD9]  }
0x89: {  	s3 =	sld [smem:$0x3FFE];
	_ =	sdelay $0x1  }
0x8a: {  	s1 =	srdreg.scid  }
0x8b: {  	s0 =	sand.u32 $0x1, s1  }
0x8c: {  	s17 =	sshll.u32 s0, $0xA;
	s2 =	sadd.s32 s3, s2  }
0x8d: {  	s2 =	sadd.s32 s2, s17  }
0x8e: {  	[smem:$0x3FBF] =	sst s2  }
0x8f: {  	_ = 	snop  }
0x90: {  	s2 =	sld [smem:$0x3FD0];
	(tm) =	ssettm $0x1  }
0x91: {  	s18 =	sld [smem:$0x3FFB];
	_ =	sdelay $0x3  }
0x92: {  	_ =	strace s18  }
0x93: {  	s3 =	sld [smem:$0x3FFC];
	_ =	sdelay $0x3  }
0x94: {  	_ =	strace s3  }
0x95: {  	s3 =	sld [smem:$0x3FFD];
	_ =	sdelay $0x3  }
0x96: {  	_ =	strace s3  }
0x97: {  	_ =	strace $0x8FFFFFFF  }
0x98: {  	s19 =	sld [smem:$0x3FDB];
	_ =	sdelay $0x1  }
0x99: {  	s4 =	simm.s32 $_scs_section_size  }
0x9a: {  	s5 =	simm.s32 $_size__tile_overlayer_lowered;
	s6 =	simm.s32 $_tile_overlayer_lowered  }
0x9b: {  	s22 =	simm.s32 $0x1BFF;
	s21 =	sshll.u32 s6, $0x1;
	s3 =	sadd.s32 s4, s19  }
0x9c: {  	s7 =	simm.s32 $0x0;
	s20 =	sshll.u32 s5, $0x1;
	s5 =	sadd.s32 s21, s3  }
0x9d: {  	[timem:s7], [sflag:s22] =	dma.local [hbm:s5], s20  }
0x9e: {  	_ =	swait.ge [sflag:s22], s20  }
0x9f: {  	s4 =	ssub.s32 $0x0, s20;
	[sflag:s22] =	ssyncset.done $0x0  }
0xa0: {  	[sflag:s22] =	ssyncadd.s32 s4;
	_ =	sdelay $0x1  }
0xa1: {  	s23 =	simm.s32 $0x1B8B  }
0xa2: {  	_ =	swait.ge [sflag:s23], $0x1  }
0xa3: {  	[sflag:s23] =	ssyncset.done $0x0  }
0xa4: {  	s25 =	simm.s32 $0x1B8E;
	s24 =	sld [smem:$0x3FFE];
	[sflag:s23] =	ssyncadd.s32 $0xFFFFFFFF  }
0xa5: {  	s26 =	simm.s32 $execute0_lowered;
	[smem:$0x3FD2] =	sst s25  }
0xa6: {  	s5 =	sshll.u32 s26, $0x1;
	_ =	strace $0x80000046;
	[dreg:$0x1] =	wrdreg $0xFFFFFFFF  }
0xa7: {  	s28 =	simm.s32 $_size_execute0_lowered;
	s3 =	sadd.s32 s3, s5;
	[dreg:$0x0] =	wrdreg $0x0  }
0xa8: {  	s5 =	sshll.u32 s28, $0x1;
	[dreg:$0x2] =	wrdreg s3  }
0xa9: {  	[dreg:$0x3] =	wrdreg s5  }
0xaa: {  	[dreg:$0x4] =	wrdreg $0xC0  }
0xab: {  	_ =	task [dreg:s7], $0x5FFFF  }
0xac: {  	[dreg:$0x1] =	wrdreg $0xFFFFFFFF  }
0xad: {  	[dreg:$0x0] =	wrdreg $0x60  }
0xae: {  	[dreg:$0x2] =	wrdreg s24  }
0xaf: {  	[dreg:$0x3] =	wrdreg s2  }
0xb0: {  	[dreg:$0x4] =	wrdreg $0x0  }
0xb1: {  	[dreg:$0x5] =	wrdreg $0x9  }
0xb2: {  	_ =	task.clear_ibuf [dreg:s7], $0x6FFFF;
	_ =	strace $0x90000046  }
0xb3: {  	s29 =	simm.s32 $0x9;
	_ =	strace $0x80000048  }
0xb4: {  	_ =	swait.ge [sflag:s29], $0x1  }
0xb5: {  	[sflag:s29] =	ssyncadd.s32 $0xFFFFFFFF  }
0xb6: {  	_ =	strace $0x90000048  }
0xb7: {  	_ =	sfence  }
0xb8: {  	s30 =	sld [smem:$0x0];
	_ =	sdelay $0x2  }
0xb9: {  	s31 =	sshll.u32 s1, $0xD;
	s1 =	sshrl.u32 s1, $0x2  }
0xba: {  	s3 =	sand.u32 $0x4000, s31;
	s1 =	sadd.s32 s1, s30  }
0xbb: {  	s0 =	sor.u32 s3, s0;
	s1 =	sshll.u32 s1, $0x11  }
0xbc: {  	s0 =	sor.u32 s1, s0  }
0xbd: {  	s0 =	sadd.s32 $0x8F2B, s0  }
0xbe: {  	[sflag:s0] =	ssyncadd.remote.s32 $0x1  }
0xbf: {  	_ =	sfence.sel $0xFFFF  }
0xc0: {  	[dreg:$0x0] =	wrdreg $0xFFFFFFFF;
	(pc) =	sbr.abs _section_cstart, $3  }
0xc1: {  	[dreg:$0x1] =	wrdreg $0xFFFFFFFF  }
0xc2: {  	_ =	task.clear_ibuf [dreg:s7], $0x2FFFF;
	_ =	strace $0x9FFFFFFF  }
0xc3: {  	(tm) =	ssettm $0x7FFFFFFF  }
tec
execute0_lowered:
.L_overlay_start_1:
0x0: {  	(tag) =	ssettag $0x1  }
0x1: {  	s0 =	rddreg [dreg:$0x0]  }
0x2: {  	s12 =	rddreg [dreg:$0x1]  }
0x3: {  	s2 =	rddreg [dreg:$0x2];
	s4 =	srdreg.scid  }
0x4: {  	s1 =	stileid.u32;
	s3 =	simm.s32 $0x0;
	s16 =	simm.s32 $0x16800  }
0x5: {  	s17 =	simm.s32 $0x3;
	s18 =	simm.s32 $0x14000;
	s19 =	simm.s32 $0x4  }
0x6: {  	s20 =	simm.s32 $0x15400;
	s21 =	simm.s32 $0x80;
	s22 =	simm.s32 $0x14080  }
0x7: {  	s23 =	simm.s32 $0x1A800;
	s24 =	simm.s32 $0x1;
	s25 =	simm.s32 $0x2  }
0x8: {  	s28 =	simm.s32 $0x16780;
	s29 =	simm.s32 $0x0;
	s6 =	smul.u32 $0x2800, s1  }
0x9: {  	s5 =	sand.u32 $0x1, s4;
	[smem:$0x7FF] =	sst s3;
	s8 =	smul.u32 $0x50000, s1  }
0xa: {  	s4 =	sadd.s32 $0x2E00, s0;
	s13 =	sadd.s32 $0x2A000, s0;
	s7 =	smul.u32 $0x28000, s5  }
0xb: {  	_ =	strace $0x80000047;
	s26 =	sshll.u32 s5, $0x4;
	s9 =	ssub.s32 $0x2, s5  }
0xc: {  	s30 =	sshrl.u32 s8, $0x2;
	s31 =	sshrl.u32 s9, $0x1;
	s6 =	sadd.s32 s6, s7  }
0xd: {  	s7 =	sor.u32 s1, s26;
	s5 =	sadd.s32 s30, s2;
	s15 =	ssub.s32 s9, s31  }
0xe: {  	s26 =	simm.s32 $0x16700;
	s10 =	smul.u32 $0x2800, s7;
	s0 =	sadd.s32 s6, s0  }
0xf: {  	s6 =	sadd.s32 $0x4000, s5;
	s7 =	sadd.s32 $0x8000, s5;
	s8 =	sadd.s32 $0xC000, s5  }
0x10: {  	s9 =	sadd.s32 $0x10000, s5;
	s15 =	smax.u32 s15, $0x1;
	s11 =	sshrl.u32 s10, $0x3  }
0x11: {  	s10 =	sadd.s32 s12, s11;
	s14 =	sadd.s32 $0x280, s11;
	s11 =	sadd.s32 s13, s11  }
0x12: {  	v0 =	vimm.f32 $0.0e+00;
	s12 =	sadd.s32 s12, s14;
	s13 =	sadd.s32 s13, s14;
	s14 =	sadd.s32 $0x34000, s0  }
.LBB2_1:
0x13: {  	s0 =	sand.u32 $0xFE00, s3  }
0x14: {  	s31 =	sand.u32 $0x70, s3;
	s0 =	sshrl.u32 s0, $0x2  }
0x15: {  	s30 =	simm.s32 $0x40;
	s0 =	sor.u32 s31, s0;
	s31 =	simm.s32 $0x0  }
.LBB2_2:
0x16: {  	p0 =	sne.s32 s30, $0xFFC0  }
0x17: {  	[tilespmem:s0+$0x16800] =	vst v0;
	s31 =	sadd.s32 $0x10, s31;
	s0 =	smov.u32 s30;
	s30 =	sadd.s32 $0x40, s30  }
.Ltmp0:
0x18: {  	(pc) =	sbr.rel @p0 .LBB2_2-.Ltmp0, $4  }
0x19: {  	_ = 	snop  }
0x1a: {  	s0 =	sand.u32 $0xFE00, s0  }
0x1b: {  	s1 =	sand.u32 $0x70, s31;
	s0 =	sshrl.u32 s0, $0x2  }
0x1c: {  	s0 =	sor.u32 s1, s0  }
0x1d: {  	[tilespmem:s0+$0x16800] =	vst v0  }
0x1e: {  	[spmem:s5] =	stream.linear.scatter [tilespmem:s16], [sflag:$0x3], $0x4000, $0x38;
	[tilespmem:$0x1E800] =	vst v63  }
0x1f: {  	_ = 	snop  }
0x20: {  	[spmem:s6] =	stream.linear.scatter [tilespmem:s16], [sflag:$0x3], $0x4000, $0x38;
	[tilespmem:$0x1E800] =	vst v63  }
0x21: {  	_ = 	snop  }
0x22: {  	[spmem:s7] =	stream.linear.scatter [tilespmem:s16], [sflag:$0x3], $0x4000, $0x38;
	[tilespmem:$0x1E800] =	vst v63  }
0x23: {  	_ = 	snop  }
0x24: {  	[spmem:s8] =	stream.linear.scatter [tilespmem:s16], [sflag:$0x3], $0x4000, $0x38;
	[tilespmem:$0x1E800] =	vst v63  }
0x25: {  	_ = 	snop  }
0x26: {  	[spmem:s9] =	stream.linear.scatter [tilespmem:s16], [sflag:$0x3], $0x4000, $0x38;
	[tilespmem:$0x1E800] =	vst v63  }
0x27: {  	_ =	swait.ge [sflag:s17], $0x4000  }
0x28: {  	[sflag:s17] =	ssyncset.done $0x0  }
0x29: {  	[sflag:s17] =	ssyncadd.s32 $0xFFFFC000  }
0x2a: {  	_ =	swait.ge [sflag:s17], $0x4000  }
0x2b: {  	[sflag:s17] =	ssyncset.done $0x0  }
0x2c: {  	[sflag:s17] =	ssyncadd.s32 $0xFFFFC000  }
0x2d: {  	_ =	swait.ge [sflag:s17], $0x4000  }
0x2e: {  	[sflag:s17] =	ssyncset.done $0x0  }
0x2f: {  	[sflag:s17] =	ssyncadd.s32 $0xFFFFC000  }
0x30: {  	_ =	swait.ge [sflag:s17], $0x4000  }
0x31: {  	[sflag:s17] =	ssyncset.done $0x0  }
0x32: {  	[sflag:s17] =	ssyncadd.s32 $0xFFFFC000  }
0x33: {  	_ =	swait.ge [sflag:s17], $0x4000  }
0x34: {  	[sflag:s17] =	ssyncset.done $0x0  }
0x35: {  	[sflag:s17] =	ssyncadd.s32 $0xFFFFC000  }
0x36: {  	s1 =	simm.s32 $0x0;
	[bflag:$0x0] =	sbarrier.arrive $0xFFFF  }
0x37: {  	[tilespmem:s18], [sflag:$0x4] =	stream.linear.gather [hbm4b:s10+s1], $0x1400, $0x38;
	[tilespmem:$0x1E800] =	vst v63  }
0x38: {  	_ =	swait.ge [sflag:s19], $0x1400  }
0x39: {  	[sflag:s19] =	ssyncset.done $0x0  }
0x3a: {  	[sflag:s19] =	ssyncadd.s32 $0xFFFFEC00  }
0x3b: {  	[tilespmem:s20], [sflag:$0x4] =	stream.linear.gather [hbm4b:s11+s1], $0x1400, $0x38;
	[tilespmem:$0x1E800] =	vst v63  }
0x3c: {  	_ =	swait.ge [sflag:s19], $0x1400  }
0x3d: {  	[sflag:s19] =	ssyncset.done $0x0  }
0x3e: {  	[sflag:s19] =	ssyncadd.s32 $0xFFFFEC00  }
0x3f: {  	[tilespmem:s16], [sflag:$0x1] =	stream.indirect.gather [hbm4b:s4+s21], $0x80, s18, s21, $0xb8;
	[tilespmem:$0x1E800] =	vst v63  }
0x40: {  	_ = 	snop  }
0x41: {  	[tilespmem:s23], [sflag:$0x2] =	stream.indirect.gather [hbm4b:s4+s21], $0x80, s22, s21, $0xb8;
	[tilespmem:$0x1E800] =	vst v63  }
0x42: {  	_ =	swait.ge [sflag:s24], $0x4000  }
0x43: {  	[sflag:s24] =	ssyncset.done $0x0  }
0x44: {  	s31 =	simm.s32 $0x15400;
	[sflag:s24] =	ssyncadd.s32 $0xFFFFC000  }
0x45: {  	[spmem:s2] =	stream.indirect.scatter.add.f32 [tilespmem:s16], [sflag:$0x4], $0x80, s31, s21, $0xb8;
	[tilespmem:$0x1E800] =	vst v63  }
0x46: {  	_ =	swait.ge [sflag:s19], $0x4000  }
0x47: {  	[sflag:s19] =	ssyncset.done $0x0  }
0x48: {  	s1 =	simm.s32 $0x14100;
	[sflag:s19] =	ssyncadd.s32 $0xFFFFC000  }
0x49: {  	[tilespmem:s16], [sflag:$0x1] =	stream.indirect.gather [hbm4b:s4+s21], $0x80, s1, s21, $0xb8;
	[tilespmem:$0x1E800] =	vst v63  }
0x4a: {  	_ =	swait.ge [sflag:s25], $0x4000  }
0x4b: {  	[sflag:s25] =	ssyncset.done $0x0  }
0x4c: {  	s31 =	simm.s32 $0x15480;
	[sflag:s25] =	ssyncadd.s32 $0xFFFFC000  }
0x4d: {  	[spmem:s2] =	stream.indirect.scatter.add.f32 [tilespmem:s23], [sflag:$0x4], $0x80, s31, s21, $0xb8;
	[tilespmem:$0x1E800] =	vst v63  }
0x4e: {  	_ =	swait.ge [sflag:s19], $0x4000  }
0x4f: {  	[sflag:s19] =	ssyncset.done $0x0  }
0x50: {  	s30 =	simm.s32 $0x400;
	s0 =	simm.s32 $0x14180;
	[sflag:s19] =	ssyncadd.s32 $0xFFFFC000  }
.LBB2_4:
0x51: {  	[tilespmem:s23], [sflag:$0x2] =	stream.indirect.gather [hbm4b:s4+s21], $0x80, s0, s21, $0xb8;
	[tilespmem:$0x1E800] =	vst v63  }
0x52: {  	s0 =	smov.u32 s30  }
0x53: {  	p0 =	sne.s32 s30, $0x4800;
	s30 =	sadd.s32 $0x400, s30;
	_ =	swait.ge [sflag:s24], $0x4000  }
0x54: {  	s0 =	sshra.s32 s0, $0x2;
	[sflag:s24] =	ssyncset.done $0x0  }
0x55: {  	s1 =	sadd.s32 $0x15400, s0;
	[sflag:s24] =	ssyncadd.s32 $0xFFFFC000  }
0x56: {  	[spmem:s2] =	stream.indirect.scatter.add.f32 [tilespmem:s16], [sflag:$0x4], $0x80, s1, s21, $0xb8;
	[tilespmem:$0x1E800] =	vst v63  }
0x57: {  	_ =	swait.ge [sflag:s19], $0x4000  }
0x58: {  	[sflag:s19] =	ssyncset.done $0x0  }
0x59: {  	s1 =	sadd.s32 $0x14100, s0;
	[sflag:s19] =	ssyncadd.s32 $0xFFFFC000  }
0x5a: {  	[tilespmem:s16], [sflag:$0x1] =	stream.indirect.gather [hbm4b:s4+s21], $0x80, s1, s21, $0xb8;
	[tilespmem:$0x1E800] =	vst v63  }
0x5b: {  	_ =	swait.ge [sflag:s25], $0x4000  }
0x5c: {  	[sflag:s25] =	ssyncset.done $0x0  }
.Ltmp1:
0x5d: {  	s1 =	sadd.s32 $0x15480, s0;
	[sflag:s25] =	ssyncadd.s32 $0xFFFFC000;
	(pc) =	sbr.rel @p0 .LBB2_4-.Ltmp1, $4  }
0x5e: {  	[spmem:s2] =	stream.indirect.scatter.add.f32 [tilespmem:s23], [sflag:$0x4], $0x80, s1, s21, $0xb8;
	[tilespmem:$0x1E800] =	vst v63  }
0x5f: {  	_ =	swait.ge [sflag:s19], $0x4000  }
0x60: {  	[sflag:s19] =	ssyncset.done $0x0  }
0x61: {  	s0 =	sadd.s32 $0x14180, s0;
	[sflag:s19] =	ssyncadd.s32 $0xFFFFC000  }
0x62: {  	[tilespmem:s23], [sflag:$0x2] =	stream.indirect.gather [hbm4b:s4+s21], $0x80, s0, s21, $0xb8;
	[tilespmem:$0x1E800] =	vst v63  }
0x63: {  	_ =	swait.ge [sflag:s24], $0x4000  }
0x64: {  	[sflag:s24] =	ssyncset.done $0x0  }
0x65: {  	[sflag:s24] =	ssyncadd.s32 $0xFFFFC000  }
0x66: {  	[spmem:s2] =	stream.indirect.scatter.add.f32 [tilespmem:s16], [sflag:$0x4], $0x80, s26, s21, $0xb8;
	[tilespmem:$0x1E800] =	vst v63  }
0x67: {  	_ =	swait.ge [sflag:s19], $0x4000  }
0x68: {  	[sflag:s19] =	ssyncset.done $0x0  }
0x69: {  	[sflag:s19] =	ssyncadd.s32 $0xFFFFC000  }
0x6a: {  	_ =	swait.ge [sflag:s25], $0x4000  }
0x6b: {  	[sflag:s25] =	ssyncset.done $0x0  }
0x6c: {  	[sflag:s25] =	ssyncadd.s32 $0xFFFFC000  }
0x6d: {  	[spmem:s2] =	stream.indirect.scatter.add.f32 [tilespmem:s23], [sflag:$0x4], $0x80, s28, s21, $0xb8;
	[tilespmem:$0x1E800] =	vst v63  }
0x6e: {  	_ =	swait.ge [sflag:s19], $0x4000  }
0x6f: {  	[sflag:s19] =	ssyncset.done $0x0  }
0x70: {  	s1 =	simm.s32 $0x0;
	[sflag:s19] =	ssyncadd.s32 $0xFFFFC000  }
0x71: {  	[tilespmem:s18], [sflag:$0x4] =	stream.linear.gather [hbm4b:s12+s1], $0x1400, $0x38;
	[tilespmem:$0x1E800] =	vst v63  }
0x72: {  	_ =	swait.ge [sflag:s19], $0x1400  }
0x73: {  	[sflag:s19] =	ssyncset.done $0x0  }
0x74: {  	[sflag:s19] =	ssyncadd.s32 $0xFFFFEC00  }
0x75: {  	[tilespmem:s20], [sflag:$0x4] =	stream.linear.gather [hbm4b:s13+s1], $0x1400, $0x38;
	[tilespmem:$0x1E800] =	vst v63  }
0x76: {  	_ =	swait.ge [sflag:s19], $0x1400  }
0x77: {  	[sflag:s19] =	ssyncset.done $0x0  }
0x78: {  	[sflag:s19] =	ssyncadd.s32 $0xFFFFEC00  }
0x79: {  	[tilespmem:s16], [sflag:$0x1] =	stream.indirect.gather [hbm4b:s4+s21], $0x80, s18, s21, $0xb8;
	[tilespmem:$0x1E800] =	vst v63  }
0x7a: {  	_ = 	snop  }
0x7b: {  	[tilespmem:s23], [sflag:$0x2] =	stream.indirect.gather [hbm4b:s4+s21], $0x80, s22, s21, $0xb8;
	[tilespmem:$0x1E800] =	vst v63  }
0x7c: {  	_ =	swait.ge [sflag:s24], $0x4000  }
0x7d: {  	[sflag:s24] =	ssyncset.done $0x0  }
0x7e: {  	s31 =	simm.s32 $0x15400;
	[sflag:s24] =	ssyncadd.s32 $0xFFFFC000  }
0x7f: {  	[spmem:s2] =	stream.indirect.scatter.add.f32 [tilespmem:s16], [sflag:$0x4], $0x80, s31, s21, $0xb8;
	[tilespmem:$0x1E800] =	vst v63  }
0x80: {  	_ =	swait.ge [sflag:s19], $0x4000  }
0x81: {  	[sflag:s19] =	ssyncset.done $0x0  }
0x82: {  	s1 =	simm.s32 $0x14100;
	[sflag:s19] =	ssyncadd.s32 $0xFFFFC000  }
0x83: {  	[tilespmem:s16], [sflag:$0x1] =	stream.indirect.gather [hbm4b:s4+s21], $0x80, s1, s21, $0xb8;
	[tilespmem:$0x1E800] =	vst v63  }
0x84: {  	_ =	swait.ge [sflag:s25], $0x4000  }
0x85: {  	[sflag:s25] =	ssyncset.done $0x0  }
0x86: {  	s31 =	simm.s32 $0x15480;
	[sflag:s25] =	ssyncadd.s32 $0xFFFFC000  }
0x87: {  	[spmem:s2] =	stream.indirect.scatter.add.f32 [tilespmem:s23], [sflag:$0x4], $0x80, s31, s21, $0xb8;
	[tilespmem:$0x1E800] =	vst v63  }
0x88: {  	_ =	swait.ge [sflag:s19], $0x4000  }
0x89: {  	[sflag:s19] =	ssyncset.done $0x0  }
0x8a: {  	s30 =	simm.s32 $0x400;
	s0 =	simm.s32 $0x14180;
	[sflag:s19] =	ssyncadd.s32 $0xFFFFC000  }
.LBB2_6:
0x8b: {  	[tilespmem:s23], [sflag:$0x2] =	stream.indirect.gather [hbm4b:s4+s21], $0x80, s0, s21, $0xb8;
	[tilespmem:$0x1E800] =	vst v63  }
0x8c: {  	s0 =	smov.u32 s30  }
0x8d: {  	p0 =	sne.s32 s30, $0x4800;
	s30 =	sadd.s32 $0x400, s30;
	_ =	swait.ge [sflag:s24], $0x4000  }
0x8e: {  	s0 =	sshra.s32 s0, $0x2;
	[sflag:s24] =	ssyncset.done $0x0  }
0x8f: {  	s1 =	sadd.s32 $0x15400, s0;
	[sflag:s24] =	ssyncadd.s32 $0xFFFFC000  }
0x90: {  	[spmem:s2] =	stream.indirect.scatter.add.f32 [tilespmem:s16], [sflag:$0x4], $0x80, s1, s21, $0xb8;
	[tilespmem:$0x1E800] =	vst v63  }
0x91: {  	_ =	swait.ge [sflag:s19], $0x4000  }
0x92: {  	[sflag:s19] =	ssyncset.done $0x0  }
0x93: {  	s1 =	sadd.s32 $0x14100, s0;
	[sflag:s19] =	ssyncadd.s32 $0xFFFFC000  }
0x94: {  	[tilespmem:s16], [sflag:$0x1] =	stream.indirect.gather [hbm4b:s4+s21], $0x80, s1, s21, $0xb8;
	[tilespmem:$0x1E800] =	vst v63  }
0x95: {  	_ =	swait.ge [sflag:s25], $0x4000  }
0x96: {  	[sflag:s25] =	ssyncset.done $0x0  }
.Ltmp2:
0x97: {  	s1 =	sadd.s32 $0x15480, s0;
	[sflag:s25] =	ssyncadd.s32 $0xFFFFC000;
	(pc) =	sbr.rel @p0 .LBB2_6-.Ltmp2, $4  }
0x98: {  	[spmem:s2] =	stream.indirect.scatter.add.f32 [tilespmem:s23], [sflag:$0x4], $0x80, s1, s21, $0xb8;
	[tilespmem:$0x1E800] =	vst v63  }
0x99: {  	_ =	swait.ge [sflag:s19], $0x4000  }
0x9a: {  	[sflag:s19] =	ssyncset.done $0x0  }
0x9b: {  	s0 =	sadd.s32 $0x14180, s0;
	[sflag:s19] =	ssyncadd.s32 $0xFFFFC000  }
0x9c: {  	[tilespmem:s23], [sflag:$0x2] =	stream.indirect.gather [hbm4b:s4+s21], $0x80, s0, s21, $0xb8;
	[tilespmem:$0x1E800] =	vst v63  }
0x9d: {  	_ =	swait.ge [sflag:s24], $0x4000  }
0x9e: {  	[sflag:s24] =	ssyncset.done $0x0  }
0x9f: {  	[sflag:s24] =	ssyncadd.s32 $0xFFFFC000  }
0xa0: {  	[spmem:s2] =	stream.indirect.scatter.add.f32 [tilespmem:s16], [sflag:$0x4], $0x80, s26, s21, $0xb8;
	[tilespmem:$0x1E800] =	vst v63  }
0xa1: {  	_ =	swait.ge [sflag:s19], $0x4000  }
0xa2: {  	[sflag:s19] =	ssyncset.done $0x0  }
0xa3: {  	[sflag:s19] =	ssyncadd.s32 $0xFFFFC000  }
0xa4: {  	_ =	swait.ge [sflag:s25], $0x4000  }
0xa5: {  	[sflag:s25] =	ssyncset.done $0x0  }
0xa6: {  	[sflag:s25] =	ssyncadd.s32 $0xFFFFC000  }
0xa7: {  	[spmem:s2] =	stream.indirect.scatter.add.f32 [tilespmem:s23], [sflag:$0x4], $0x80, s28, s21, $0xb8;
	[tilespmem:$0x1E800] =	vst v63  }
0xa8: {  	s31 =	stileid.u32;
	_ =	swait.ge [sflag:s19], $0x4000  }
0xa9: {  	s1 =	sshrl.u32 s5, $0x3;
	s29 =	sadd.s32 $0x1, s29;
	[sflag:s19] =	ssyncset.done $0x0  }
0xaa: {  	s0 =	sshll.u32 s31, $0x6;
	p0 =	sne.s32 s29, s15;
	[sflag:s19] =	ssyncadd.s32 $0xFFFFC000  }
.Ltmp3:
0xab: {  	s0 =	sor.u32 $0x1C04, s0;
	[bflag:$0x0] =	sbarrier.arrive $0xFFFF;
	(pc) =	sbr.rel @p0 .LBB2_1-.Ltmp3, $4  }
0xac: {  	[hbm:s14], [sflag:s0] =	dma.local [spmem:s1], $0x2800  }
0xad: {  	_ =	swait.ge [sflag:s19], $0x2800  }
0xae: {  	[sflag:s19] =	ssyncset.done $0x0  }
0xaf: {  	[sflag:s19] =	ssyncadd.s32 $0xFFFFD800  }
0xb0: {  	_ =	sfence.sel $0x180000  }
0xb1: {  	[bflag:$0x0] =	sbarrier.arrive $0xFFFF  }
0xb2: {  	_ =	strace $0x90000047  }
0xb3: {  	s0 =	stileid.u32;
	[bflag:$0x2] =	sbarrier.arrive $0xFFFF  }
0xb4: {  	p0 =	sne.s32 s0, $0x0;
	s0 =	rddreg [dreg:$0x3]  }
0xb5: {  	s0 =	sadd.s32 @!p0 $0x100000, s0  }
0xb6: {  	[sflag:s0] =	ssyncadd.tile.s32 @!p0 $0x1;
	_ =	shalt  }
.Lfunc_end2:
_tile_overlayer_lowered:
.L_overlay_start_2:
0xb7: {  	(tag) =	ssettag $0x2  }
0xb8: {  	s0 =	rddreg [dreg:$0x0];
	s2 =	stileid.u32  }
0xb9: {  	s1 =	rddreg [dreg:$0x1];
	p0 =	sne.s32 s2, $0x0  }
0xba: {  	s3 =	rddreg [dreg:$0x2];
	[bflag:$0x3] =	sbarrier.arrive $0xFFFF;
	s2 =	simm.s32 @!p0 $0x1C04  }
0xbb: {  	[timem:s3], [sflag:s2] =	dma.local @!p0 [hbm:s0], s1  }
0xbc: {  	s0 =	simm.s32 @!p0 $0x4  }
0xbd: {  	_ =	swait.ge @!p0 [sflag:s0], s1  }
0xbe: {  	s1 =	ssub.s32 @!p0 $0x0, s1;
	[sflag:s0] =	ssyncset.done @!p0 $0x0  }
0xbf: {  	[sflag:s0] =	ssyncadd.s32 @!p0 s1  }
0xc0: {  	[bflag:$0x3] =	sbarrier.arrive $0xFFFF  }
0xc1: {  	_ =	shalt  }

</sc_bundles>
